<compile_context>
chip_gen: v7x
topology: tpu7x:2x2x1
jax: 0.10.2.dev20260603
libtpu: 0.0.44.dev20260713+nightly
codegen_flags: <defaults>
</compile_context>

<pallas_src>
import jax
import jax.numpy as jnp
from jax import lax
from jax.experimental import pallas as pl
from jax.experimental.pallas import tpu as pltpu
from jax.experimental.pallas import tpu_sc as plsc

_B = 64
_T = 262144
_NS = 2048
_NC = 2
_NSUB = 16
_NW = _NC * _NSUB
_ROWS_PER_W = _B // _NW
_SPAN = _ROWS_PER_W * _T
_CH = 32768
_NCHUNK = _SPAN // _CH
_CH_PER_ROW = _T // _CH
_NBUF = 3
_AHEAD = 2


def _scatter_chunk(buf, idx_v, idx_base, lo):
    zeros16 = jnp.zeros((16,), jnp.float32)
    lo_v = jnp.full((16,), lo, jnp.int32)
    hi_v = jnp.full((16,), _CH, jnp.uint32)

    def body(k, carry):
        iv = idx_v[pl.ds(idx_base + k * 16, 16)]
        t = iv - lo_v
        m = plsc.bitcast(t, jnp.uint32) < hi_v
        plsc.store_scatter(buf, [t], zeros16, mask=m)
        return carry

    lax.fori_loop(0, _NS // 16, body, 0, unroll=8)


def _sc_body(x_hbm, idx_hbm, out_hbm, bufs, idx_v, rsem, wsem, isem):
    wid = lax.axis_index("s") * _NC + lax.axis_index("c")
    base = wid * _SPAN

    idx_cp = pltpu.async_copy(
        idx_hbm.at[pl.ds(wid * _ROWS_PER_W * _NS, _ROWS_PER_W * _NS)],
        idx_v, isem)

    rd, wr = {}, {}

    def read(k):
        rd[k] = pltpu.async_copy(
            x_hbm.at[pl.ds(base + k * _CH, _CH)], bufs[k % _NBUF], rsem)

    for k in range(_AHEAD):
        read(k)
    for c in range(_NCHUNK):
        k = c + _AHEAD
        if k < _NCHUNK:
            if k >= _NBUF:
                wr.pop(k - _NBUF).wait()
            read(k)
        rd.pop(c).wait()
        if c == 0:
            idx_cp.wait()
        _scatter_chunk(bufs[c % _NBUF], idx_v,
                       (c // _CH_PER_ROW) * _NS, (c % _CH_PER_ROW) * _CH)
        wr[c] = pltpu.async_copy(
            bufs[c % _NBUF], out_hbm.at[pl.ds(base + c * _CH, _CH)], wsem)
    for c in sorted(wr):
        wr.pop(c).wait()


@jax.jit
def _sc_cut(x2, idx2):
    mesh = plsc.VectorSubcoreMesh(
        core_axis_name="c", subcore_axis_name="s",
        num_cores=_NC, num_subcores=_NSUB,
    )

    def body(x_hbm, idx_hbm, out_hbm, *rest):
        bufs, (idx_v, rsem, wsem, isem) = rest[:_NBUF], rest[_NBUF:]
        _sc_body(x_hbm, idx_hbm, out_hbm, bufs, idx_v, rsem, wsem, isem)

    return pl.kernel(
        body,
        out_type=jax.ShapeDtypeStruct((_B * _T,), jnp.float32),
        mesh=mesh,
        compiler_params=pltpu.CompilerParams(needs_layout_passes=False),
        scratch_types=(
            [pltpu.VMEM((_CH,), jnp.float32) for _ in range(_NBUF)]
            + [
                pltpu.VMEM((_ROWS_PER_W * _NS,), jnp.int32),
                pltpu.SemaphoreType.DMA,
                pltpu.SemaphoreType.DMA,
                pltpu.SemaphoreType.DMA,
            ]
        ),
    )(x2, idx2)


def kernel(x, idx):
    Bb, Tt, Cc = x.shape
    out = _sc_cut(x.reshape(Bb * Tt), idx.reshape(Bb * _NS))
    return out.reshape(Bb, Tt, Cc)

# --- scband reference (transcript-rebuilt; emitter-appended) ---
"""Pipeline reference for scband-cutting-samples-72825465471258 (READ-ONLY COPY).

The authoritative reference and input builder live on the scoring server;
editing this copy changes nothing except your own understanding.
"""

import jax, jax.numpy as jnp
import numpy as np

B = 64
T = 262144
C = 1
NUM_SAMPLES = 2048


def setup_inputs(seed: int = 0) -> dict:
    key = jax.random.key(seed)
    k1, k2 = jax.random.split(key)
    x = jax.random.normal(k1, (B, T, C), dtype=jnp.float32)
    # The original layer draws these indices internally with tf.random.uniform.
    # We materialize them here so the reference is deterministic. prob=100 in
    # init_kwargs forces the tf.cond to always take the _cut branch.
    idx = jax.random.randint(k2, (B, NUM_SAMPLES), 0, T, dtype=jnp.int32)
    return {"x": x, "idx": idx}


def reference(x, idx):
    Bb, Tt, Cc = x.shape  # Cc == 1, matching the original layer's reshape to (B, T, 1)
    mask = jnp.ones_like(x)
    flat = mask.reshape(-1)  # length B*T since C == 1
    coef = (jnp.arange(Bb, dtype=idx.dtype)[:, None] * Tt + idx).reshape(-1)
    # tf.tensor_scatter_nd_update with zeros -> scatter-overwrite
    flat = flat.at[coef].set(jnp.float32(0.0))
    mask = flat.reshape(Bb, Tt, 1)
    return x * mask

if __name__ == "__main__":
    import jax
    _d = setup_inputs()
    print(jax.jit(kernel)(*tuple(_d.values())))

</pallas_src>

<mosaic_0001>
#map = affine_map<(d0, d1) -> (0)>
module attributes {stable_mosaic.version = 14 : i64} {
  func.func @body(%arg0: i32, %arg1: i32, %arg2: memref<16777216xf32, #tpu.memory_space<hbm>>, %arg3: memref<131072xi32, #tpu.memory_space<hbm>>, %arg4: memref<16777216xf32, #tpu.memory_space<hbm>>, %arg5: memref<32768xf32, #tpu.memory_space<vmem>>, %arg6: memref<32768xf32, #tpu.memory_space<vmem>>, %arg7: memref<32768xf32, #tpu.memory_space<vmem>>, %arg8: memref<4096xi32, #tpu.memory_space<vmem>>, %arg9: memref<!tpu.dma_semaphore, #tpu.memory_space<semaphore_mem>>, %arg10: memref<!tpu.dma_semaphore, #tpu.memory_space<semaphore_mem>>, %arg11: memref<!tpu.dma_semaphore, #tpu.memory_space<semaphore_mem>>) attributes {dimension_semantics = [#tpu.dimension_semantics<core_parallel>, #tpu.dimension_semantics<subcore_parallel>], iteration_bounds = array<i64: 2, 16>, scalar_prefetch = 0 : i64, scratch_operands = 7 : i64, tpu.core_type = #tpu.core_type<sc_vector_subcore>, window_params = [{transform_indices = #map}, {transform_indices = #map}, {transform_indices = #map}]} {
    %mul3A = arith.constant 2 : i32
    %mul3A_0 = arith.muli %arg1, %mul3A : i32
    %add3A = arith.addi %mul3A_0, %arg0 : i32
    %mul3A_1 = arith.constant 524288 : i32
    %mul3A_2 = arith.muli %add3A, %mul3A_1 : i32
    %mul3A_3 = arith.constant 2 : i32
    %mul3A_4 = arith.muli %add3A, %mul3A_3 : i32
    %mul3A_5 = arith.constant 2048 : i32
    %mul3A_6 = arith.muli %mul3A_4, %mul3A_5 : i32
    %dma_start3A = tpu.memref_slice %arg3[%mul3A_6] : memref<131072xi32, #tpu.memory_space<hbm>> -> memref<4096xi32, #tpu.memory_space<hbm>>
    %dma_start3A_7 = tpu.memref_slice %arg3[%mul3A_6] : memref<131072xi32, #tpu.memory_space<hbm>> -> memref<4096xi32, #tpu.memory_space<hbm>>
    tpu.enqueue_dma source(%dma_start3A_7 : memref<4096xi32, #tpu.memory_space<hbm>>) target(%arg8 : memref<4096xi32, #tpu.memory_space<vmem>>) target_semaphore(%arg11 : memref<!tpu.dma_semaphore, #tpu.memory_space<semaphore_mem>>)
    %add3A_8 = arith.constant 0 : i32
    %add3A_9 = arith.addi %mul3A_2, %add3A_8 : i32
    %dma_start3A_10 = tpu.memref_slice %arg2[%add3A_9] : memref<16777216xf32, #tpu.memory_space<hbm>> -> memref<32768xf32, #tpu.memory_space<hbm>>
    %dma_start3A_11 = tpu.memref_slice %arg2[%add3A_9] : memref<16777216xf32, #tpu.memory_space<hbm>> -> memref<32768xf32, #tpu.memory_space<hbm>>
    tpu.enqueue_dma source(%dma_start3A_11 : memref<32768xf32, #tpu.memory_space<hbm>>) target(%arg5 : memref<32768xf32, #tpu.memory_space<vmem>>) target_semaphore(%arg9 : memref<!tpu.dma_semaphore, #tpu.memory_space<semaphore_mem>>)
    %add3A_12 = arith.constant 32768 : i32
    %add3A_13 = arith.addi %mul3A_2, %add3A_12 : i32
    %dma_start3A_14 = tpu.memref_slice %arg2[%add3A_13] : memref<16777216xf32, #tpu.memory_space<hbm>> -> memref<32768xf32, #tpu.memory_space<hbm>>
    %dma_start3A_15 = tpu.memref_slice %arg2[%add3A_13] : memref<16777216xf32, #tpu.memory_space<hbm>> -> memref<32768xf32, #tpu.memory_space<hbm>>
    tpu.enqueue_dma source(%dma_start3A_15 : memref<32768xf32, #tpu.memory_space<hbm>>) target(%arg6 : memref<32768xf32, #tpu.memory_space<vmem>>) target_semaphore(%arg9 : memref<!tpu.dma_semaphore, #tpu.memory_space<semaphore_mem>>)
    %add3A_16 = arith.constant 65536 : i32
    %add3A_17 = arith.addi %mul3A_2, %add3A_16 : i32
    %dma_start3A_18 = tpu.memref_slice %arg2[%add3A_17] : memref<16777216xf32, #tpu.memory_space<hbm>> -> memref<32768xf32, #tpu.memory_space<hbm>>
    %dma_start3A_19 = tpu.memref_slice %arg2[%add3A_17] : memref<16777216xf32, #tpu.memory_space<hbm>> -> memref<32768xf32, #tpu.memory_space<hbm>>
    tpu.enqueue_dma source(%dma_start3A_19 : memref<32768xf32, #tpu.memory_space<hbm>>) target(%arg7 : memref<32768xf32, #tpu.memory_space<vmem>>) target_semaphore(%arg9 : memref<!tpu.dma_semaphore, #tpu.memory_space<semaphore_mem>>)
    %dma_wait3A = tpu.memref_slice %arg2[%add3A_9] : memref<16777216xf32, #tpu.memory_space<hbm>> -> memref<32768xf32, #tpu.memory_space<hbm>>
    %dma_wait3A_20 = tpu.memref_slice %arg2[%add3A_9] : memref<16777216xf32, #tpu.memory_space<hbm>> -> memref<32768xf32, #tpu.memory_space<hbm>>
    tpu.wait_dma2 semaphore(%arg9 : memref<!tpu.dma_semaphore, #tpu.memory_space<semaphore_mem>>) src(%dma_wait3A_20 : memref<32768xf32, #tpu.memory_space<hbm>>) dst(%arg5 : memref<32768xf32, #tpu.memory_space<vmem>>)
    %dma_wait3A_21 = tpu.memref_slice %arg3[%mul3A_6] : memref<131072xi32, #tpu.memory_space<hbm>> -> memref<4096xi32, #tpu.memory_space<hbm>>
    %dma_wait3A_22 = tpu.memref_slice %arg3[%mul3A_6] : memref<131072xi32, #tpu.memory_space<hbm>> -> memref<4096xi32, #tpu.memory_space<hbm>>
    tpu.wait_dma2 semaphore(%arg11 : memref<!tpu.dma_semaphore, #tpu.memory_space<semaphore_mem>>) src(%dma_wait3A_22 : memref<4096xi32, #tpu.memory_space<hbm>>) dst(%arg8 : memref<4096xi32, #tpu.memory_space<vmem>>)
    %broadcast_in_dim3A = arith.constant 0.000000e+00 : f32
    %broadcast_in_dim3A_23 = vector.broadcast %broadcast_in_dim3A : f32 to vector<16xf32>
    %broadcast_in_dim3A_24 = arith.constant 0 : i32
    %broadcast_in_dim3A_25 = vector.broadcast %broadcast_in_dim3A_24 : i32 to vector<16xi32>
    %broadcast_in_dim3A_26 = arith.constant 32768 : i32
    %broadcast_in_dim3A_27 = vector.broadcast %broadcast_in_dim3A_26 : i32 to vector<16xi32>
    %scan3A = arith.constant 0 : i32
    %scan3A_28 = arith.constant 0 : i32
    %scan3A_29 = arith.constant 128 : i32
    %scan3A_30 = arith.addi %scan3A_28, %scan3A_29 : i32
    %scan3A_31 = arith.constant 8 : i32
    scf.for %scan3A_391 = %scan3A_28 to %scan3A_30 step %scan3A_31  : i32 {
      %mul3A_392 = arith.constant 16 : i32
      %mul3A_393 = arith.muli %scan3A_391, %mul3A_392 : i32
      %add3A_394 = arith.constant 0 : i32
      %add3A_395 = arith.addi %add3A_394, %mul3A_393 : i32
      %get3A = arith.index_cast %add3A_395 : i32 to index
      %get3A_396 = tpu.vector_load %arg8[%get3A] {strides = array<i32>} : memref<4096xi32, #tpu.memory_space<vmem>>, vector<16xi32>,
      %sub3A = arith.subi %get3A_396, %broadcast_in_dim3A_25 : vector<16xi32>
      %bitcast3A = vector.bitcast %sub3A : vector<16xi32> to vector<16xi32>
      %lt3A = arith.cmpi ult, %bitcast3A, %broadcast_in_dim3A_27 : vector<16xi32>
      tpu.vector_store_idx %arg5[%sub3A], %broadcast_in_dim3A_23 masked %lt3A : memref<32768xf32, #tpu.memory_space<vmem>>[vector<16xi32>], vector<16xf32>, vector<16xi1>
      %scan3A_397 = arith.constant 1 : i32
      %scan3A_398 = arith.addi %scan3A_391, %scan3A_397 : i32
      %mul3A_399 = arith.constant 16 : i32
      %mul3A_400 = arith.muli %scan3A_398, %mul3A_399 : i32
      %add3A_401 = arith.constant 0 : i32
      %add3A_402 = arith.addi %add3A_401, %mul3A_400 : i32
      %get3A_403 = arith.index_cast %add3A_402 : i32 to index
      %get3A_404 = tpu.vector_load %arg8[%get3A_403] {strides = array<i32>} : memref<4096xi32, #tpu.memory_space<vmem>>, vector<16xi32>,
      %sub3A_405 = arith.subi %get3A_404, %broadcast_in_dim3A_25 : vector<16xi32>
      %bitcast3A_406 = vector.bitcast %sub3A_405 : vector<16xi32> to vector<16xi32>
      %lt3A_407 = arith.cmpi ult, %bitcast3A_406, %broadcast_in_dim3A_27 : vector<16xi32>
      tpu.vector_store_idx %arg5[%sub3A_405], %broadcast_in_dim3A_23 masked %lt3A_407 : memref<32768xf32, #tpu.memory_space<vmem>>[vector<16xi32>], vector<16xf32>, vector<16xi1>
      %scan3A_408 = arith.constant 2 : i32
      %scan3A_409 = arith.addi %scan3A_391, %scan3A_408 : i32
      %mul3A_410 = arith.constant 16 : i32
      %mul3A_411 = arith.muli %scan3A_409, %mul3A_410 : i32
      %add3A_412 = arith.constant 0 : i32
      %add3A_413 = arith.addi %add3A_412, %mul3A_411 : i32
      %get3A_414 = arith.index_cast %add3A_413 : i32 to index
      %get3A_415 = tpu.vector_load %arg8[%get3A_414] {strides = array<i32>} : memref<4096xi32, #tpu.memory_space<vmem>>, vector<16xi32>,
      %sub3A_416 = arith.subi %get3A_415, %broadcast_in_dim3A_25 : vector<16xi32>
      %bitcast3A_417 = vector.bitcast %sub3A_416 : vector<16xi32> to vector<16xi32>
      %lt3A_418 = arith.cmpi ult, %bitcast3A_417, %broadcast_in_dim3A_27 : vector<16xi32>
      tpu.vector_store_idx %arg5[%sub3A_416], %broadcast_in_dim3A_23 masked %lt3A_418 : memref<32768xf32, #tpu.memory_space<vmem>>[vector<16xi32>], vector<16xf32>, vector<16xi1>
      %scan3A_419 = arith.constant 3 : i32
      %scan3A_420 = arith.addi %scan3A_391, %scan3A_419 : i32
      %mul3A_421 = arith.constant 16 : i32
      %mul3A_422 = arith.muli %scan3A_420, %mul3A_421 : i32
      %add3A_423 = arith.constant 0 : i32
      %add3A_424 = arith.addi %add3A_423, %mul3A_422 : i32
      %get3A_425 = arith.index_cast %add3A_424 : i32 to index
      %get3A_426 = tpu.vector_load %arg8[%get3A_425] {strides = array<i32>} : memref<4096xi32, #tpu.memory_space<vmem>>, vector<16xi32>,
      %sub3A_427 = arith.subi %get3A_426, %broadcast_in_dim3A_25 : vector<16xi32>
      %bitcast3A_428 = vector.bitcast %sub3A_427 : vector<16xi32> to vector<16xi32>
      %lt3A_429 = arith.cmpi ult, %bitcast3A_428, %broadcast_in_dim3A_27 : vector<16xi32>
      tpu.vector_store_idx %arg5[%sub3A_427], %broadcast_in_dim3A_23 masked %lt3A_429 : memref<32768xf32, #tpu.memory_space<vmem>>[vector<16xi32>], vector<16xf32>, vector<16xi1>
      %scan3A_430 = arith.constant 4 : i32
      %scan3A_431 = arith.addi %scan3A_391, %scan3A_430 : i32
      %mul3A_432 = arith.constant 16 : i32
      %mul3A_433 = arith.muli %scan3A_431, %mul3A_432 : i32
      %add3A_434 = arith.constant 0 : i32
      %add3A_435 = arith.addi %add3A_434, %mul3A_433 : i32
      %get3A_436 = arith.index_cast %add3A_435 : i32 to index
      %get3A_437 = tpu.vector_load %arg8[%get3A_436] {strides = array<i32>} : memref<4096xi32, #tpu.memory_space<vmem>>, vector<16xi32>,
      %sub3A_438 = arith.subi %get3A_437, %broadcast_in_dim3A_25 : vector<16xi32>
      %bitcast3A_439 = vector.bitcast %sub3A_438 : vector<16xi32> to vector<16xi32>
      %lt3A_440 = arith.cmpi ult, %bitcast3A_439, %broadcast_in_dim3A_27 : vector<16xi32>
      tpu.vector_store_idx %arg5[%sub3A_438], %broadcast_in_dim3A_23 masked %lt3A_440 : memref<32768xf32, #tpu.memory_space<vmem>>[vector<16xi32>], vector<16xf32>, vector<16xi1>
      %scan3A_441 = arith.constant 5 : i32
      %scan3A_442 = arith.addi %scan3A_391, %scan3A_441 : i32
      %mul3A_443 = arith.constant 16 : i32
      %mul3A_444 = arith.muli %scan3A_442, %mul3A_443 : i32
      %add3A_445 = arith.constant 0 : i32
      %add3A_446 = arith.addi %add3A_445, %mul3A_444 : i32
      %get3A_447 = arith.index_cast %add3A_446 : i32 to index
      %get3A_448 = tpu.vector_load %arg8[%get3A_447] {strides = array<i32>} : memref<4096xi32, #tpu.memory_space<vmem>>, vector<16xi32>,
      %sub3A_449 = arith.subi %get3A_448, %broadcast_in_dim3A_25 : vector<16xi32>
      %bitcast3A_450 = vector.bitcast %sub3A_449 : vector<16xi32> to vector<16xi32>
      %lt3A_451 = arith.cmpi ult, %bitcast3A_450, %broadcast_in_dim3A_27 : vector<16xi32>
      tpu.vector_store_idx %arg5[%sub3A_449], %broadcast_in_dim3A_23 masked %lt3A_451 : memref<32768xf32, #tpu.memory_space<vmem>>[vector<16xi32>], vector<16xf32>, vector<16xi1>
      %scan3A_452 = arith.constant 6 : i32
      %scan3A_453 = arith.addi %scan3A_391, %scan3A_452 : i32
      %mul3A_454 = arith.constant 16 : i32
      %mul3A_455 = arith.muli %scan3A_453, %mul3A_454 : i32
      %add3A_456 = arith.constant 0 : i32
      %add3A_457 = arith.addi %add3A_456, %mul3A_455 : i32
      %get3A_458 = arith.index_cast %add3A_457 : i32 to index
      %get3A_459 = tpu.vector_load %arg8[%get3A_458] {strides = array<i32>} : memref<4096xi32, #tpu.memory_space<vmem>>, vector<16xi32>,
      %sub3A_460 = arith.subi %get3A_459, %broadcast_in_dim3A_25 : vector<16xi32>
      %bitcast3A_461 = vector.bitcast %sub3A_460 : vector<16xi32> to vector<16xi32>
      %lt3A_462 = arith.cmpi ult, %bitcast3A_461, %broadcast_in_dim3A_27 : vector<16xi32>
      tpu.vector_store_idx %arg5[%sub3A_460], %broadcast_in_dim3A_23 masked %lt3A_462 : memref<32768xf32, #tpu.memory_space<vmem>>[vector<16xi32>], vector<16xf32>, vector<16xi1>
      %scan3A_463 = arith.constant 7 : i32
      %scan3A_464 = arith.addi %scan3A_391, %scan3A_463 : i32
      %mul3A_465 = arith.constant 16 : i32
      %mul3A_466 = arith.muli %scan3A_464, %mul3A_465 : i32
      %add3A_467 = arith.constant 0 : i32
      %add3A_468 = arith.addi %add3A_467, %mul3A_466 : i32
      %get3A_469 = arith.index_cast %add3A_468 : i32 to index
      %get3A_470 = tpu.vector_load %arg8[%get3A_469] {strides = array<i32>} : memref<4096xi32, #tpu.memory_space<vmem>>, vector<16xi32>,
      %sub3A_471 = arith.subi %get3A_470, %broadcast_in_dim3A_25 : vector<16xi32>
      %bitcast3A_472 = vector.bitcast %sub3A_471 : vector<16xi32> to vector<16xi32>
      %lt3A_473 = arith.cmpi ult, %bitcast3A_472, %broadcast_in_dim3A_27 : vector<16xi32>
      tpu.vector_store_idx %arg5[%sub3A_471], %broadcast_in_dim3A_23 masked %lt3A_473 : memref<32768xf32, #tpu.memory_space<vmem>>[vector<16xi32>], vector<16xf32>, vector<16xi1>
    }
    %scan3A_32 = arith.constant 128 : i32
    %add3A_33 = arith.constant 0 : i32
    %add3A_34 = arith.addi %mul3A_2, %add3A_33 : i32
    %dma_start3A_35 = tpu.memref_slice %arg4[%add3A_34] : memref<16777216xf32, #tpu.memory_space<hbm>> -> memref<32768xf32, #tpu.memory_space<hbm>>
    %dma_start3A_36 = tpu.memref_slice %arg4[%add3A_34] : memref<16777216xf32, #tpu.memory_space<hbm>> -> memref<32768xf32, #tpu.memory_space<hbm>>
    tpu.enqueue_dma source(%arg5 : memref<32768xf32, #tpu.memory_space<vmem>>) target(%dma_start3A_36 : memref<32768xf32, #tpu.memory_space<hbm>>) target_semaphore(%arg10 : memref<!tpu.dma_semaphore, #tpu.memory_space<semaphore_mem>>)
    %dma_wait3A_37 = tpu.memref_slice %arg4[%add3A_34] : memref<16777216xf32, #tpu.memory_space<hbm>> -> memref<32768xf32, #tpu.memory_space<hbm>>
    %dma_wait3A_38 = tpu.memref_slice %arg4[%add3A_34] : memref<16777216xf32, #tpu.memory_space<hbm>> -> memref<32768xf32, #tpu.memory_space<hbm>>
    tpu.wait_dma2 semaphore(%arg10 : memref<!tpu.dma_semaphore, #tpu.memory_space<semaphore_mem>>) src(%arg5 : memref<32768xf32, #tpu.memory_space<vmem>>) dst(%dma_wait3A_38 : memref<32768xf32, #tpu.memory_space<hbm>>)
    %add3A_39 = arith.constant 98304 : i32
    %add3A_40 = arith.addi %mul3A_2, %add3A_39 : i32
    %dma_start3A_41 = tpu.memref_slice %arg2[%add3A_40] : memref<16777216xf32, #tpu.memory_space<hbm>> -> memref<32768xf32, #tpu.memory_space<hbm>>
    %dma_start3A_42 = tpu.memref_slice %arg2[%add3A_40] : memref<16777216xf32, #tpu.memory_space<hbm>> -> memref<32768xf32, #tpu.memory_space<hbm>>
    tpu.enqueue_dma source(%dma_start3A_42 : memref<32768xf32, #tpu.memory_space<hbm>>) target(%arg5 : memref<32768xf32, #tpu.memory_space<vmem>>) target_semaphore(%arg9 : memref<!tpu.dma_semaphore, #tpu.memory_space<semaphore_mem>>)
    %dma_wait3A_43 = tpu.memref_slice %arg2[%add3A_13] : memref<16777216xf32, #tpu.memory_space<hbm>> -> memref<32768xf32, #tpu.memory_space<hbm>>
    %dma_wait3A_44 = tpu.memref_slice %arg2[%add3A_13] : memref<16777216xf32, #tpu.memory_space<hbm>> -> memref<32768xf32, #tpu.memory_space<hbm>>
    tpu.wait_dma2 semaphore(%arg9 : memref<!tpu.dma_semaphore, #tpu.memory_space<semaphore_mem>>) src(%dma_wait3A_44 : memref<32768xf32, #tpu.memory_space<hbm>>) dst(%arg6 : memref<32768xf32, #tpu.memory_space<vmem>>)
    %broadcast_in_dim3A_45 = arith.constant 0.000000e+00 : f32
    %broadcast_in_dim3A_46 = vector.broadcast %broadcast_in_dim3A_45 : f32 to vector<16xf32>
    %broadcast_in_dim3A_47 = arith.constant 32768 : i32
    %broadcast_in_dim3A_48 = vector.broadcast %broadcast_in_dim3A_47 : i32 to vector<16xi32>
    %broadcast_in_dim3A_49 = arith.constant 32768 : i32
    %broadcast_in_dim3A_50 = vector.broadcast %broadcast_in_dim3A_49 : i32 to vector<16xi32>
    %scan3A_51 = arith.constant 0 : i32
    %scan3A_52 = arith.constant 0 : i32
    %scan3A_53 = arith.constant 128 : i32
    %scan3A_54 = arith.addi %scan3A_52, %scan3A_53 : i32
    %scan3A_55 = arith.constant 8 : i32
    scf.for %scan3A_391 = %scan3A_52 to %scan3A_54 step %scan3A_55  : i32 {
      %mul3A_392 = arith.constant 16 : i32
      %mul3A_393 = arith.muli %scan3A_391, %mul3A_392 : i32
      %add3A_394 = arith.constant 0 : i32
      %add3A_395 = arith.addi %add3A_394, %mul3A_393 : i32
      %get3A = arith.index_cast %add3A_395 : i32 to index
      %get3A_396 = tpu.vector_load %arg8[%get3A] {strides = array<i32>} : memref<4096xi32, #tpu.memory_space<vmem>>, vector<16xi32>,
      %sub3A = arith.subi %get3A_396, %broadcast_in_dim3A_48 : vector<16xi32>
      %bitcast3A = vector.bitcast %sub3A : vector<16xi32> to vector<16xi32>
      %lt3A = arith.cmpi ult, %bitcast3A, %broadcast_in_dim3A_50 : vector<16xi32>
      tpu.vector_store_idx %arg6[%sub3A], %broadcast_in_dim3A_46 masked %lt3A : memref<32768xf32, #tpu.memory_space<vmem>>[vector<16xi32>], vector<16xf32>, vector<16xi1>
      %scan3A_397 = arith.constant 1 : i32
      %scan3A_398 = arith.addi %scan3A_391, %scan3A_397 : i32
      %mul3A_399 = arith.constant 16 : i32
      %mul3A_400 = arith.muli %scan3A_398, %mul3A_399 : i32
      %add3A_401 = arith.constant 0 : i32
      %add3A_402 = arith.addi %add3A_401, %mul3A_400 : i32
      %get3A_403 = arith.index_cast %add3A_402 : i32 to index
      %get3A_404 = tpu.vector_load %arg8[%get3A_403] {strides = array<i32>} : memref<4096xi32, #tpu.memory_space<vmem>>, vector<16xi32>,
      %sub3A_405 = arith.subi %get3A_404, %broadcast_in_dim3A_48 : vector<16xi32>
      %bitcast3A_406 = vector.bitcast %sub3A_405 : vector<16xi32> to vector<16xi32>
      %lt3A_407 = arith.cmpi ult, %bitcast3A_406, %broadcast_in_dim3A_50 : vector<16xi32>
      tpu.vector_store_idx %arg6[%sub3A_405], %broadcast_in_dim3A_46 masked %lt3A_407 : memref<32768xf32, #tpu.memory_space<vmem>>[vector<16xi32>], vector<16xf32>, vector<16xi1>
      %scan3A_408 = arith.constant 2 : i32
      %scan3A_409 = arith.addi %scan3A_391, %scan3A_408 : i32
      %mul3A_410 = arith.constant 16 : i32
      %mul3A_411 = arith.muli %scan3A_409, %mul3A_410 : i32
      %add3A_412 = arith.constant 0 : i32
      %add3A_413 = arith.addi %add3A_412, %mul3A_411 : i32
      %get3A_414 = arith.index_cast %add3A_413 : i32 to index
      %get3A_415 = tpu.vector_load %arg8[%get3A_414] {strides = array<i32>} : memref<4096xi32, #tpu.memory_space<vmem>>, vector<16xi32>,
      %sub3A_416 = arith.subi %get3A_415, %broadcast_in_dim3A_48 : vector<16xi32>
      %bitcast3A_417 = vector.bitcast %sub3A_416 : vector<16xi32> to vector<16xi32>
      %lt3A_418 = arith.cmpi ult, %bitcast3A_417, %broadcast_in_dim3A_50 : vector<16xi32>
      tpu.vector_store_idx %arg6[%sub3A_416], %broadcast_in_dim3A_46 masked %lt3A_418 : memref<32768xf32, #tpu.memory_space<vmem>>[vector<16xi32>], vector<16xf32>, vector<16xi1>
      %scan3A_419 = arith.constant 3 : i32
      %scan3A_420 = arith.addi %scan3A_391, %scan3A_419 : i32
      %mul3A_421 = arith.constant 16 : i32
      %mul3A_422 = arith.muli %scan3A_420, %mul3A_421 : i32
      %add3A_423 = arith.constant 0 : i32
      %add3A_424 = arith.addi %add3A_423, %mul3A_422 : i32
      %get3A_425 = arith.index_cast %add3A_424 : i32 to index
      %get3A_426 = tpu.vector_load %arg8[%get3A_425] {strides = array<i32>} : memref<4096xi32, #tpu.memory_space<vmem>>, vector<16xi32>,
      %sub3A_427 = arith.subi %get3A_426, %broadcast_in_dim3A_48 : vector<16xi32>
      %bitcast3A_428 = vector.bitcast %sub3A_427 : vector<16xi32> to vector<16xi32>
      %lt3A_429 = arith.cmpi ult, %bitcast3A_428, %broadcast_in_dim3A_50 : vector<16xi32>
      tpu.vector_store_idx %arg6[%sub3A_427], %broadcast_in_dim3A_46 masked %lt3A_429 : memref<32768xf32, #tpu.memory_space<vmem>>[vector<16xi32>], vector<16xf32>, vector<16xi1>
      %scan3A_430 = arith.constant 4 : i32
      %scan3A_431 = arith.addi %scan3A_391, %scan3A_430 : i32
      %mul3A_432 = arith.constant 16 : i32
      %mul3A_433 = arith.muli %scan3A_431, %mul3A_432 : i32
      %add3A_434 = arith.constant 0 : i32
      %add3A_435 = arith.addi %add3A_434, %mul3A_433 : i32
      %get3A_436 = arith.index_cast %add3A_435 : i32 to index
      %get3A_437 = tpu.vector_load %arg8[%get3A_436] {strides = array<i32>} : memref<4096xi32, #tpu.memory_space<vmem>>, vector<16xi32>,
      %sub3A_438 = arith.subi %get3A_437, %broadcast_in_dim3A_48 : vector<16xi32>
      %bitcast3A_439 = vector.bitcast %sub3A_438 : vector<16xi32> to vector<16xi32>
      %lt3A_440 = arith.cmpi ult, %bitcast3A_439, %broadcast_in_dim3A_50 : vector<16xi32>
      tpu.vector_store_idx %arg6[%sub3A_438], %broadcast_in_dim3A_46 masked %lt3A_440 : memref<32768xf32, #tpu.memory_space<vmem>>[vector<16xi32>], vector<16xf32>, vector<16xi1>
      %scan3A_441 = arith.constant 5 : i32
      %scan3A_442 = arith.addi %scan3A_391, %scan3A_441 : i32
      %mul3A_443 = arith.constant 16 : i32
      %mul3A_444 = arith.muli %scan3A_442, %mul3A_443 : i32
      %add3A_445 = arith.constant 0 : i32
      %add3A_446 = arith.addi %add3A_445, %mul3A_444 : i32
      %get3A_447 = arith.index_cast %add3A_446 : i32 to index
      %get3A_448 = tpu.vector_load %arg8[%get3A_447] {strides = array<i32>} : memref<4096xi32, #tpu.memory_space<vmem>>, vector<16xi32>,
      %sub3A_449 = arith.subi %get3A_448, %broadcast_in_dim3A_48 : vector<16xi32>
      %bitcast3A_450 = vector.bitcast %sub3A_449 : vector<16xi32> to vector<16xi32>
      %lt3A_451 = arith.cmpi ult, %bitcast3A_450, %broadcast_in_dim3A_50 : vector<16xi32>
      tpu.vector_store_idx %arg6[%sub3A_449], %broadcast_in_dim3A_46 masked %lt3A_451 : memref<32768xf32, #tpu.memory_space<vmem>>[vector<16xi32>], vector<16xf32>, vector<16xi1>
      %scan3A_452 = arith.constant 6 : i32
      %scan3A_453 = arith.addi %scan3A_391, %scan3A_452 : i32
      %mul3A_454 = arith.constant 16 : i32
      %mul3A_455 = arith.muli %scan3A_453, %mul3A_454 : i32
      %add3A_456 = arith.constant 0 : i32
      %add3A_457 = arith.addi %add3A_456, %mul3A_455 : i32
      %get3A_458 = arith.index_cast %add3A_457 : i32 to index
      %get3A_459 = tpu.vector_load %arg8[%get3A_458] {strides = array<i32>} : memref<4096xi32, #tpu.memory_space<vmem>>, vector<16xi32>,
      %sub3A_460 = arith.subi %get3A_459, %broadcast_in_dim3A_48 : vector<16xi32>
      %bitcast3A_461 = vector.bitcast %sub3A_460 : vector<16xi32> to vector<16xi32>
      %lt3A_462 = arith.cmpi ult, %bitcast3A_461, %broadcast_in_dim3A_50 : vector<16xi32>
      tpu.vector_store_idx %arg6[%sub3A_460], %broadcast_in_dim3A_46 masked %lt3A_462 : memref<32768xf32, #tpu.memory_space<vmem>>[vector<16xi32>], vector<16xf32>, vector<16xi1>
      %scan3A_463 = arith.constant 7 : i32
      %scan3A_464 = arith.addi %scan3A_391, %scan3A_463 : i32
      %mul3A_465 = arith.constant 16 : i32
      %mul3A_466 = arith.muli %scan3A_464, %mul3A_465 : i32
      %add3A_467 = arith.constant 0 : i32
      %add3A_468 = arith.addi %add3A_467, %mul3A_466 : i32
      %get3A_469 = arith.index_cast %add3A_468 : i32 to index
      %get3A_470 = tpu.vector_load %arg8[%get3A_469] {strides = array<i32>} : memref<4096xi32, #tpu.memory_space<vmem>>, vector<16xi32>,
      %sub3A_471 = arith.subi %get3A_470, %broadcast_in_dim3A_48 : vector<16xi32>
      %bitcast3A_472 = vector.bitcast %sub3A_471 : vector<16xi32> to vector<16xi32>
      %lt3A_473 = arith.cmpi ult, %bitcast3A_472, %broadcast_in_dim3A_50 : vector<16xi32>
      tpu.vector_store_idx %arg6[%sub3A_471], %broadcast_in_dim3A_46 masked %lt3A_473 : memref<32768xf32, #tpu.memory_space<vmem>>[vector<16xi32>], vector<16xf32>, vector<16xi1>
    }
    %scan3A_56 = arith.constant 128 : i32
    %add3A_57 = arith.constant 32768 : i32
    %add3A_58 = arith.addi %mul3A_2, %add3A_57 : i32
    %dma_start3A_59 = tpu.memref_slice %arg4[%add3A_58] : memref<16777216xf32, #tpu.memory_space<hbm>> -> memref<32768xf32, #tpu.memory_space<hbm>>
    %dma_start3A_60 = tpu.memref_slice %arg4[%add3A_58] : memref<16777216xf32, #tpu.memory_space<hbm>> -> memref<32768xf32, #tpu.memory_space<hbm>>
    tpu.enqueue_dma source(%arg6 : memref<32768xf32, #tpu.memory_space<vmem>>) target(%dma_start3A_60 : memref<32768xf32, #tpu.memory_space<hbm>>) target_semaphore(%arg10 : memref<!tpu.dma_semaphore, #tpu.memory_space<semaphore_mem>>)
    %dma_wait3A_61 = tpu.memref_slice %arg4[%add3A_58] : memref<16777216xf32, #tpu.memory_space<hbm>> -> memref<32768xf32, #tpu.memory_space<hbm>>
    %dma_wait3A_62 = tpu.memref_slice %arg4[%add3A_58] : memref<16777216xf32, #tpu.memory_space<hbm>> -> memref<32768xf32, #tpu.memory_space<hbm>>
    tpu.wait_dma2 semaphore(%arg10 : memref<!tpu.dma_semaphore, #tpu.memory_space<semaphore_mem>>) src(%arg6 : memref<32768xf32, #tpu.memory_space<vmem>>) dst(%dma_wait3A_62 : memref<32768xf32, #tpu.memory_space<hbm>>)
    %add3A_63 = arith.constant 131072 : i32
    %add3A_64 = arith.addi %mul3A_2, %add3A_63 : i32
    %dma_start3A_65 = tpu.memref_slice %arg2[%add3A_64] : memref<16777216xf32, #tpu.memory_space<hbm>> -> memref<32768xf32, #tpu.memory_space<hbm>>
    %dma_start3A_66 = tpu.memref_slice %arg2[%add3A_64] : memref<16777216xf32, #tpu.memory_space<hbm>> -> memref<32768xf32, #tpu.memory_space<hbm>>
    tpu.enqueue_dma source(%dma_start3A_66 : memref<32768xf32, #tpu.memory_space<hbm>>) target(%arg6 : memref<32768xf32, #tpu.memory_space<vmem>>) target_semaphore(%arg9 : memref<!tpu.dma_semaphore, #tpu.memory_space<semaphore_mem>>)
    %dma_wait3A_67 = tpu.memref_slice %arg2[%add3A_17] : memref<16777216xf32, #tpu.memory_space<hbm>> -> memref<32768xf32, #tpu.memory_space<hbm>>
    %dma_wait3A_68 = tpu.memref_slice %arg2[%add3A_17] : memref<16777216xf32, #tpu.memory_space<hbm>> -> memref<32768xf32, #tpu.memory_space<hbm>>
    tpu.wait_dma2 semaphore(%arg9 : memref<!tpu.dma_semaphore, #tpu.memory_space<semaphore_mem>>) src(%dma_wait3A_68 : memref<32768xf32, #tpu.memory_space<hbm>>) dst(%arg7 : memref<32768xf32, #tpu.memory_space<vmem>>)
    %broadcast_in_dim3A_69 = arith.constant 0.000000e+00 : f32
    %broadcast_in_dim3A_70 = vector.broadcast %broadcast_in_dim3A_69 : f32 to vector<16xf32>
    %broadcast_in_dim3A_71 = arith.constant 65536 : i32
    %broadcast_in_dim3A_72 = vector.broadcast %broadcast_in_dim3A_71 : i32 to vector<16xi32>
    %broadcast_in_dim3A_73 = arith.constant 32768 : i32
    %broadcast_in_dim3A_74 = vector.broadcast %broadcast_in_dim3A_73 : i32 to vector<16xi32>
    %scan3A_75 = arith.constant 0 : i32
    %scan3A_76 = arith.constant 0 : i32
    %scan3A_77 = arith.constant 128 : i32
    %scan3A_78 = arith.addi %scan3A_76, %scan3A_77 : i32
    %scan3A_79 = arith.constant 8 : i32
    scf.for %scan3A_391 = %scan3A_76 to %scan3A_78 step %scan3A_79  : i32 {
      %mul3A_392 = arith.constant 16 : i32
      %mul3A_393 = arith.muli %scan3A_391, %mul3A_392 : i32
      %add3A_394 = arith.constant 0 : i32
      %add3A_395 = arith.addi %add3A_394, %mul3A_393 : i32
      %get3A = arith.index_cast %add3A_395 : i32 to index
      %get3A_396 = tpu.vector_load %arg8[%get3A] {strides = array<i32>} : memref<4096xi32, #tpu.memory_space<vmem>>, vector<16xi32>,
      %sub3A = arith.subi %get3A_396, %broadcast_in_dim3A_72 : vector<16xi32>
      %bitcast3A = vector.bitcast %sub3A : vector<16xi32> to vector<16xi32>
      %lt3A = arith.cmpi ult, %bitcast3A, %broadcast_in_dim3A_74 : vector<16xi32>
      tpu.vector_store_idx %arg7[%sub3A], %broadcast_in_dim3A_70 masked %lt3A : memref<32768xf32, #tpu.memory_space<vmem>>[vector<16xi32>], vector<16xf32>, vector<16xi1>
      %scan3A_397 = arith.constant 1 : i32
      %scan3A_398 = arith.addi %scan3A_391, %scan3A_397 : i32
      %mul3A_399 = arith.constant 16 : i32
      %mul3A_400 = arith.muli %scan3A_398, %mul3A_399 : i32
      %add3A_401 = arith.constant 0 : i32
      %add3A_402 = arith.addi %add3A_401, %mul3A_400 : i32
      %get3A_403 = arith.index_cast %add3A_402 : i32 to index
      %get3A_404 = tpu.vector_load %arg8[%get3A_403] {strides = array<i32>} : memref<4096xi32, #tpu.memory_space<vmem>>, vector<16xi32>,
      %sub3A_405 = arith.subi %get3A_404, %broadcast_in_dim3A_72 : vector<16xi32>
      %bitcast3A_406 = vector.bitcast %sub3A_405 : vector<16xi32> to vector<16xi32>
      %lt3A_407 = arith.cmpi ult, %bitcast3A_406, %broadcast_in_dim3A_74 : vector<16xi32>
      tpu.vector_store_idx %arg7[%sub3A_405], %broadcast_in_dim3A_70 masked %lt3A_407 : memref<32768xf32, #tpu.memory_space<vmem>>[vector<16xi32>], vector<16xf32>, vector<16xi1>
      %scan3A_408 = arith.constant 2 : i32
      %scan3A_409 = arith.addi %scan3A_391, %scan3A_408 : i32
      %mul3A_410 = arith.constant 16 : i32
      %mul3A_411 = arith.muli %scan3A_409, %mul3A_410 : i32
      %add3A_412 = arith.constant 0 : i32
      %add3A_413 = arith.addi %add3A_412, %mul3A_411 : i32
      %get3A_414 = arith.index_cast %add3A_413 : i32 to index
      %get3A_415 = tpu.vector_load %arg8[%get3A_414] {strides = array<i32>} : memref<4096xi32, #tpu.memory_space<vmem>>, vector<16xi32>,
      %sub3A_416 = arith.subi %get3A_415, %broadcast_in_dim3A_72 : vector<16xi32>
      %bitcast3A_417 = vector.bitcast %sub3A_416 : vector<16xi32> to vector<16xi32>
      %lt3A_418 = arith.cmpi ult, %bitcast3A_417, %broadcast_in_dim3A_74 : vector<16xi32>
      tpu.vector_store_idx %arg7[%sub3A_416], %broadcast_in_dim3A_70 masked %lt3A_418 : memref<32768xf32, #tpu.memory_space<vmem>>[vector<16xi32>], vector<16xf32>, vector<16xi1>
      %scan3A_419 = arith.constant 3 : i32
      %scan3A_420 = arith.addi %scan3A_391, %scan3A_419 : i32
      %mul3A_421 = arith.constant 16 : i32
      %mul3A_422 = arith.muli %scan3A_420, %mul3A_421 : i32
      %add3A_423 = arith.constant 0 : i32
      %add3A_424 = arith.addi %add3A_423, %mul3A_422 : i32
      %get3A_425 = arith.index_cast %add3A_424 : i32 to index
      %get3A_426 = tpu.vector_load %arg8[%get3A_425] {strides = array<i32>} : memref<4096xi32, #tpu.memory_space<vmem>>, vector<16xi32>,
      %sub3A_427 = arith.subi %get3A_426, %broadcast_in_dim3A_72 : vector<16xi32>
      %bitcast3A_428 = vector.bitcast %sub3A_427 : vector<16xi32> to vector<16xi32>
      %lt3A_429 = arith.cmpi ult, %bitcast3A_428, %broadcast_in_dim3A_74 : vector<16xi32>
      tpu.vector_store_idx %arg7[%sub3A_427], %broadcast_in_dim3A_70 masked %lt3A_429 : memref<32768xf32, #tpu.memory_space<vmem>>[vector<16xi32>], vector<16xf32>, vector<16xi1>
      %scan3A_430 = arith.constant 4 : i32
      %scan3A_431 = arith.addi %scan3A_391, %scan3A_430 : i32
      %mul3A_432 = arith.constant 16 : i32
      %mul3A_433 = arith.muli %scan3A_431, %mul3A_432 : i32
      %add3A_434 = arith.constant 0 : i32
      %add3A_435 = arith.addi %add3A_434, %mul3A_433 : i32
      %get3A_436 = arith.index_cast %add3A_435 : i32 to index
      %get3A_437 = tpu.vector_load %arg8[%get3A_436] {strides = array<i32>} : memref<4096xi32, #tpu.memory_space<vmem>>, vector<16xi32>,
      %sub3A_438 = arith.subi %get3A_437, %broadcast_in_dim3A_72 : vector<16xi32>
      %bitcast3A_439 = vector.bitcast %sub3A_438 : vector<16xi32> to vector<16xi32>
      %lt3A_440 = arith.cmpi ult, %bitcast3A_439, %broadcast_in_dim3A_74 : vector<16xi32>
      tpu.vector_store_idx %arg7[%sub3A_438], %broadcast_in_dim3A_70 masked %lt3A_440 : memref<32768xf32, #tpu.memory_space<vmem>>[vector<16xi32>], vector<16xf32>, vector<16xi1>
      %scan3A_441 = arith.constant 5 : i32
      %scan3A_442 = arith.addi %scan3A_391, %scan3A_441 : i32
      %mul3A_443 = arith.constant 16 : i32
      %mul3A_444 = arith.muli %scan3A_442, %mul3A_443 : i32
      %add3A_445 = arith.constant 0 : i32
      %add3A_446 = arith.addi %add3A_445, %mul3A_444 : i32
      %get3A_447 = arith.index_cast %add3A_446 : i32 to index
      %get3A_448 = tpu.vector_load %arg8[%get3A_447] {strides = array<i32>} : memref<4096xi32, #tpu.memory_space<vmem>>, vector<16xi32>,
      %sub3A_449 = arith.subi %get3A_448, %broadcast_in_dim3A_72 : vector<16xi32>
      %bitcast3A_450 = vector.bitcast %sub3A_449 : vector<16xi32> to vector<16xi32>
      %lt3A_451 = arith.cmpi ult, %bitcast3A_450, %broadcast_in_dim3A_74 : vector<16xi32>
      tpu.vector_store_idx %arg7[%sub3A_449], %broadcast_in_dim3A_70 masked %lt3A_451 : memref<32768xf32, #tpu.memory_space<vmem>>[vector<16xi32>], vector<16xf32>, vector<16xi1>
      %scan3A_452 = arith.constant 6 : i32
      %scan3A_453 = arith.addi %scan3A_391, %scan3A_452 : i32
      %mul3A_454 = arith.constant 16 : i32
      %mul3A_455 = arith.muli %scan3A_453, %mul3A_454 : i32
      %add3A_456 = arith.constant 0 : i32
      %add3A_457 = arith.addi %add3A_456, %mul3A_455 : i32
      %get3A_458 = arith.index_cast %add3A_457 : i32 to index
      %get3A_459 = tpu.vector_load %arg8[%get3A_458] {strides = array<i32>} : memref<4096xi32, #tpu.memory_space<vmem>>, vector<16xi32>,
      %sub3A_460 = arith.subi %get3A_459, %broadcast_in_dim3A_72 : vector<16xi32>
      %bitcast3A_461 = vector.bitcast %sub3A_460 : vector<16xi32> to vector<16xi32>
      %lt3A_462 = arith.cmpi ult, %bitcast3A_461, %broadcast_in_dim3A_74 : vector<16xi32>
      tpu.vector_store_idx %arg7[%sub3A_460], %broadcast_in_dim3A_70 masked %lt3A_462 : memref<32768xf32, #tpu.memory_space<vmem>>[vector<16xi32>], vector<16xf32>, vector<16xi1>
      %scan3A_463 = arith.constant 7 : i32
      %scan3A_464 = arith.addi %scan3A_391, %scan3A_463 : i32
      %mul3A_465 = arith.constant 16 : i32
      %mul3A_466 = arith.muli %scan3A_464, %mul3A_465 : i32
      %add3A_467 = arith.constant 0 : i32
      %add3A_468 = arith.addi %add3A_467, %mul3A_466 : i32
      %get3A_469 = arith.index_cast %add3A_468 : i32 to index
      %get3A_470 = tpu.vector_load %arg8[%get3A_469] {strides = array<i32>} : memref<4096xi32, #tpu.memory_space<vmem>>, vector<16xi32>,
      %sub3A_471 = arith.subi %get3A_470, %broadcast_in_dim3A_72 : vector<16xi32>
      %bitcast3A_472 = vector.bitcast %sub3A_471 : vector<16xi32> to vector<16xi32>
      %lt3A_473 = arith.cmpi ult, %bitcast3A_472, %broadcast_in_dim3A_74 : vector<16xi32>
      tpu.vector_store_idx %arg7[%sub3A_471], %broadcast_in_dim3A_70 masked %lt3A_473 : memref<32768xf32, #tpu.memory_space<vmem>>[vector<16xi32>], vector<16xf32>, vector<16xi1>
    }
    %scan3A_80 = arith.constant 128 : i32
    %add3A_81 = arith.constant 65536 : i32
    %add3A_82 = arith.addi %mul3A_2, %add3A_81 : i32
    %dma_start3A_83 = tpu.memref_slice %arg4[%add3A_82] : memref<16777216xf32, #tpu.memory_space<hbm>> -> memref<32768xf32, #tpu.memory_space<hbm>>
    %dma_start3A_84 = tpu.memref_slice %arg4[%add3A_82] : memref<16777216xf32, #tpu.memory_space<hbm>> -> memref<32768xf32, #tpu.memory_space<hbm>>
    tpu.enqueue_dma source(%arg7 : memref<32768xf32, #tpu.memory_space<vmem>>) target(%dma_start3A_84 : memref<32768xf32, #tpu.memory_space<hbm>>) target_semaphore(%arg10 : memref<!tpu.dma_semaphore, #tpu.memory_space<semaphore_mem>>)
    %dma_wait3A_85 = tpu.memref_slice %arg4[%add3A_82] : memref<16777216xf32, #tpu.memory_space<hbm>> -> memref<32768xf32, #tpu.memory_space<hbm>>
    %dma_wait3A_86 = tpu.memref_slice %arg4[%add3A_82] : memref<16777216xf32, #tpu.memory_space<hbm>> -> memref<32768xf32, #tpu.memory_space<hbm>>
    tpu.wait_dma2 semaphore(%arg10 : memref<!tpu.dma_semaphore, #tpu.memory_space<semaphore_mem>>) src(%arg7 : memref<32768xf32, #tpu.memory_space<vmem>>) dst(%dma_wait3A_86 : memref<32768xf32, #tpu.memory_space<hbm>>)
    %add3A_87 = arith.constant 163840 : i32
    %add3A_88 = arith.addi %mul3A_2, %add3A_87 : i32
    %dma_start3A_89 = tpu.memref_slice %arg2[%add3A_88] : memref<16777216xf32, #tpu.memory_space<hbm>> -> memref<32768xf32, #tpu.memory_space<hbm>>
    %dma_start3A_90 = tpu.memref_slice %arg2[%add3A_88] : memref<16777216xf32, #tpu.memory_space<hbm>> -> memref<32768xf32, #tpu.memory_space<hbm>>
    tpu.enqueue_dma source(%dma_start3A_90 : memref<32768xf32, #tpu.memory_space<hbm>>) target(%arg7 : memref<32768xf32, #tpu.memory_space<vmem>>) target_semaphore(%arg9 : memref<!tpu.dma_semaphore, #tpu.memory_space<semaphore_mem>>)
    %dma_wait3A_91 = tpu.memref_slice %arg2[%add3A_40] : memref<16777216xf32, #tpu.memory_space<hbm>> -> memref<32768xf32, #tpu.memory_space<hbm>>
    %dma_wait3A_92 = tpu.memref_slice %arg2[%add3A_40] : memref<16777216xf32, #tpu.memory_space<hbm>> -> memref<32768xf32, #tpu.memory_space<hbm>>
    tpu.wait_dma2 semaphore(%arg9 : memref<!tpu.dma_semaphore, #tpu.memory_space<semaphore_mem>>) src(%dma_wait3A_92 : memref<32768xf32, #tpu.memory_space<hbm>>) dst(%arg5 : memref<32768xf32, #tpu.memory_space<vmem>>)
    %broadcast_in_dim3A_93 = arith.constant 0.000000e+00 : f32
    %broadcast_in_dim3A_94 = vector.broadcast %broadcast_in_dim3A_93 : f32 to vector<16xf32>
    %broadcast_in_dim3A_95 = arith.constant 98304 : i32
    %broadcast_in_dim3A_96 = vector.broadcast %broadcast_in_dim3A_95 : i32 to vector<16xi32>
    %broadcast_in_dim3A_97 = arith.constant 32768 : i32
    %broadcast_in_dim3A_98 = vector.broadcast %broadcast_in_dim3A_97 : i32 to vector<16xi32>
    %scan3A_99 = arith.constant 0 : i32
    %scan3A_100 = arith.constant 0 : i32
    %scan3A_101 = arith.constant 128 : i32
    %scan3A_102 = arith.addi %scan3A_100, %scan3A_101 : i32
    %scan3A_103 = arith.constant 8 : i32
    scf.for %scan3A_391 = %scan3A_100 to %scan3A_102 step %scan3A_103  : i32 {
      %mul3A_392 = arith.constant 16 : i32
      %mul3A_393 = arith.muli %scan3A_391, %mul3A_392 : i32
      %add3A_394 = arith.constant 0 : i32
      %add3A_395 = arith.addi %add3A_394, %mul3A_393 : i32
      %get3A = arith.index_cast %add3A_395 : i32 to index
      %get3A_396 = tpu.vector_load %arg8[%get3A] {strides = array<i32>} : memref<4096xi32, #tpu.memory_space<vmem>>, vector<16xi32>,
      %sub3A = arith.subi %get3A_396, %broadcast_in_dim3A_96 : vector<16xi32>
      %bitcast3A = vector.bitcast %sub3A : vector<16xi32> to vector<16xi32>
      %lt3A = arith.cmpi ult, %bitcast3A, %broadcast_in_dim3A_98 : vector<16xi32>
      tpu.vector_store_idx %arg5[%sub3A], %broadcast_in_dim3A_94 masked %lt3A : memref<32768xf32, #tpu.memory_space<vmem>>[vector<16xi32>], vector<16xf32>, vector<16xi1>
      %scan3A_397 = arith.constant 1 : i32
      %scan3A_398 = arith.addi %scan3A_391, %scan3A_397 : i32
      %mul3A_399 = arith.constant 16 : i32
      %mul3A_400 = arith.muli %scan3A_398, %mul3A_399 : i32
      %add3A_401 = arith.constant 0 : i32
      %add3A_402 = arith.addi %add3A_401, %mul3A_400 : i32
      %get3A_403 = arith.index_cast %add3A_402 : i32 to index
      %get3A_404 = tpu.vector_load %arg8[%get3A_403] {strides = array<i32>} : memref<4096xi32, #tpu.memory_space<vmem>>, vector<16xi32>,
      %sub3A_405 = arith.subi %get3A_404, %broadcast_in_dim3A_96 : vector<16xi32>
      %bitcast3A_406 = vector.bitcast %sub3A_405 : vector<16xi32> to vector<16xi32>
      %lt3A_407 = arith.cmpi ult, %bitcast3A_406, %broadcast_in_dim3A_98 : vector<16xi32>
      tpu.vector_store_idx %arg5[%sub3A_405], %broadcast_in_dim3A_94 masked %lt3A_407 : memref<32768xf32, #tpu.memory_space<vmem>>[vector<16xi32>], vector<16xf32>, vector<16xi1>
      %scan3A_408 = arith.constant 2 : i32
      %scan3A_409 = arith.addi %scan3A_391, %scan3A_408 : i32
      %mul3A_410 = arith.constant 16 : i32
      %mul3A_411 = arith.muli %scan3A_409, %mul3A_410 : i32
      %add3A_412 = arith.constant 0 : i32
      %add3A_413 = arith.addi %add3A_412, %mul3A_411 : i32
      %get3A_414 = arith.index_cast %add3A_413 : i32 to index
      %get3A_415 = tpu.vector_load %arg8[%get3A_414] {strides = array<i32>} : memref<4096xi32, #tpu.memory_space<vmem>>, vector<16xi32>,
      %sub3A_416 = arith.subi %get3A_415, %broadcast_in_dim3A_96 : vector<16xi32>
      %bitcast3A_417 = vector.bitcast %sub3A_416 : vector<16xi32> to vector<16xi32>
      %lt3A_418 = arith.cmpi ult, %bitcast3A_417, %broadcast_in_dim3A_98 : vector<16xi32>
      tpu.vector_store_idx %arg5[%sub3A_416], %broadcast_in_dim3A_94 masked %lt3A_418 : memref<32768xf32, #tpu.memory_space<vmem>>[vector<16xi32>], vector<16xf32>, vector<16xi1>
      %scan3A_419 = arith.constant 3 : i32
      %scan3A_420 = arith.addi %scan3A_391, %scan3A_419 : i32
      %mul3A_421 = arith.constant 16 : i32
      %mul3A_422 = arith.muli %scan3A_420, %mul3A_421 : i32
      %add3A_423 = arith.constant 0 : i32
      %add3A_424 = arith.addi %add3A_423, %mul3A_422 : i32
      %get3A_425 = arith.index_cast %add3A_424 : i32 to index
      %get3A_426 = tpu.vector_load %arg8[%get3A_425] {strides = array<i32>} : memref<4096xi32, #tpu.memory_space<vmem>>, vector<16xi32>,
      %sub3A_427 = arith.subi %get3A_426, %broadcast_in_dim3A_96 : vector<16xi32>
      %bitcast3A_428 = vector.bitcast %sub3A_427 : vector<16xi32> to vector<16xi32>
      %lt3A_429 = arith.cmpi ult, %bitcast3A_428, %broadcast_in_dim3A_98 : vector<16xi32>
      tpu.vector_store_idx %arg5[%sub3A_427], %broadcast_in_dim3A_94 masked %lt3A_429 : memref<32768xf32, #tpu.memory_space<vmem>>[vector<16xi32>], vector<16xf32>, vector<16xi1>
      %scan3A_430 = arith.constant 4 : i32
      %scan3A_431 = arith.addi %scan3A_391, %scan3A_430 : i32
      %mul3A_432 = arith.constant 16 : i32
      %mul3A_433 = arith.muli %scan3A_431, %mul3A_432 : i32
      %add3A_434 = arith.constant 0 : i32
      %add3A_435 = arith.addi %add3A_434, %mul3A_433 : i32
      %get3A_436 = arith.index_cast %add3A_435 : i32 to index
      %get3A_437 = tpu.vector_load %arg8[%get3A_436] {strides = array<i32>} : memref<4096xi32, #tpu.memory_space<vmem>>, vector<16xi32>,
      %sub3A_438 = arith.subi %get3A_437, %broadcast_in_dim3A_96 : vector<16xi32>
      %bitcast3A_439 = vector.bitcast %sub3A_438 : vector<16xi32> to vector<16xi32>
      %lt3A_440 = arith.cmpi ult, %bitcast3A_439, %broadcast_in_dim3A_98 : vector<16xi32>
      tpu.vector_store_idx %arg5[%sub3A_438], %broadcast_in_dim3A_94 masked %lt3A_440 : memref<32768xf32, #tpu.memory_space<vmem>>[vector<16xi32>], vector<16xf32>, vector<16xi1>
      %scan3A_441 = arith.constant 5 : i32
      %scan3A_442 = arith.addi %scan3A_391, %scan3A_441 : i32
      %mul3A_443 = arith.constant 16 : i32
      %mul3A_444 = arith.muli %scan3A_442, %mul3A_443 : i32
      %add3A_445 = arith.constant 0 : i32
      %add3A_446 = arith.addi %add3A_445, %mul3A_444 : i32
      %get3A_447 = arith.index_cast %add3A_446 : i32 to index
      %get3A_448 = tpu.vector_load %arg8[%get3A_447] {strides = array<i32>} : memref<4096xi32, #tpu.memory_space<vmem>>, vector<16xi32>,
      %sub3A_449 = arith.subi %get3A_448, %broadcast_in_dim3A_96 : vector<16xi32>
      %bitcast3A_450 = vector.bitcast %sub3A_449 : vector<16xi32> to vector<16xi32>
      %lt3A_451 = arith.cmpi ult, %bitcast3A_450, %broadcast_in_dim3A_98 : vector<16xi32>
      tpu.vector_store_idx %arg5[%sub3A_449], %broadcast_in_dim3A_94 masked %lt3A_451 : memref<32768xf32, #tpu.memory_space<vmem>>[vector<16xi32>], vector<16xf32>, vector<16xi1>
      %scan3A_452 = arith.constant 6 : i32
      %scan3A_453 = arith.addi %scan3A_391, %scan3A_452 : i32
      %mul3A_454 = arith.constant 16 : i32
      %mul3A_455 = arith.muli %scan3A_453, %mul3A_454 : i32
      %add3A_456 = arith.constant 0 : i32
      %add3A_457 = arith.addi %add3A_456, %mul3A_455 : i32
      %get3A_458 = arith.index_cast %add3A_457 : i32 to index
      %get3A_459 = tpu.vector_load %arg8[%get3A_458] {strides = array<i32>} : memref<4096xi32, #tpu.memory_space<vmem>>, vector<16xi32>,
      %sub3A_460 = arith.subi %get3A_459, %broadcast_in_dim3A_96 : vector<16xi32>
      %bitcast3A_461 = vector.bitcast %sub3A_460 : vector<16xi32> to vector<16xi32>
      %lt3A_462 = arith.cmpi ult, %bitcast3A_461, %broadcast_in_dim3A_98 : vector<16xi32>
      tpu.vector_store_idx %arg5[%sub3A_460], %broadcast_in_dim3A_94 masked %lt3A_462 : memref<32768xf32, #tpu.memory_space<vmem>>[vector<16xi32>], vector<16xf32>, vector<16xi1>
      %scan3A_463 = arith.constant 7 : i32
      %scan3A_464 = arith.addi %scan3A_391, %scan3A_463 : i32
      %mul3A_465 = arith.constant 16 : i32
      %mul3A_466 = arith.muli %scan3A_464, %mul3A_465 : i32
      %add3A_467 = arith.constant 0 : i32
      %add3A_468 = arith.addi %add3A_467, %mul3A_466 : i32
      %get3A_469 = arith.index_cast %add3A_468 : i32 to index
      %get3A_470 = tpu.vector_load %arg8[%get3A_469] {strides = array<i32>} : memref<4096xi32, #tpu.memory_space<vmem>>, vector<16xi32>,
      %sub3A_471 = arith.subi %get3A_470, %broadcast_in_dim3A_96 : vector<16xi32>
      %bitcast3A_472 = vector.bitcast %sub3A_471 : vector<16xi32> to vector<16xi32>
      %lt3A_473 = arith.cmpi ult, %bitcast3A_472, %broadcast_in_dim3A_98 : vector<16xi32>
      tpu.vector_store_idx %arg5[%sub3A_471], %broadcast_in_dim3A_94 masked %lt3A_473 : memref<32768xf32, #tpu.memory_space<vmem>>[vector<16xi32>], vector<16xf32>, vector<16xi1>
    }
    %scan3A_104 = arith.constant 128 : i32
    %add3A_105 = arith.constant 98304 : i32
    %add3A_106 = arith.addi %mul3A_2, %add3A_105 : i32
    %dma_start3A_107 = tpu.memref_slice %arg4[%add3A_106] : memref<16777216xf32, #tpu.memory_space<hbm>> -> memref<32768xf32, #tpu.memory_space<hbm>>
    %dma_start3A_108 = tpu.memref_slice %arg4[%add3A_106] : memref<16777216xf32, #tpu.memory_space<hbm>> -> memref<32768xf32, #tpu.memory_space<hbm>>
    tpu.enqueue_dma source(%arg5 : memref<32768xf32, #tpu.memory_space<vmem>>) target(%dma_start3A_108 : memref<32768xf32, #tpu.memory_space<hbm>>) target_semaphore(%arg10 : memref<!tpu.dma_semaphore, #tpu.memory_space<semaphore_mem>>)
    %dma_wait3A_109 = tpu.memref_slice %arg4[%add3A_106] : memref<16777216xf32, #tpu.memory_space<hbm>> -> memref<32768xf32, #tpu.memory_space<hbm>>
    %dma_wait3A_110 = tpu.memref_slice %arg4[%add3A_106] : memref<16777216xf32, #tpu.memory_space<hbm>> -> memref<32768xf32, #tpu.memory_space<hbm>>
    tpu.wait_dma2 semaphore(%arg10 : memref<!tpu.dma_semaphore, #tpu.memory_space<semaphore_mem>>) src(%arg5 : memref<32768xf32, #tpu.memory_space<vmem>>) dst(%dma_wait3A_110 : memref<32768xf32, #tpu.memory_space<hbm>>)
    %add3A_111 = arith.constant 196608 : i32
    %add3A_112 = arith.addi %mul3A_2, %add3A_111 : i32
    %dma_start3A_113 = tpu.memref_slice %arg2[%add3A_112] : memref<16777216xf32, #tpu.memory_space<hbm>> -> memref<32768xf32, #tpu.memory_space<hbm>>
    %dma_start3A_114 = tpu.memref_slice %arg2[%add3A_112] : memref<16777216xf32, #tpu.memory_space<hbm>> -> memref<32768xf32, #tpu.memory_space<hbm>>
    tpu.enqueue_dma source(%dma_start3A_114 : memref<32768xf32, #tpu.memory_space<hbm>>) target(%arg5 : memref<32768xf32, #tpu.memory_space<vmem>>) target_semaphore(%arg9 : memref<!tpu.dma_semaphore, #tpu.memory_space<semaphore_mem>>)
    %dma_wait3A_115 = tpu.memref_slice %arg2[%add3A_64] : memref<16777216xf32, #tpu.memory_space<hbm>> -> memref<32768xf32, #tpu.memory_space<hbm>>
    %dma_wait3A_116 = tpu.memref_slice %arg2[%add3A_64] : memref<16777216xf32, #tpu.memory_space<hbm>> -> memref<32768xf32, #tpu.memory_space<hbm>>
    tpu.wait_dma2 semaphore(%arg9 : memref<!tpu.dma_semaphore, #tpu.memory_space<semaphore_mem>>) src(%dma_wait3A_116 : memref<32768xf32, #tpu.memory_space<hbm>>) dst(%arg6 : memref<32768xf32, #tpu.memory_space<vmem>>)
    %broadcast_in_dim3A_117 = arith.constant 0.000000e+00 : f32
    %broadcast_in_dim3A_118 = vector.broadcast %broadcast_in_dim3A_117 : f32 to vector<16xf32>
    %broadcast_in_dim3A_119 = arith.constant 131072 : i32
    %broadcast_in_dim3A_120 = vector.broadcast %broadcast_in_dim3A_119 : i32 to vector<16xi32>
    %broadcast_in_dim3A_121 = arith.constant 32768 : i32
    %broadcast_in_dim3A_122 = vector.broadcast %broadcast_in_dim3A_121 : i32 to vector<16xi32>
    %scan3A_123 = arith.constant 0 : i32
    %scan3A_124 = arith.constant 0 : i32
    %scan3A_125 = arith.constant 128 : i32
    %scan3A_126 = arith.addi %scan3A_124, %scan3A_125 : i32
    %scan3A_127 = arith.constant 8 : i32
    scf.for %scan3A_391 = %scan3A_124 to %scan3A_126 step %scan3A_127  : i32 {
      %mul3A_392 = arith.constant 16 : i32
      %mul3A_393 = arith.muli %scan3A_391, %mul3A_392 : i32
      %add3A_394 = arith.constant 0 : i32
      %add3A_395 = arith.addi %add3A_394, %mul3A_393 : i32
      %get3A = arith.index_cast %add3A_395 : i32 to index
      %get3A_396 = tpu.vector_load %arg8[%get3A] {strides = array<i32>} : memref<4096xi32, #tpu.memory_space<vmem>>, vector<16xi32>,
      %sub3A = arith.subi %get3A_396, %broadcast_in_dim3A_120 : vector<16xi32>
      %bitcast3A = vector.bitcast %sub3A : vector<16xi32> to vector<16xi32>
      %lt3A = arith.cmpi ult, %bitcast3A, %broadcast_in_dim3A_122 : vector<16xi32>
      tpu.vector_store_idx %arg6[%sub3A], %broadcast_in_dim3A_118 masked %lt3A : memref<32768xf32, #tpu.memory_space<vmem>>[vector<16xi32>], vector<16xf32>, vector<16xi1>
      %scan3A_397 = arith.constant 1 : i32
      %scan3A_398 = arith.addi %scan3A_391, %scan3A_397 : i32
      %mul3A_399 = arith.constant 16 : i32
      %mul3A_400 = arith.muli %scan3A_398, %mul3A_399 : i32
      %add3A_401 = arith.constant 0 : i32
      %add3A_402 = arith.addi %add3A_401, %mul3A_400 : i32
      %get3A_403 = arith.index_cast %add3A_402 : i32 to index
      %get3A_404 = tpu.vector_load %arg8[%get3A_403] {strides = array<i32>} : memref<4096xi32, #tpu.memory_space<vmem>>, vector<16xi32>,
      %sub3A_405 = arith.subi %get3A_404, %broadcast_in_dim3A_120 : vector<16xi32>
      %bitcast3A_406 = vector.bitcast %sub3A_405 : vector<16xi32> to vector<16xi32>
      %lt3A_407 = arith.cmpi ult, %bitcast3A_406, %broadcast_in_dim3A_122 : vector<16xi32>
      tpu.vector_store_idx %arg6[%sub3A_405], %broadcast_in_dim3A_118 masked %lt3A_407 : memref<32768xf32, #tpu.memory_space<vmem>>[vector<16xi32>], vector<16xf32>, vector<16xi1>
      %scan3A_408 = arith.constant 2 : i32
      %scan3A_409 = arith.addi %scan3A_391, %scan3A_408 : i32
      %mul3A_410 = arith.constant 16 : i32
      %mul3A_411 = arith.muli %scan3A_409, %mul3A_410 : i32
      %add3A_412 = arith.constant 0 : i32
      %add3A_413 = arith.addi %add3A_412, %mul3A_411 : i32
      %get3A_414 = arith.index_cast %add3A_413 : i32 to index
      %get3A_415 = tpu.vector_load %arg8[%get3A_414] {strides = array<i32>} : memref<4096xi32, #tpu.memory_space<vmem>>, vector<16xi32>,
      %sub3A_416 = arith.subi %get3A_415, %broadcast_in_dim3A_120 : vector<16xi32>
      %bitcast3A_417 = vector.bitcast %sub3A_416 : vector<16xi32> to vector<16xi32>
      %lt3A_418 = arith.cmpi ult, %bitcast3A_417, %broadcast_in_dim3A_122 : vector<16xi32>
      tpu.vector_store_idx %arg6[%sub3A_416], %broadcast_in_dim3A_118 masked %lt3A_418 : memref<32768xf32, #tpu.memory_space<vmem>>[vector<16xi32>], vector<16xf32>, vector<16xi1>
      %scan3A_419 = arith.constant 3 : i32
      %scan3A_420 = arith.addi %scan3A_391, %scan3A_419 : i32
      %mul3A_421 = arith.constant 16 : i32
      %mul3A_422 = arith.muli %scan3A_420, %mul3A_421 : i32
      %add3A_423 = arith.constant 0 : i32
      %add3A_424 = arith.addi %add3A_423, %mul3A_422 : i32
      %get3A_425 = arith.index_cast %add3A_424 : i32 to index
      %get3A_426 = tpu.vector_load %arg8[%get3A_425] {strides = array<i32>} : memref<4096xi32, #tpu.memory_space<vmem>>, vector<16xi32>,
      %sub3A_427 = arith.subi %get3A_426, %broadcast_in_dim3A_120 : vector<16xi32>
      %bitcast3A_428 = vector.bitcast %sub3A_427 : vector<16xi32> to vector<16xi32>
      %lt3A_429 = arith.cmpi ult, %bitcast3A_428, %broadcast_in_dim3A_122 : vector<16xi32>
      tpu.vector_store_idx %arg6[%sub3A_427], %broadcast_in_dim3A_118 masked %lt3A_429 : memref<32768xf32, #tpu.memory_space<vmem>>[vector<16xi32>], vector<16xf32>, vector<16xi1>
      %scan3A_430 = arith.constant 4 : i32
      %scan3A_431 = arith.addi %scan3A_391, %scan3A_430 : i32
      %mul3A_432 = arith.constant 16 : i32
      %mul3A_433 = arith.muli %scan3A_431, %mul3A_432 : i32
      %add3A_434 = arith.constant 0 : i32
      %add3A_435 = arith.addi %add3A_434, %mul3A_433 : i32
      %get3A_436 = arith.index_cast %add3A_435 : i32 to index
      %get3A_437 = tpu.vector_load %arg8[%get3A_436] {strides = array<i32>} : memref<4096xi32, #tpu.memory_space<vmem>>, vector<16xi32>,
      %sub3A_438 = arith.subi %get3A_437, %broadcast_in_dim3A_120 : vector<16xi32>
      %bitcast3A_439 = vector.bitcast %sub3A_438 : vector<16xi32> to vector<16xi32>
      %lt3A_440 = arith.cmpi ult, %bitcast3A_439, %broadcast_in_dim3A_122 : vector<16xi32>
      tpu.vector_store_idx %arg6[%sub3A_438], %broadcast_in_dim3A_118 masked %lt3A_440 : memref<32768xf32, #tpu.memory_space<vmem>>[vector<16xi32>], vector<16xf32>, vector<16xi1>
      %scan3A_441 = arith.constant 5 : i32
      %scan3A_442 = arith.addi %scan3A_391, %scan3A_441 : i32
      %mul3A_443 = arith.constant 16 : i32
      %mul3A_444 = arith.muli %scan3A_442, %mul3A_443 : i32
      %add3A_445 = arith.constant 0 : i32
      %add3A_446 = arith.addi %add3A_445, %mul3A_444 : i32
      %get3A_447 = arith.index_cast %add3A_446 : i32 to index
      %get3A_448 = tpu.vector_load %arg8[%get3A_447] {strides = array<i32>} : memref<4096xi32, #tpu.memory_space<vmem>>, vector<16xi32>,
      %sub3A_449 = arith.subi %get3A_448, %broadcast_in_dim3A_120 : vector<16xi32>
      %bitcast3A_450 = vector.bitcast %sub3A_449 : vector<16xi32> to vector<16xi32>
      %lt3A_451 = arith.cmpi ult, %bitcast3A_450, %broadcast_in_dim3A_122 : vector<16xi32>
      tpu.vector_store_idx %arg6[%sub3A_449], %broadcast_in_dim3A_118 masked %lt3A_451 : memref<32768xf32, #tpu.memory_space<vmem>>[vector<16xi32>], vector<16xf32>, vector<16xi1>
      %scan3A_452 = arith.constant 6 : i32
      %scan3A_453 = arith.addi %scan3A_391, %scan3A_452 : i32
      %mul3A_454 = arith.constant 16 : i32
      %mul3A_455 = arith.muli %scan3A_453, %mul3A_454 : i32
      %add3A_456 = arith.constant 0 : i32
      %add3A_457 = arith.addi %add3A_456, %mul3A_455 : i32
      %get3A_458 = arith.index_cast %add3A_457 : i32 to index
      %get3A_459 = tpu.vector_load %arg8[%get3A_458] {strides = array<i32>} : memref<4096xi32, #tpu.memory_space<vmem>>, vector<16xi32>,
      %sub3A_460 = arith.subi %get3A_459, %broadcast_in_dim3A_120 : vector<16xi32>
      %bitcast3A_461 = vector.bitcast %sub3A_460 : vector<16xi32> to vector<16xi32>
      %lt3A_462 = arith.cmpi ult, %bitcast3A_461, %broadcast_in_dim3A_122 : vector<16xi32>
      tpu.vector_store_idx %arg6[%sub3A_460], %broadcast_in_dim3A_118 masked %lt3A_462 : memref<32768xf32, #tpu.memory_space<vmem>>[vector<16xi32>], vector<16xf32>, vector<16xi1>
      %scan3A_463 = arith.constant 7 : i32
      %scan3A_464 = arith.addi %scan3A_391, %scan3A_463 : i32
      %mul3A_465 = arith.constant 16 : i32
      %mul3A_466 = arith.muli %scan3A_464, %mul3A_465 : i32
      %add3A_467 = arith.constant 0 : i32
      %add3A_468 = arith.addi %add3A_467, %mul3A_466 : i32
      %get3A_469 = arith.index_cast %add3A_468 : i32 to index
      %get3A_470 = tpu.vector_load %arg8[%get3A_469] {strides = array<i32>} : memref<4096xi32, #tpu.memory_space<vmem>>, vector<16xi32>,
      %sub3A_471 = arith.subi %get3A_470, %broadcast_in_dim3A_120 : vector<16xi32>
      %bitcast3A_472 = vector.bitcast %sub3A_471 : vector<16xi32> to vector<16xi32>
      %lt3A_473 = arith.cmpi ult, %bitcast3A_472, %broadcast_in_dim3A_122 : vector<16xi32>
      tpu.vector_store_idx %arg6[%sub3A_471], %broadcast_in_dim3A_118 masked %lt3A_473 : memref<32768xf32, #tpu.memory_space<vmem>>[vector<16xi32>], vector<16xf32>, vector<16xi1>
    }
    %scan3A_128 = arith.constant 128 : i32
    %add3A_129 = arith.constant 131072 : i32
    %add3A_130 = arith.addi %mul3A_2, %add3A_129 : i32
    %dma_start3A_131 = tpu.memref_slice %arg4[%add3A_130] : memref<16777216xf32, #tpu.memory_space<hbm>> -> memref<32768xf32, #tpu.memory_space<hbm>>
    %dma_start3A_132 = tpu.memref_slice %arg4[%add3A_130] : memref<16777216xf32, #tpu.memory_space<hbm>> -> memref<32768xf32, #tpu.memory_space<hbm>>
    tpu.enqueue_dma source(%arg6 : memref<32768xf32, #tpu.memory_space<vmem>>) target(%dma_start3A_132 : memref<32768xf32, #tpu.memory_space<hbm>>) target_semaphore(%arg10 : memref<!tpu.dma_semaphore, #tpu.memory_space<semaphore_mem>>)
    %dma_wait3A_133 = tpu.memref_slice %arg4[%add3A_130] : memref<16777216xf32, #tpu.memory_space<hbm>> -> memref<32768xf32, #tpu.memory_space<hbm>>
    %dma_wait3A_134 = tpu.memref_slice %arg4[%add3A_130] : memref<16777216xf32, #tpu.memory_space<hbm>> -> memref<32768xf32, #tpu.memory_space<hbm>>
    tpu.wait_dma2 semaphore(%arg10 : memref<!tpu.dma_semaphore, #tpu.memory_space<semaphore_mem>>) src(%arg6 : memref<32768xf32, #tpu.memory_space<vmem>>) dst(%dma_wait3A_134 : memref<32768xf32, #tpu.memory_space<hbm>>)
    %add3A_135 = arith.constant 229376 : i32
    %add3A_136 = arith.addi %mul3A_2, %add3A_135 : i32
    %dma_start3A_137 = tpu.memref_slice %arg2[%add3A_136] : memref<16777216xf32, #tpu.memory_space<hbm>> -> memref<32768xf32, #tpu.memory_space<hbm>>
    %dma_start3A_138 = tpu.memref_slice %arg2[%add3A_136] : memref<16777216xf32, #tpu.memory_space<hbm>> -> memref<32768xf32, #tpu.memory_space<hbm>>
    tpu.enqueue_dma source(%dma_start3A_138 : memref<32768xf32, #tpu.memory_space<hbm>>) target(%arg6 : memref<32768xf32, #tpu.memory_space<vmem>>) target_semaphore(%arg9 : memref<!tpu.dma_semaphore, #tpu.memory_space<semaphore_mem>>)
    %dma_wait3A_139 = tpu.memref_slice %arg2[%add3A_88] : memref<16777216xf32, #tpu.memory_space<hbm>> -> memref<32768xf32, #tpu.memory_space<hbm>>
    %dma_wait3A_140 = tpu.memref_slice %arg2[%add3A_88] : memref<16777216xf32, #tpu.memory_space<hbm>> -> memref<32768xf32, #tpu.memory_space<hbm>>
    tpu.wait_dma2 semaphore(%arg9 : memref<!tpu.dma_semaphore, #tpu.memory_space<semaphore_mem>>) src(%dma_wait3A_140 : memref<32768xf32, #tpu.memory_space<hbm>>) dst(%arg7 : memref<32768xf32, #tpu.memory_space<vmem>>)
    %broadcast_in_dim3A_141 = arith.constant 0.000000e+00 : f32
    %broadcast_in_dim3A_142 = vector.broadcast %broadcast_in_dim3A_141 : f32 to vector<16xf32>
    %broadcast_in_dim3A_143 = arith.constant 163840 : i32
    %broadcast_in_dim3A_144 = vector.broadcast %broadcast_in_dim3A_143 : i32 to vector<16xi32>
    %broadcast_in_dim3A_145 = arith.constant 32768 : i32
    %broadcast_in_dim3A_146 = vector.broadcast %broadcast_in_dim3A_145 : i32 to vector<16xi32>
    %scan3A_147 = arith.constant 0 : i32
    %scan3A_148 = arith.constant 0 : i32
    %scan3A_149 = arith.constant 128 : i32
    %scan3A_150 = arith.addi %scan3A_148, %scan3A_149 : i32
    %scan3A_151 = arith.constant 8 : i32
    scf.for %scan3A_391 = %scan3A_148 to %scan3A_150 step %scan3A_151  : i32 {
      %mul3A_392 = arith.constant 16 : i32
      %mul3A_393 = arith.muli %scan3A_391, %mul3A_392 : i32
      %add3A_394 = arith.constant 0 : i32
      %add3A_395 = arith.addi %add3A_394, %mul3A_393 : i32
      %get3A = arith.index_cast %add3A_395 : i32 to index
      %get3A_396 = tpu.vector_load %arg8[%get3A] {strides = array<i32>} : memref<4096xi32, #tpu.memory_space<vmem>>, vector<16xi32>,
      %sub3A = arith.subi %get3A_396, %broadcast_in_dim3A_144 : vector<16xi32>
      %bitcast3A = vector.bitcast %sub3A : vector<16xi32> to vector<16xi32>
      %lt3A = arith.cmpi ult, %bitcast3A, %broadcast_in_dim3A_146 : vector<16xi32>
      tpu.vector_store_idx %arg7[%sub3A], %broadcast_in_dim3A_142 masked %lt3A : memref<32768xf32, #tpu.memory_space<vmem>>[vector<16xi32>], vector<16xf32>, vector<16xi1>
      %scan3A_397 = arith.constant 1 : i32
      %scan3A_398 = arith.addi %scan3A_391, %scan3A_397 : i32
      %mul3A_399 = arith.constant 16 : i32
      %mul3A_400 = arith.muli %scan3A_398, %mul3A_399 : i32
      %add3A_401 = arith.constant 0 : i32
      %add3A_402 = arith.addi %add3A_401, %mul3A_400 : i32
      %get3A_403 = arith.index_cast %add3A_402 : i32 to index
      %get3A_404 = tpu.vector_load %arg8[%get3A_403] {strides = array<i32>} : memref<4096xi32, #tpu.memory_space<vmem>>, vector<16xi32>,
      %sub3A_405 = arith.subi %get3A_404, %broadcast_in_dim3A_144 : vector<16xi32>
      %bitcast3A_406 = vector.bitcast %sub3A_405 : vector<16xi32> to vector<16xi32>
      %lt3A_407 = arith.cmpi ult, %bitcast3A_406, %broadcast_in_dim3A_146 : vector<16xi32>
      tpu.vector_store_idx %arg7[%sub3A_405], %broadcast_in_dim3A_142 masked %lt3A_407 : memref<32768xf32, #tpu.memory_space<vmem>>[vector<16xi32>], vector<16xf32>, vector<16xi1>
      %scan3A_408 = arith.constant 2 : i32
      %scan3A_409 = arith.addi %scan3A_391, %scan3A_408 : i32
      %mul3A_410 = arith.constant 16 : i32
      %mul3A_411 = arith.muli %scan3A_409, %mul3A_410 : i32
      %add3A_412 = arith.constant 0 : i32
      %add3A_413 = arith.addi %add3A_412, %mul3A_411 : i32
      %get3A_414 = arith.index_cast %add3A_413 : i32 to index
      %get3A_415 = tpu.vector_load %arg8[%get3A_414] {strides = array<i32>} : memref<4096xi32, #tpu.memory_space<vmem>>, vector<16xi32>,
      %sub3A_416 = arith.subi %get3A_415, %broadcast_in_dim3A_144 : vector<16xi32>
      %bitcast3A_417 = vector.bitcast %sub3A_416 : vector<16xi32> to vector<16xi32>
      %lt3A_418 = arith.cmpi ult, %bitcast3A_417, %broadcast_in_dim3A_146 : vector<16xi32>
      tpu.vector_store_idx %arg7[%sub3A_416], %broadcast_in_dim3A_142 masked %lt3A_418 : memref<32768xf32, #tpu.memory_space<vmem>>[vector<16xi32>], vector<16xf32>, vector<16xi1>
      %scan3A_419 = arith.constant 3 : i32
      %scan3A_420 = arith.addi %scan3A_391, %scan3A_419 : i32
      %mul3A_421 = arith.constant 16 : i32
      %mul3A_422 = arith.muli %scan3A_420, %mul3A_421 : i32
      %add3A_423 = arith.constant 0 : i32
      %add3A_424 = arith.addi %add3A_423, %mul3A_422 : i32
      %get3A_425 = arith.index_cast %add3A_424 : i32 to index
      %get3A_426 = tpu.vector_load %arg8[%get3A_425] {strides = array<i32>} : memref<4096xi32, #tpu.memory_space<vmem>>, vector<16xi32>,
      %sub3A_427 = arith.subi %get3A_426, %broadcast_in_dim3A_144 : vector<16xi32>
      %bitcast3A_428 = vector.bitcast %sub3A_427 : vector<16xi32> to vector<16xi32>
      %lt3A_429 = arith.cmpi ult, %bitcast3A_428, %broadcast_in_dim3A_146 : vector<16xi32>
      tpu.vector_store_idx %arg7[%sub3A_427], %broadcast_in_dim3A_142 masked %lt3A_429 : memref<32768xf32, #tpu.memory_space<vmem>>[vector<16xi32>], vector<16xf32>, vector<16xi1>
      %scan3A_430 = arith.constant 4 : i32
      %scan3A_431 = arith.addi %scan3A_391, %scan3A_430 : i32
      %mul3A_432 = arith.constant 16 : i32
      %mul3A_433 = arith.muli %scan3A_431, %mul3A_432 : i32
      %add3A_434 = arith.constant 0 : i32
      %add3A_435 = arith.addi %add3A_434, %mul3A_433 : i32
      %get3A_436 = arith.index_cast %add3A_435 : i32 to index
      %get3A_437 = tpu.vector_load %arg8[%get3A_436] {strides = array<i32>} : memref<4096xi32, #tpu.memory_space<vmem>>, vector<16xi32>,
      %sub3A_438 = arith.subi %get3A_437, %broadcast_in_dim3A_144 : vector<16xi32>
      %bitcast3A_439 = vector.bitcast %sub3A_438 : vector<16xi32> to vector<16xi32>
      %lt3A_440 = arith.cmpi ult, %bitcast3A_439, %broadcast_in_dim3A_146 : vector<16xi32>
      tpu.vector_store_idx %arg7[%sub3A_438], %broadcast_in_dim3A_142 masked %lt3A_440 : memref<32768xf32, #tpu.memory_space<vmem>>[vector<16xi32>], vector<16xf32>, vector<16xi1>
      %scan3A_441 = arith.constant 5 : i32
      %scan3A_442 = arith.addi %scan3A_391, %scan3A_441 : i32
      %mul3A_443 = arith.constant 16 : i32
      %mul3A_444 = arith.muli %scan3A_442, %mul3A_443 : i32
      %add3A_445 = arith.constant 0 : i32
      %add3A_446 = arith.addi %add3A_445, %mul3A_444 : i32
      %get3A_447 = arith.index_cast %add3A_446 : i32 to index
      %get3A_448 = tpu.vector_load %arg8[%get3A_447] {strides = array<i32>} : memref<4096xi32, #tpu.memory_space<vmem>>, vector<16xi32>,
      %sub3A_449 = arith.subi %get3A_448, %broadcast_in_dim3A_144 : vector<16xi32>
      %bitcast3A_450 = vector.bitcast %sub3A_449 : vector<16xi32> to vector<16xi32>
      %lt3A_451 = arith.cmpi ult, %bitcast3A_450, %broadcast_in_dim3A_146 : vector<16xi32>
      tpu.vector_store_idx %arg7[%sub3A_449], %broadcast_in_dim3A_142 masked %lt3A_451 : memref<32768xf32, #tpu.memory_space<vmem>>[vector<16xi32>], vector<16xf32>, vector<16xi1>
      %scan3A_452 = arith.constant 6 : i32
      %scan3A_453 = arith.addi %scan3A_391, %scan3A_452 : i32
      %mul3A_454 = arith.constant 16 : i32
      %mul3A_455 = arith.muli %scan3A_453, %mul3A_454 : i32
      %add3A_456 = arith.constant 0 : i32
      %add3A_457 = arith.addi %add3A_456, %mul3A_455 : i32
      %get3A_458 = arith.index_cast %add3A_457 : i32 to index
      %get3A_459 = tpu.vector_load %arg8[%get3A_458] {strides = array<i32>} : memref<4096xi32, #tpu.memory_space<vmem>>, vector<16xi32>,
      %sub3A_460 = arith.subi %get3A_459, %broadcast_in_dim3A_144 : vector<16xi32>
      %bitcast3A_461 = vector.bitcast %sub3A_460 : vector<16xi32> to vector<16xi32>
      %lt3A_462 = arith.cmpi ult, %bitcast3A_461, %broadcast_in_dim3A_146 : vector<16xi32>
      tpu.vector_store_idx %arg7[%sub3A_460], %broadcast_in_dim3A_142 masked %lt3A_462 : memref<32768xf32, #tpu.memory_space<vmem>>[vector<16xi32>], vector<16xf32>, vector<16xi1>
      %scan3A_463 = arith.constant 7 : i32
      %scan3A_464 = arith.addi %scan3A_391, %scan3A_463 : i32
      %mul3A_465 = arith.constant 16 : i32
      %mul3A_466 = arith.muli %scan3A_464, %mul3A_465 : i32
      %add3A_467 = arith.constant 0 : i32
      %add3A_468 = arith.addi %add3A_467, %mul3A_466 : i32
      %get3A_469 = arith.index_cast %add3A_468 : i32 to index
      %get3A_470 = tpu.vector_load %arg8[%get3A_469] {strides = array<i32>} : memref<4096xi32, #tpu.memory_space<vmem>>, vector<16xi32>,
      %sub3A_471 = arith.subi %get3A_470, %broadcast_in_dim3A_144 : vector<16xi32>
      %bitcast3A_472 = vector.bitcast %sub3A_471 : vector<16xi32> to vector<16xi32>
      %lt3A_473 = arith.cmpi ult, %bitcast3A_472, %broadcast_in_dim3A_146 : vector<16xi32>
      tpu.vector_store_idx %arg7[%sub3A_471], %broadcast_in_dim3A_142 masked %lt3A_473 : memref<32768xf32, #tpu.memory_space<vmem>>[vector<16xi32>], vector<16xf32>, vector<16xi1>
    }
    %scan3A_152 = arith.constant 128 : i32
    %add3A_153 = arith.constant 163840 : i32
    %add3A_154 = arith.addi %mul3A_2, %add3A_153 : i32
    %dma_start3A_155 = tpu.memref_slice %arg4[%add3A_154] : memref<16777216xf32, #tpu.memory_space<hbm>> -> memref<32768xf32, #tpu.memory_space<hbm>>
    %dma_start3A_156 = tpu.memref_slice %arg4[%add3A_154] : memref<16777216xf32, #tpu.memory_space<hbm>> -> memref<32768xf32, #tpu.memory_space<hbm>>
    tpu.enqueue_dma source(%arg7 : memref<32768xf32, #tpu.memory_space<vmem>>) target(%dma_start3A_156 : memref<32768xf32, #tpu.memory_space<hbm>>) target_semaphore(%arg10 : memref<!tpu.dma_semaphore, #tpu.memory_space<semaphore_mem>>)
    %dma_wait3A_157 = tpu.memref_slice %arg4[%add3A_154] : memref<16777216xf32, #tpu.memory_space<hbm>> -> memref<32768xf32, #tpu.memory_space<hbm>>
    %dma_wait3A_158 = tpu.memref_slice %arg4[%add3A_154] : memref<16777216xf32, #tpu.memory_space<hbm>> -> memref<32768xf32, #tpu.memory_space<hbm>>
    tpu.wait_dma2 semaphore(%arg10 : memref<!tpu.dma_semaphore, #tpu.memory_space<semaphore_mem>>) src(%arg7 : memref<32768xf32, #tpu.memory_space<vmem>>) dst(%dma_wait3A_158 : memref<32768xf32, #tpu.memory_space<hbm>>)
    %add3A_159 = arith.constant 262144 : i32
    %add3A_160 = arith.addi %mul3A_2, %add3A_159 : i32
    %dma_start3A_161 = tpu.memref_slice %arg2[%add3A_160] : memref<16777216xf32, #tpu.memory_space<hbm>> -> memref<32768xf32, #tpu.memory_space<hbm>>
    %dma_start3A_162 = tpu.memref_slice %arg2[%add3A_160] : memref<16777216xf32, #tpu.memory_space<hbm>> -> memref<32768xf32, #tpu.memory_space<hbm>>
    tpu.enqueue_dma source(%dma_start3A_162 : memref<32768xf32, #tpu.memory_space<hbm>>) target(%arg7 : memref<32768xf32, #tpu.memory_space<vmem>>) target_semaphore(%arg9 : memref<!tpu.dma_semaphore, #tpu.memory_space<semaphore_mem>>)
    %dma_wait3A_163 = tpu.memref_slice %arg2[%add3A_112] : memref<16777216xf32, #tpu.memory_space<hbm>> -> memref<32768xf32, #tpu.memory_space<hbm>>
    %dma_wait3A_164 = tpu.memref_slice %arg2[%add3A_112] : memref<16777216xf32, #tpu.memory_space<hbm>> -> memref<32768xf32, #tpu.memory_space<hbm>>
    tpu.wait_dma2 semaphore(%arg9 : memref<!tpu.dma_semaphore, #tpu.memory_space<semaphore_mem>>) src(%dma_wait3A_164 : memref<32768xf32, #tpu.memory_space<hbm>>) dst(%arg5 : memref<32768xf32, #tpu.memory_space<vmem>>)
    %broadcast_in_dim3A_165 = arith.constant 0.000000e+00 : f32
    %broadcast_in_dim3A_166 = vector.broadcast %broadcast_in_dim3A_165 : f32 to vector<16xf32>
    %broadcast_in_dim3A_167 = arith.constant 196608 : i32
    %broadcast_in_dim3A_168 = vector.broadcast %broadcast_in_dim3A_167 : i32 to vector<16xi32>
    %broadcast_in_dim3A_169 = arith.constant 32768 : i32
    %broadcast_in_dim3A_170 = vector.broadcast %broadcast_in_dim3A_169 : i32 to vector<16xi32>
    %scan3A_171 = arith.constant 0 : i32
    %scan3A_172 = arith.constant 0 : i32
    %scan3A_173 = arith.constant 128 : i32
    %scan3A_174 = arith.addi %scan3A_172, %scan3A_173 : i32
    %scan3A_175 = arith.constant 8 : i32
    scf.for %scan3A_391 = %scan3A_172 to %scan3A_174 step %scan3A_175  : i32 {
      %mul3A_392 = arith.constant 16 : i32
      %mul3A_393 = arith.muli %scan3A_391, %mul3A_392 : i32
      %add3A_394 = arith.constant 0 : i32
      %add3A_395 = arith.addi %add3A_394, %mul3A_393 : i32
      %get3A = arith.index_cast %add3A_395 : i32 to index
      %get3A_396 = tpu.vector_load %arg8[%get3A] {strides = array<i32>} : memref<4096xi32, #tpu.memory_space<vmem>>, vector<16xi32>,
      %sub3A = arith.subi %get3A_396, %broadcast_in_dim3A_168 : vector<16xi32>
      %bitcast3A = vector.bitcast %sub3A : vector<16xi32> to vector<16xi32>
      %lt3A = arith.cmpi ult, %bitcast3A, %broadcast_in_dim3A_170 : vector<16xi32>
      tpu.vector_store_idx %arg5[%sub3A], %broadcast_in_dim3A_166 masked %lt3A : memref<32768xf32, #tpu.memory_space<vmem>>[vector<16xi32>], vector<16xf32>, vector<16xi1>
      %scan3A_397 = arith.constant 1 : i32
      %scan3A_398 = arith.addi %scan3A_391, %scan3A_397 : i32
      %mul3A_399 = arith.constant 16 : i32
      %mul3A_400 = arith.muli %scan3A_398, %mul3A_399 : i32
      %add3A_401 = arith.constant 0 : i32
      %add3A_402 = arith.addi %add3A_401, %mul3A_400 : i32
      %get3A_403 = arith.index_cast %add3A_402 : i32 to index
      %get3A_404 = tpu.vector_load %arg8[%get3A_403] {strides = array<i32>} : memref<4096xi32, #tpu.memory_space<vmem>>, vector<16xi32>,
      %sub3A_405 = arith.subi %get3A_404, %broadcast_in_dim3A_168 : vector<16xi32>
      %bitcast3A_406 = vector.bitcast %sub3A_405 : vector<16xi32> to vector<16xi32>
      %lt3A_407 = arith.cmpi ult, %bitcast3A_406, %broadcast_in_dim3A_170 : vector<16xi32>
      tpu.vector_store_idx %arg5[%sub3A_405], %broadcast_in_dim3A_166 masked %lt3A_407 : memref<32768xf32, #tpu.memory_space<vmem>>[vector<16xi32>], vector<16xf32>, vector<16xi1>
      %scan3A_408 = arith.constant 2 : i32
      %scan3A_409 = arith.addi %scan3A_391, %scan3A_408 : i32
      %mul3A_410 = arith.constant 16 : i32
      %mul3A_411 = arith.muli %scan3A_409, %mul3A_410 : i32
      %add3A_412 = arith.constant 0 : i32
      %add3A_413 = arith.addi %add3A_412, %mul3A_411 : i32
      %get3A_414 = arith.index_cast %add3A_413 : i32 to index
      %get3A_415 = tpu.vector_load %arg8[%get3A_414] {strides = array<i32>} : memref<4096xi32, #tpu.memory_space<vmem>>, vector<16xi32>,
      %sub3A_416 = arith.subi %get3A_415, %broadcast_in_dim3A_168 : vector<16xi32>
      %bitcast3A_417 = vector.bitcast %sub3A_416 : vector<16xi32> to vector<16xi32>
      %lt3A_418 = arith.cmpi ult, %bitcast3A_417, %broadcast_in_dim3A_170 : vector<16xi32>
      tpu.vector_store_idx %arg5[%sub3A_416], %broadcast_in_dim3A_166 masked %lt3A_418 : memref<32768xf32, #tpu.memory_space<vmem>>[vector<16xi32>], vector<16xf32>, vector<16xi1>
      %scan3A_419 = arith.constant 3 : i32
      %scan3A_420 = arith.addi %scan3A_391, %scan3A_419 : i32
      %mul3A_421 = arith.constant 16 : i32
      %mul3A_422 = arith.muli %scan3A_420, %mul3A_421 : i32
      %add3A_423 = arith.constant 0 : i32
      %add3A_424 = arith.addi %add3A_423, %mul3A_422 : i32
      %get3A_425 = arith.index_cast %add3A_424 : i32 to index
      %get3A_426 = tpu.vector_load %arg8[%get3A_425] {strides = array<i32>} : memref<4096xi32, #tpu.memory_space<vmem>>, vector<16xi32>,
      %sub3A_427 = arith.subi %get3A_426, %broadcast_in_dim3A_168 : vector<16xi32>
      %bitcast3A_428 = vector.bitcast %sub3A_427 : vector<16xi32> to vector<16xi32>
      %lt3A_429 = arith.cmpi ult, %bitcast3A_428, %broadcast_in_dim3A_170 : vector<16xi32>
      tpu.vector_store_idx %arg5[%sub3A_427], %broadcast_in_dim3A_166 masked %lt3A_429 : memref<32768xf32, #tpu.memory_space<vmem>>[vector<16xi32>], vector<16xf32>, vector<16xi1>
      %scan3A_430 = arith.constant 4 : i32
      %scan3A_431 = arith.addi %scan3A_391, %scan3A_430 : i32
      %mul3A_432 = arith.constant 16 : i32
      %mul3A_433 = arith.muli %scan3A_431, %mul3A_432 : i32
      %add3A_434 = arith.constant 0 : i32
      %add3A_435 = arith.addi %add3A_434, %mul3A_433 : i32
      %get3A_436 = arith.index_cast %add3A_435 : i32 to index
      %get3A_437 = tpu.vector_load %arg8[%get3A_436] {strides = array<i32>} : memref<4096xi32, #tpu.memory_space<vmem>>, vector<16xi32>,
      %sub3A_438 = arith.subi %get3A_437, %broadcast_in_dim3A_168 : vector<16xi32>
      %bitcast3A_439 = vector.bitcast %sub3A_438 : vector<16xi32> to vector<16xi32>
      %lt3A_440 = arith.cmpi ult, %bitcast3A_439, %broadcast_in_dim3A_170 : vector<16xi32>
      tpu.vector_store_idx %arg5[%sub3A_438], %broadcast_in_dim3A_166 masked %lt3A_440 : memref<32768xf32, #tpu.memory_space<vmem>>[vector<16xi32>], vector<16xf32>, vector<16xi1>
      %scan3A_441 = arith.constant 5 : i32
      %scan3A_442 = arith.addi %scan3A_391, %scan3A_441 : i32
      %mul3A_443 = arith.constant 16 : i32
      %mul3A_444 = arith.muli %scan3A_442, %mul3A_443 : i32
      %add3A_445 = arith.constant 0 : i32
      %add3A_446 = arith.addi %add3A_445, %mul3A_444 : i32
      %get3A_447 = arith.index_cast %add3A_446 : i32 to index
      %get3A_448 = tpu.vector_load %arg8[%get3A_447] {strides = array<i32>} : memref<4096xi32, #tpu.memory_space<vmem>>, vector<16xi32>,
      %sub3A_449 = arith.subi %get3A_448, %broadcast_in_dim3A_168 : vector<16xi32>
      %bitcast3A_450 = vector.bitcast %sub3A_449 : vector<16xi32> to vector<16xi32>
      %lt3A_451 = arith.cmpi ult, %bitcast3A_450, %broadcast_in_dim3A_170 : vector<16xi32>
      tpu.vector_store_idx %arg5[%sub3A_449], %broadcast_in_dim3A_166 masked %lt3A_451 : memref<32768xf32, #tpu.memory_space<vmem>>[vector<16xi32>], vector<16xf32>, vector<16xi1>
      %scan3A_452 = arith.constant 6 : i32
      %scan3A_453 = arith.addi %scan3A_391, %scan3A_452 : i32
      %mul3A_454 = arith.constant 16 : i32
      %mul3A_455 = arith.muli %scan3A_453, %mul3A_454 : i32
      %add3A_456 = arith.constant 0 : i32
      %add3A_457 = arith.addi %add3A_456, %mul3A_455 : i32
      %get3A_458 = arith.index_cast %add3A_457 : i32 to index
      %get3A_459 = tpu.vector_load %arg8[%get3A_458] {strides = array<i32>} : memref<4096xi32, #tpu.memory_space<vmem>>, vector<16xi32>,
      %sub3A_460 = arith.subi %get3A_459, %broadcast_in_dim3A_168 : vector<16xi32>
      %bitcast3A_461 = vector.bitcast %sub3A_460 : vector<16xi32> to vector<16xi32>
      %lt3A_462 = arith.cmpi ult, %bitcast3A_461, %broadcast_in_dim3A_170 : vector<16xi32>
      tpu.vector_store_idx %arg5[%sub3A_460], %broadcast_in_dim3A_166 masked %lt3A_462 : memref<32768xf32, #tpu.memory_space<vmem>>[vector<16xi32>], vector<16xf32>, vector<16xi1>
      %scan3A_463 = arith.constant 7 : i32
      %scan3A_464 = arith.addi %scan3A_391, %scan3A_463 : i32
      %mul3A_465 = arith.constant 16 : i32
      %mul3A_466 = arith.muli %scan3A_464, %mul3A_465 : i32
      %add3A_467 = arith.constant 0 : i32
      %add3A_468 = arith.addi %add3A_467, %mul3A_466 : i32
      %get3A_469 = arith.index_cast %add3A_468 : i32 to index
      %get3A_470 = tpu.vector_load %arg8[%get3A_469] {strides = array<i32>} : memref<4096xi32, #tpu.memory_space<vmem>>, vector<16xi32>,
      %sub3A_471 = arith.subi %get3A_470, %broadcast_in_dim3A_168 : vector<16xi32>
      %bitcast3A_472 = vector.bitcast %sub3A_471 : vector<16xi32> to vector<16xi32>
      %lt3A_473 = arith.cmpi ult, %bitcast3A_472, %broadcast_in_dim3A_170 : vector<16xi32>
      tpu.vector_store_idx %arg5[%sub3A_471], %broadcast_in_dim3A_166 masked %lt3A_473 : memref<32768xf32, #tpu.memory_space<vmem>>[vector<16xi32>], vector<16xf32>, vector<16xi1>
    }
    %scan3A_176 = arith.constant 128 : i32
    %add3A_177 = arith.constant 196608 : i32
    %add3A_178 = arith.addi %mul3A_2, %add3A_177 : i32
    %dma_start3A_179 = tpu.memref_slice %arg4[%add3A_178] : memref<16777216xf32, #tpu.memory_space<hbm>> -> memref<32768xf32, #tpu.memory_space<hbm>>
    %dma_start3A_180 = tpu.memref_slice %arg4[%add3A_178] : memref<16777216xf32, #tpu.memory_space<hbm>> -> memref<32768xf32, #tpu.memory_space<hbm>>
    tpu.enqueue_dma source(%arg5 : memref<32768xf32, #tpu.memory_space<vmem>>) target(%dma_start3A_180 : memref<32768xf32, #tpu.memory_space<hbm>>) target_semaphore(%arg10 : memref<!tpu.dma_semaphore, #tpu.memory_space<semaphore_mem>>)
    %dma_wait3A_181 = tpu.memref_slice %arg4[%add3A_178] : memref<16777216xf32, #tpu.memory_space<hbm>> -> memref<32768xf32, #tpu.memory_space<hbm>>
    %dma_wait3A_182 = tpu.memref_slice %arg4[%add3A_178] : memref<16777216xf32, #tpu.memory_space<hbm>> -> memref<32768xf32, #tpu.memory_space<hbm>>
    tpu.wait_dma2 semaphore(%arg10 : memref<!tpu.dma_semaphore, #tpu.memory_space<semaphore_mem>>) src(%arg5 : memref<32768xf32, #tpu.memory_space<vmem>>) dst(%dma_wait3A_182 : memref<32768xf32, #tpu.memory_space<hbm>>)
    %add3A_183 = arith.constant 294912 : i32
    %add3A_184 = arith.addi %mul3A_2, %add3A_183 : i32
    %dma_start3A_185 = tpu.memref_slice %arg2[%add3A_184] : memref<16777216xf32, #tpu.memory_space<hbm>> -> memref<32768xf32, #tpu.memory_space<hbm>>
    %dma_start3A_186 = tpu.memref_slice %arg2[%add3A_184] : memref<16777216xf32, #tpu.memory_space<hbm>> -> memref<32768xf32, #tpu.memory_space<hbm>>
    tpu.enqueue_dma source(%dma_start3A_186 : memref<32768xf32, #tpu.memory_space<hbm>>) target(%arg5 : memref<32768xf32, #tpu.memory_space<vmem>>) target_semaphore(%arg9 : memref<!tpu.dma_semaphore, #tpu.memory_space<semaphore_mem>>)
    %dma_wait3A_187 = tpu.memref_slice %arg2[%add3A_136] : memref<16777216xf32, #tpu.memory_space<hbm>> -> memref<32768xf32, #tpu.memory_space<hbm>>
    %dma_wait3A_188 = tpu.memref_slice %arg2[%add3A_136] : memref<16777216xf32, #tpu.memory_space<hbm>> -> memref<32768xf32, #tpu.memory_space<hbm>>
    tpu.wait_dma2 semaphore(%arg9 : memref<!tpu.dma_semaphore, #tpu.memory_space<semaphore_mem>>) src(%dma_wait3A_188 : memref<32768xf32, #tpu.memory_space<hbm>>) dst(%arg6 : memref<32768xf32, #tpu.memory_space<vmem>>)
    %broadcast_in_dim3A_189 = arith.constant 0.000000e+00 : f32
    %broadcast_in_dim3A_190 = vector.broadcast %broadcast_in_dim3A_189 : f32 to vector<16xf32>
    %broadcast_in_dim3A_191 = arith.constant 229376 : i32
    %broadcast_in_dim3A_192 = vector.broadcast %broadcast_in_dim3A_191 : i32 to vector<16xi32>
    %broadcast_in_dim3A_193 = arith.constant 32768 : i32
    %broadcast_in_dim3A_194 = vector.broadcast %broadcast_in_dim3A_193 : i32 to vector<16xi32>
    %scan3A_195 = arith.constant 0 : i32
    %scan3A_196 = arith.constant 0 : i32
    %scan3A_197 = arith.constant 128 : i32
    %scan3A_198 = arith.addi %scan3A_196, %scan3A_197 : i32
    %scan3A_199 = arith.constant 8 : i32
    scf.for %scan3A_391 = %scan3A_196 to %scan3A_198 step %scan3A_199  : i32 {
      %mul3A_392 = arith.constant 16 : i32
      %mul3A_393 = arith.muli %scan3A_391, %mul3A_392 : i32
      %add3A_394 = arith.constant 0 : i32
      %add3A_395 = arith.addi %add3A_394, %mul3A_393 : i32
      %get3A = arith.index_cast %add3A_395 : i32 to index
      %get3A_396 = tpu.vector_load %arg8[%get3A] {strides = array<i32>} : memref<4096xi32, #tpu.memory_space<vmem>>, vector<16xi32>,
      %sub3A = arith.subi %get3A_396, %broadcast_in_dim3A_192 : vector<16xi32>
      %bitcast3A = vector.bitcast %sub3A : vector<16xi32> to vector<16xi32>
      %lt3A = arith.cmpi ult, %bitcast3A, %broadcast_in_dim3A_194 : vector<16xi32>
      tpu.vector_store_idx %arg6[%sub3A], %broadcast_in_dim3A_190 masked %lt3A : memref<32768xf32, #tpu.memory_space<vmem>>[vector<16xi32>], vector<16xf32>, vector<16xi1>
      %scan3A_397 = arith.constant 1 : i32
      %scan3A_398 = arith.addi %scan3A_391, %scan3A_397 : i32
      %mul3A_399 = arith.constant 16 : i32
      %mul3A_400 = arith.muli %scan3A_398, %mul3A_399 : i32
      %add3A_401 = arith.constant 0 : i32
      %add3A_402 = arith.addi %add3A_401, %mul3A_400 : i32
      %get3A_403 = arith.index_cast %add3A_402 : i32 to index
      %get3A_404 = tpu.vector_load %arg8[%get3A_403] {strides = array<i32>} : memref<4096xi32, #tpu.memory_space<vmem>>, vector<16xi32>,
      %sub3A_405 = arith.subi %get3A_404, %broadcast_in_dim3A_192 : vector<16xi32>
      %bitcast3A_406 = vector.bitcast %sub3A_405 : vector<16xi32> to vector<16xi32>
      %lt3A_407 = arith.cmpi ult, %bitcast3A_406, %broadcast_in_dim3A_194 : vector<16xi32>
      tpu.vector_store_idx %arg6[%sub3A_405], %broadcast_in_dim3A_190 masked %lt3A_407 : memref<32768xf32, #tpu.memory_space<vmem>>[vector<16xi32>], vector<16xf32>, vector<16xi1>
      %scan3A_408 = arith.constant 2 : i32
      %scan3A_409 = arith.addi %scan3A_391, %scan3A_408 : i32
      %mul3A_410 = arith.constant 16 : i32
      %mul3A_411 = arith.muli %scan3A_409, %mul3A_410 : i32
      %add3A_412 = arith.constant 0 : i32
      %add3A_413 = arith.addi %add3A_412, %mul3A_411 : i32
      %get3A_414 = arith.index_cast %add3A_413 : i32 to index
      %get3A_415 = tpu.vector_load %arg8[%get3A_414] {strides = array<i32>} : memref<4096xi32, #tpu.memory_space<vmem>>, vector<16xi32>,
      %sub3A_416 = arith.subi %get3A_415, %broadcast_in_dim3A_192 : vector<16xi32>
      %bitcast3A_417 = vector.bitcast %sub3A_416 : vector<16xi32> to vector<16xi32>
      %lt3A_418 = arith.cmpi ult, %bitcast3A_417, %broadcast_in_dim3A_194 : vector<16xi32>
      tpu.vector_store_idx %arg6[%sub3A_416], %broadcast_in_dim3A_190 masked %lt3A_418 : memref<32768xf32, #tpu.memory_space<vmem>>[vector<16xi32>], vector<16xf32>, vector<16xi1>
      %scan3A_419 = arith.constant 3 : i32
      %scan3A_420 = arith.addi %scan3A_391, %scan3A_419 : i32
      %mul3A_421 = arith.constant 16 : i32
      %mul3A_422 = arith.muli %scan3A_420, %mul3A_421 : i32
      %add3A_423 = arith.constant 0 : i32
      %add3A_424 = arith.addi %add3A_423, %mul3A_422 : i32
      %get3A_425 = arith.index_cast %add3A_424 : i32 to index
      %get3A_426 = tpu.vector_load %arg8[%get3A_425] {strides = array<i32>} : memref<4096xi32, #tpu.memory_space<vmem>>, vector<16xi32>,
      %sub3A_427 = arith.subi %get3A_426, %broadcast_in_dim3A_192 : vector<16xi32>
      %bitcast3A_428 = vector.bitcast %sub3A_427 : vector<16xi32> to vector<16xi32>
      %lt3A_429 = arith.cmpi ult, %bitcast3A_428, %broadcast_in_dim3A_194 : vector<16xi32>
      tpu.vector_store_idx %arg6[%sub3A_427], %broadcast_in_dim3A_190 masked %lt3A_429 : memref<32768xf32, #tpu.memory_space<vmem>>[vector<16xi32>], vector<16xf32>, vector<16xi1>
      %scan3A_430 = arith.constant 4 : i32
      %scan3A_431 = arith.addi %scan3A_391, %scan3A_430 : i32
      %mul3A_432 = arith.constant 16 : i32
      %mul3A_433 = arith.muli %scan3A_431, %mul3A_432 : i32
      %add3A_434 = arith.constant 0 : i32
      %add3A_435 = arith.addi %add3A_434, %mul3A_433 : i32
      %get3A_436 = arith.index_cast %add3A_435 : i32 to index
      %get3A_437 = tpu.vector_load %arg8[%get3A_436] {strides = array<i32>} : memref<4096xi32, #tpu.memory_space<vmem>>, vector<16xi32>,
      %sub3A_438 = arith.subi %get3A_437, %broadcast_in_dim3A_192 : vector<16xi32>
      %bitcast3A_439 = vector.bitcast %sub3A_438 : vector<16xi32> to vector<16xi32>
      %lt3A_440 = arith.cmpi ult, %bitcast3A_439, %broadcast_in_dim3A_194 : vector<16xi32>
      tpu.vector_store_idx %arg6[%sub3A_438], %broadcast_in_dim3A_190 masked %lt3A_440 : memref<32768xf32, #tpu.memory_space<vmem>>[vector<16xi32>], vector<16xf32>, vector<16xi1>
      %scan3A_441 = arith.constant 5 : i32
      %scan3A_442 = arith.addi %scan3A_391, %scan3A_441 : i32
      %mul3A_443 = arith.constant 16 : i32
      %mul3A_444 = arith.muli %scan3A_442, %mul3A_443 : i32
      %add3A_445 = arith.constant 0 : i32
      %add3A_446 = arith.addi %add3A_445, %mul3A_444 : i32
      %get3A_447 = arith.index_cast %add3A_446 : i32 to index
      %get3A_448 = tpu.vector_load %arg8[%get3A_447] {strides = array<i32>} : memref<4096xi32, #tpu.memory_space<vmem>>, vector<16xi32>,
      %sub3A_449 = arith.subi %get3A_448, %broadcast_in_dim3A_192 : vector<16xi32>
      %bitcast3A_450 = vector.bitcast %sub3A_449 : vector<16xi32> to vector<16xi32>
      %lt3A_451 = arith.cmpi ult, %bitcast3A_450, %broadcast_in_dim3A_194 : vector<16xi32>
      tpu.vector_store_idx %arg6[%sub3A_449], %broadcast_in_dim3A_190 masked %lt3A_451 : memref<32768xf32, #tpu.memory_space<vmem>>[vector<16xi32>], vector<16xf32>, vector<16xi1>
      %scan3A_452 = arith.constant 6 : i32
      %scan3A_453 = arith.addi %scan3A_391, %scan3A_452 : i32
      %mul3A_454 = arith.constant 16 : i32
      %mul3A_455 = arith.muli %scan3A_453, %mul3A_454 : i32
      %add3A_456 = arith.constant 0 : i32
      %add3A_457 = arith.addi %add3A_456, %mul3A_455 : i32
      %get3A_458 = arith.index_cast %add3A_457 : i32 to index
      %get3A_459 = tpu.vector_load %arg8[%get3A_458] {strides = array<i32>} : memref<4096xi32, #tpu.memory_space<vmem>>, vector<16xi32>,
      %sub3A_460 = arith.subi %get3A_459, %broadcast_in_dim3A_192 : vector<16xi32>
      %bitcast3A_461 = vector.bitcast %sub3A_460 : vector<16xi32> to vector<16xi32>
      %lt3A_462 = arith.cmpi ult, %bitcast3A_461, %broadcast_in_dim3A_194 : vector<16xi32>
      tpu.vector_store_idx %arg6[%sub3A_460], %broadcast_in_dim3A_190 masked %lt3A_462 : memref<32768xf32, #tpu.memory_space<vmem>>[vector<16xi32>], vector<16xf32>, vector<16xi1>
      %scan3A_463 = arith.constant 7 : i32
      %scan3A_464 = arith.addi %scan3A_391, %scan3A_463 : i32
      %mul3A_465 = arith.constant 16 : i32
      %mul3A_466 = arith.muli %scan3A_464, %mul3A_465 : i32
      %add3A_467 = arith.constant 0 : i32
      %add3A_468 = arith.addi %add3A_467, %mul3A_466 : i32
      %get3A_469 = arith.index_cast %add3A_468 : i32 to index
      %get3A_470 = tpu.vector_load %arg8[%get3A_469] {strides = array<i32>} : memref<4096xi32, #tpu.memory_space<vmem>>, vector<16xi32>,
      %sub3A_471 = arith.subi %get3A_470, %broadcast_in_dim3A_192 : vector<16xi32>
      %bitcast3A_472 = vector.bitcast %sub3A_471 : vector<16xi32> to vector<16xi32>
      %lt3A_473 = arith.cmpi ult, %bitcast3A_472, %broadcast_in_dim3A_194 : vector<16xi32>
      tpu.vector_store_idx %arg6[%sub3A_471], %broadcast_in_dim3A_190 masked %lt3A_473 : memref<32768xf32, #tpu.memory_space<vmem>>[vector<16xi32>], vector<16xf32>, vector<16xi1>
    }
    %scan3A_200 = arith.constant 128 : i32
    %add3A_201 = arith.constant 229376 : i32
    %add3A_202 = arith.addi %mul3A_2, %add3A_201 : i32
    %dma_start3A_203 = tpu.memref_slice %arg4[%add3A_202] : memref<16777216xf32, #tpu.memory_space<hbm>> -> memref<32768xf32, #tpu.memory_space<hbm>>
    %dma_start3A_204 = tpu.memref_slice %arg4[%add3A_202] : memref<16777216xf32, #tpu.memory_space<hbm>> -> memref<32768xf32, #tpu.memory_space<hbm>>
    tpu.enqueue_dma source(%arg6 : memref<32768xf32, #tpu.memory_space<vmem>>) target(%dma_start3A_204 : memref<32768xf32, #tpu.memory_space<hbm>>) target_semaphore(%arg10 : memref<!tpu.dma_semaphore, #tpu.memory_space<semaphore_mem>>)
    %dma_wait3A_205 = tpu.memref_slice %arg4[%add3A_202] : memref<16777216xf32, #tpu.memory_space<hbm>> -> memref<32768xf32, #tpu.memory_space<hbm>>
    %dma_wait3A_206 = tpu.memref_slice %arg4[%add3A_202] : memref<16777216xf32, #tpu.memory_space<hbm>> -> memref<32768xf32, #tpu.memory_space<hbm>>
    tpu.wait_dma2 semaphore(%arg10 : memref<!tpu.dma_semaphore, #tpu.memory_space<semaphore_mem>>) src(%arg6 : memref<32768xf32, #tpu.memory_space<vmem>>) dst(%dma_wait3A_206 : memref<32768xf32, #tpu.memory_space<hbm>>)
    %add3A_207 = arith.constant 327680 : i32
    %add3A_208 = arith.addi %mul3A_2, %add3A_207 : i32
    %dma_start3A_209 = tpu.memref_slice %arg2[%add3A_208] : memref<16777216xf32, #tpu.memory_space<hbm>> -> memref<32768xf32, #tpu.memory_space<hbm>>
    %dma_start3A_210 = tpu.memref_slice %arg2[%add3A_208] : memref<16777216xf32, #tpu.memory_space<hbm>> -> memref<32768xf32, #tpu.memory_space<hbm>>
    tpu.enqueue_dma source(%dma_start3A_210 : memref<32768xf32, #tpu.memory_space<hbm>>) target(%arg6 : memref<32768xf32, #tpu.memory_space<vmem>>) target_semaphore(%arg9 : memref<!tpu.dma_semaphore, #tpu.memory_space<semaphore_mem>>)
    %dma_wait3A_211 = tpu.memref_slice %arg2[%add3A_160] : memref<16777216xf32, #tpu.memory_space<hbm>> -> memref<32768xf32, #tpu.memory_space<hbm>>
    %dma_wait3A_212 = tpu.memref_slice %arg2[%add3A_160] : memref<16777216xf32, #tpu.memory_space<hbm>> -> memref<32768xf32, #tpu.memory_space<hbm>>
    tpu.wait_dma2 semaphore(%arg9 : memref<!tpu.dma_semaphore, #tpu.memory_space<semaphore_mem>>) src(%dma_wait3A_212 : memref<32768xf32, #tpu.memory_space<hbm>>) dst(%arg7 : memref<32768xf32, #tpu.memory_space<vmem>>)
    %broadcast_in_dim3A_213 = arith.constant 0.000000e+00 : f32
    %broadcast_in_dim3A_214 = vector.broadcast %broadcast_in_dim3A_213 : f32 to vector<16xf32>
    %broadcast_in_dim3A_215 = arith.constant 0 : i32
    %broadcast_in_dim3A_216 = vector.broadcast %broadcast_in_dim3A_215 : i32 to vector<16xi32>
    %broadcast_in_dim3A_217 = arith.constant 32768 : i32
    %broadcast_in_dim3A_218 = vector.broadcast %broadcast_in_dim3A_217 : i32 to vector<16xi32>
    %scan3A_219 = arith.constant 0 : i32
    %scan3A_220 = arith.constant 0 : i32
    %scan3A_221 = arith.constant 128 : i32
    %scan3A_222 = arith.addi %scan3A_220, %scan3A_221 : i32
    %scan3A_223 = arith.constant 8 : i32
    scf.for %scan3A_391 = %scan3A_220 to %scan3A_222 step %scan3A_223  : i32 {
      %mul3A_392 = arith.constant 16 : i32
      %mul3A_393 = arith.muli %scan3A_391, %mul3A_392 : i32
      %add3A_394 = arith.constant 2048 : i32
      %add3A_395 = arith.addi %add3A_394, %mul3A_393 : i32
      %get3A = arith.index_cast %add3A_395 : i32 to index
      %get3A_396 = tpu.vector_load %arg8[%get3A] {strides = array<i32>} : memref<4096xi32, #tpu.memory_space<vmem>>, vector<16xi32>,
      %sub3A = arith.subi %get3A_396, %broadcast_in_dim3A_216 : vector<16xi32>
      %bitcast3A = vector.bitcast %sub3A : vector<16xi32> to vector<16xi32>
      %lt3A = arith.cmpi ult, %bitcast3A, %broadcast_in_dim3A_218 : vector<16xi32>
      tpu.vector_store_idx %arg7[%sub3A], %broadcast_in_dim3A_214 masked %lt3A : memref<32768xf32, #tpu.memory_space<vmem>>[vector<16xi32>], vector<16xf32>, vector<16xi1>
      %scan3A_397 = arith.constant 1 : i32
      %scan3A_398 = arith.addi %scan3A_391, %scan3A_397 : i32
      %mul3A_399 = arith.constant 16 : i32
      %mul3A_400 = arith.muli %scan3A_398, %mul3A_399 : i32
      %add3A_401 = arith.constant 2048 : i32
      %add3A_402 = arith.addi %add3A_401, %mul3A_400 : i32
      %get3A_403 = arith.index_cast %add3A_402 : i32 to index
      %get3A_404 = tpu.vector_load %arg8[%get3A_403] {strides = array<i32>} : memref<4096xi32, #tpu.memory_space<vmem>>, vector<16xi32>,
      %sub3A_405 = arith.subi %get3A_404, %broadcast_in_dim3A_216 : vector<16xi32>
      %bitcast3A_406 = vector.bitcast %sub3A_405 : vector<16xi32> to vector<16xi32>
      %lt3A_407 = arith.cmpi ult, %bitcast3A_406, %broadcast_in_dim3A_218 : vector<16xi32>
      tpu.vector_store_idx %arg7[%sub3A_405], %broadcast_in_dim3A_214 masked %lt3A_407 : memref<32768xf32, #tpu.memory_space<vmem>>[vector<16xi32>], vector<16xf32>, vector<16xi1>
      %scan3A_408 = arith.constant 2 : i32
      %scan3A_409 = arith.addi %scan3A_391, %scan3A_408 : i32
      %mul3A_410 = arith.constant 16 : i32
      %mul3A_411 = arith.muli %scan3A_409, %mul3A_410 : i32
      %add3A_412 = arith.constant 2048 : i32
      %add3A_413 = arith.addi %add3A_412, %mul3A_411 : i32
      %get3A_414 = arith.index_cast %add3A_413 : i32 to index
      %get3A_415 = tpu.vector_load %arg8[%get3A_414] {strides = array<i32>} : memref<4096xi32, #tpu.memory_space<vmem>>, vector<16xi32>,
      %sub3A_416 = arith.subi %get3A_415, %broadcast_in_dim3A_216 : vector<16xi32>
      %bitcast3A_417 = vector.bitcast %sub3A_416 : vector<16xi32> to vector<16xi32>
      %lt3A_418 = arith.cmpi ult, %bitcast3A_417, %broadcast_in_dim3A_218 : vector<16xi32>
      tpu.vector_store_idx %arg7[%sub3A_416], %broadcast_in_dim3A_214 masked %lt3A_418 : memref<32768xf32, #tpu.memory_space<vmem>>[vector<16xi32>], vector<16xf32>, vector<16xi1>
      %scan3A_419 = arith.constant 3 : i32
      %scan3A_420 = arith.addi %scan3A_391, %scan3A_419 : i32
      %mul3A_421 = arith.constant 16 : i32
      %mul3A_422 = arith.muli %scan3A_420, %mul3A_421 : i32
      %add3A_423 = arith.constant 2048 : i32
      %add3A_424 = arith.addi %add3A_423, %mul3A_422 : i32
      %get3A_425 = arith.index_cast %add3A_424 : i32 to index
      %get3A_426 = tpu.vector_load %arg8[%get3A_425] {strides = array<i32>} : memref<4096xi32, #tpu.memory_space<vmem>>, vector<16xi32>,
      %sub3A_427 = arith.subi %get3A_426, %broadcast_in_dim3A_216 : vector<16xi32>
      %bitcast3A_428 = vector.bitcast %sub3A_427 : vector<16xi32> to vector<16xi32>
      %lt3A_429 = arith.cmpi ult, %bitcast3A_428, %broadcast_in_dim3A_218 : vector<16xi32>
      tpu.vector_store_idx %arg7[%sub3A_427], %broadcast_in_dim3A_214 masked %lt3A_429 : memref<32768xf32, #tpu.memory_space<vmem>>[vector<16xi32>], vector<16xf32>, vector<16xi1>
      %scan3A_430 = arith.constant 4 : i32
      %scan3A_431 = arith.addi %scan3A_391, %scan3A_430 : i32
      %mul3A_432 = arith.constant 16 : i32
      %mul3A_433 = arith.muli %scan3A_431, %mul3A_432 : i32
      %add3A_434 = arith.constant 2048 : i32
      %add3A_435 = arith.addi %add3A_434, %mul3A_433 : i32
      %get3A_436 = arith.index_cast %add3A_435 : i32 to index
      %get3A_437 = tpu.vector_load %arg8[%get3A_436] {strides = array<i32>} : memref<4096xi32, #tpu.memory_space<vmem>>, vector<16xi32>,
      %sub3A_438 = arith.subi %get3A_437, %broadcast_in_dim3A_216 : vector<16xi32>
      %bitcast3A_439 = vector.bitcast %sub3A_438 : vector<16xi32> to vector<16xi32>
      %lt3A_440 = arith.cmpi ult, %bitcast3A_439, %broadcast_in_dim3A_218 : vector<16xi32>
      tpu.vector_store_idx %arg7[%sub3A_438], %broadcast_in_dim3A_214 masked %lt3A_440 : memref<32768xf32, #tpu.memory_space<vmem>>[vector<16xi32>], vector<16xf32>, vector<16xi1>
      %scan3A_441 = arith.constant 5 : i32
      %scan3A_442 = arith.addi %scan3A_391, %scan3A_441 : i32
      %mul3A_443 = arith.constant 16 : i32
      %mul3A_444 = arith.muli %scan3A_442, %mul3A_443 : i32
      %add3A_445 = arith.constant 2048 : i32
      %add3A_446 = arith.addi %add3A_445, %mul3A_444 : i32
      %get3A_447 = arith.index_cast %add3A_446 : i32 to index
      %get3A_448 = tpu.vector_load %arg8[%get3A_447] {strides = array<i32>} : memref<4096xi32, #tpu.memory_space<vmem>>, vector<16xi32>,
      %sub3A_449 = arith.subi %get3A_448, %broadcast_in_dim3A_216 : vector<16xi32>
      %bitcast3A_450 = vector.bitcast %sub3A_449 : vector<16xi32> to vector<16xi32>
      %lt3A_451 = arith.cmpi ult, %bitcast3A_450, %broadcast_in_dim3A_218 : vector<16xi32>
      tpu.vector_store_idx %arg7[%sub3A_449], %broadcast_in_dim3A_214 masked %lt3A_451 : memref<32768xf32, #tpu.memory_space<vmem>>[vector<16xi32>], vector<16xf32>, vector<16xi1>
      %scan3A_452 = arith.constant 6 : i32
      %scan3A_453 = arith.addi %scan3A_391, %scan3A_452 : i32
      %mul3A_454 = arith.constant 16 : i32
      %mul3A_455 = arith.muli %scan3A_453, %mul3A_454 : i32
      %add3A_456 = arith.constant 2048 : i32
      %add3A_457 = arith.addi %add3A_456, %mul3A_455 : i32
      %get3A_458 = arith.index_cast %add3A_457 : i32 to index
      %get3A_459 = tpu.vector_load %arg8[%get3A_458] {strides = array<i32>} : memref<4096xi32, #tpu.memory_space<vmem>>, vector<16xi32>,
      %sub3A_460 = arith.subi %get3A_459, %broadcast_in_dim3A_216 : vector<16xi32>
      %bitcast3A_461 = vector.bitcast %sub3A_460 : vector<16xi32> to vector<16xi32>
      %lt3A_462 = arith.cmpi ult, %bitcast3A_461, %broadcast_in_dim3A_218 : vector<16xi32>
      tpu.vector_store_idx %arg7[%sub3A_460], %broadcast_in_dim3A_214 masked %lt3A_462 : memref<32768xf32, #tpu.memory_space<vmem>>[vector<16xi32>], vector<16xf32>, vector<16xi1>
      %scan3A_463 = arith.constant 7 : i32
      %scan3A_464 = arith.addi %scan3A_391, %scan3A_463 : i32
      %mul3A_465 = arith.constant 16 : i32
      %mul3A_466 = arith.muli %scan3A_464, %mul3A_465 : i32
      %add3A_467 = arith.constant 2048 : i32
      %add3A_468 = arith.addi %add3A_467, %mul3A_466 : i32
      %get3A_469 = arith.index_cast %add3A_468 : i32 to index
      %get3A_470 = tpu.vector_load %arg8[%get3A_469] {strides = array<i32>} : memref<4096xi32, #tpu.memory_space<vmem>>, vector<16xi32>,
      %sub3A_471 = arith.subi %get3A_470, %broadcast_in_dim3A_216 : vector<16xi32>
      %bitcast3A_472 = vector.bitcast %sub3A_471 : vector<16xi32> to vector<16xi32>
      %lt3A_473 = arith.cmpi ult, %bitcast3A_472, %broadcast_in_dim3A_218 : vector<16xi32>
      tpu.vector_store_idx %arg7[%sub3A_471], %broadcast_in_dim3A_214 masked %lt3A_473 : memref<32768xf32, #tpu.memory_space<vmem>>[vector<16xi32>], vector<16xf32>, vector<16xi1>
    }
    %scan3A_224 = arith.constant 128 : i32
    %add3A_225 = arith.constant 262144 : i32
    %add3A_226 = arith.addi %mul3A_2, %add3A_225 : i32
    %dma_start3A_227 = tpu.memref_slice %arg4[%add3A_226] : memref<16777216xf32, #tpu.memory_space<hbm>> -> memref<32768xf32, #tpu.memory_space<hbm>>
    %dma_start3A_228 = tpu.memref_slice %arg4[%add3A_226] : memref<16777216xf32, #tpu.memory_space<hbm>> -> memref<32768xf32, #tpu.memory_space<hbm>>
    tpu.enqueue_dma source(%arg7 : memref<32768xf32, #tpu.memory_space<vmem>>) target(%dma_start3A_228 : memref<32768xf32, #tpu.memory_space<hbm>>) target_semaphore(%arg10 : memref<!tpu.dma_semaphore, #tpu.memory_space<semaphore_mem>>)
    %dma_wait3A_229 = tpu.memref_slice %arg4[%add3A_226] : memref<16777216xf32, #tpu.memory_space<hbm>> -> memref<32768xf32, #tpu.memory_space<hbm>>
    %dma_wait3A_230 = tpu.memref_slice %arg4[%add3A_226] : memref<16777216xf32, #tpu.memory_space<hbm>> -> memref<32768xf32, #tpu.memory_space<hbm>>
    tpu.wait_dma2 semaphore(%arg10 : memref<!tpu.dma_semaphore, #tpu.memory_space<semaphore_mem>>) src(%arg7 : memref<32768xf32, #tpu.memory_space<vmem>>) dst(%dma_wait3A_230 : memref<32768xf32, #tpu.memory_space<hbm>>)
    %add3A_231 = arith.constant 360448 : i32
    %add3A_232 = arith.addi %mul3A_2, %add3A_231 : i32
    %dma_start3A_233 = tpu.memref_slice %arg2[%add3A_232] : memref<16777216xf32, #tpu.memory_space<hbm>> -> memref<32768xf32, #tpu.memory_space<hbm>>
    %dma_start3A_234 = tpu.memref_slice %arg2[%add3A_232] : memref<16777216xf32, #tpu.memory_space<hbm>> -> memref<32768xf32, #tpu.memory_space<hbm>>
    tpu.enqueue_dma source(%dma_start3A_234 : memref<32768xf32, #tpu.memory_space<hbm>>) target(%arg7 : memref<32768xf32, #tpu.memory_space<vmem>>) target_semaphore(%arg9 : memref<!tpu.dma_semaphore, #tpu.memory_space<semaphore_mem>>)
    %dma_wait3A_235 = tpu.memref_slice %arg2[%add3A_184] : memref<16777216xf32, #tpu.memory_space<hbm>> -> memref<32768xf32, #tpu.memory_space<hbm>>
    %dma_wait3A_236 = tpu.memref_slice %arg2[%add3A_184] : memref<16777216xf32, #tpu.memory_space<hbm>> -> memref<32768xf32, #tpu.memory_space<hbm>>
    tpu.wait_dma2 semaphore(%arg9 : memref<!tpu.dma_semaphore, #tpu.memory_space<semaphore_mem>>) src(%dma_wait3A_236 : memref<32768xf32, #tpu.memory_space<hbm>>) dst(%arg5 : memref<32768xf32, #tpu.memory_space<vmem>>)
    %broadcast_in_dim3A_237 = arith.constant 0.000000e+00 : f32
    %broadcast_in_dim3A_238 = vector.broadcast %broadcast_in_dim3A_237 : f32 to vector<16xf32>
    %broadcast_in_dim3A_239 = arith.constant 32768 : i32
    %broadcast_in_dim3A_240 = vector.broadcast %broadcast_in_dim3A_239 : i32 to vector<16xi32>
    %broadcast_in_dim3A_241 = arith.constant 32768 : i32
    %broadcast_in_dim3A_242 = vector.broadcast %broadcast_in_dim3A_241 : i32 to vector<16xi32>
    %scan3A_243 = arith.constant 0 : i32
    %scan3A_244 = arith.constant 0 : i32
    %scan3A_245 = arith.constant 128 : i32
    %scan3A_246 = arith.addi %scan3A_244, %scan3A_245 : i32
    %scan3A_247 = arith.constant 8 : i32
    scf.for %scan3A_391 = %scan3A_244 to %scan3A_246 step %scan3A_247  : i32 {
      %mul3A_392 = arith.constant 16 : i32
      %mul3A_393 = arith.muli %scan3A_391, %mul3A_392 : i32
      %add3A_394 = arith.constant 2048 : i32
      %add3A_395 = arith.addi %add3A_394, %mul3A_393 : i32
      %get3A = arith.index_cast %add3A_395 : i32 to index
      %get3A_396 = tpu.vector_load %arg8[%get3A] {strides = array<i32>} : memref<4096xi32, #tpu.memory_space<vmem>>, vector<16xi32>,
      %sub3A = arith.subi %get3A_396, %broadcast_in_dim3A_240 : vector<16xi32>
      %bitcast3A = vector.bitcast %sub3A : vector<16xi32> to vector<16xi32>
      %lt3A = arith.cmpi ult, %bitcast3A, %broadcast_in_dim3A_242 : vector<16xi32>
      tpu.vector_store_idx %arg5[%sub3A], %broadcast_in_dim3A_238 masked %lt3A : memref<32768xf32, #tpu.memory_space<vmem>>[vector<16xi32>], vector<16xf32>, vector<16xi1>
      %scan3A_397 = arith.constant 1 : i32
      %scan3A_398 = arith.addi %scan3A_391, %scan3A_397 : i32
      %mul3A_399 = arith.constant 16 : i32
      %mul3A_400 = arith.muli %scan3A_398, %mul3A_399 : i32
      %add3A_401 = arith.constant 2048 : i32
      %add3A_402 = arith.addi %add3A_401, %mul3A_400 : i32
      %get3A_403 = arith.index_cast %add3A_402 : i32 to index
      %get3A_404 = tpu.vector_load %arg8[%get3A_403] {strides = array<i32>} : memref<4096xi32, #tpu.memory_space<vmem>>, vector<16xi32>,
      %sub3A_405 = arith.subi %get3A_404, %broadcast_in_dim3A_240 : vector<16xi32>
      %bitcast3A_406 = vector.bitcast %sub3A_405 : vector<16xi32> to vector<16xi32>
      %lt3A_407 = arith.cmpi ult, %bitcast3A_406, %broadcast_in_dim3A_242 : vector<16xi32>
      tpu.vector_store_idx %arg5[%sub3A_405], %broadcast_in_dim3A_238 masked %lt3A_407 : memref<32768xf32, #tpu.memory_space<vmem>>[vector<16xi32>], vector<16xf32>, vector<16xi1>
      %scan3A_408 = arith.constant 2 : i32
      %scan3A_409 = arith.addi %scan3A_391, %scan3A_408 : i32
      %mul3A_410 = arith.constant 16 : i32
      %mul3A_411 = arith.muli %scan3A_409, %mul3A_410 : i32
      %add3A_412 = arith.constant 2048 : i32
      %add3A_413 = arith.addi %add3A_412, %mul3A_411 : i32
      %get3A_414 = arith.index_cast %add3A_413 : i32 to index
      %get3A_415 = tpu.vector_load %arg8[%get3A_414] {strides = array<i32>} : memref<4096xi32, #tpu.memory_space<vmem>>, vector<16xi32>,
      %sub3A_416 = arith.subi %get3A_415, %broadcast_in_dim3A_240 : vector<16xi32>
      %bitcast3A_417 = vector.bitcast %sub3A_416 : vector<16xi32> to vector<16xi32>
      %lt3A_418 = arith.cmpi ult, %bitcast3A_417, %broadcast_in_dim3A_242 : vector<16xi32>
      tpu.vector_store_idx %arg5[%sub3A_416], %broadcast_in_dim3A_238 masked %lt3A_418 : memref<32768xf32, #tpu.memory_space<vmem>>[vector<16xi32>], vector<16xf32>, vector<16xi1>
      %scan3A_419 = arith.constant 3 : i32
      %scan3A_420 = arith.addi %scan3A_391, %scan3A_419 : i32
      %mul3A_421 = arith.constant 16 : i32
      %mul3A_422 = arith.muli %scan3A_420, %mul3A_421 : i32
      %add3A_423 = arith.constant 2048 : i32
      %add3A_424 = arith.addi %add3A_423, %mul3A_422 : i32
      %get3A_425 = arith.index_cast %add3A_424 : i32 to index
      %get3A_426 = tpu.vector_load %arg8[%get3A_425] {strides = array<i32>} : memref<4096xi32, #tpu.memory_space<vmem>>, vector<16xi32>,
      %sub3A_427 = arith.subi %get3A_426, %broadcast_in_dim3A_240 : vector<16xi32>
      %bitcast3A_428 = vector.bitcast %sub3A_427 : vector<16xi32> to vector<16xi32>
      %lt3A_429 = arith.cmpi ult, %bitcast3A_428, %broadcast_in_dim3A_242 : vector<16xi32>
      tpu.vector_store_idx %arg5[%sub3A_427], %broadcast_in_dim3A_238 masked %lt3A_429 : memref<32768xf32, #tpu.memory_space<vmem>>[vector<16xi32>], vector<16xf32>, vector<16xi1>
      %scan3A_430 = arith.constant 4 : i32
      %scan3A_431 = arith.addi %scan3A_391, %scan3A_430 : i32
      %mul3A_432 = arith.constant 16 : i32
      %mul3A_433 = arith.muli %scan3A_431, %mul3A_432 : i32
      %add3A_434 = arith.constant 2048 : i32
      %add3A_435 = arith.addi %add3A_434, %mul3A_433 : i32
      %get3A_436 = arith.index_cast %add3A_435 : i32 to index
      %get3A_437 = tpu.vector_load %arg8[%get3A_436] {strides = array<i32>} : memref<4096xi32, #tpu.memory_space<vmem>>, vector<16xi32>,
      %sub3A_438 = arith.subi %get3A_437, %broadcast_in_dim3A_240 : vector<16xi32>
      %bitcast3A_439 = vector.bitcast %sub3A_438 : vector<16xi32> to vector<16xi32>
      %lt3A_440 = arith.cmpi ult, %bitcast3A_439, %broadcast_in_dim3A_242 : vector<16xi32>
      tpu.vector_store_idx %arg5[%sub3A_438], %broadcast_in_dim3A_238 masked %lt3A_440 : memref<32768xf32, #tpu.memory_space<vmem>>[vector<16xi32>], vector<16xf32>, vector<16xi1>
      %scan3A_441 = arith.constant 5 : i32
      %scan3A_442 = arith.addi %scan3A_391, %scan3A_441 : i32
      %mul3A_443 = arith.constant 16 : i32
      %mul3A_444 = arith.muli %scan3A_442, %mul3A_443 : i32
      %add3A_445 = arith.constant 2048 : i32
      %add3A_446 = arith.addi %add3A_445, %mul3A_444 : i32
      %get3A_447 = arith.index_cast %add3A_446 : i32 to index
      %get3A_448 = tpu.vector_load %arg8[%get3A_447] {strides = array<i32>} : memref<4096xi32, #tpu.memory_space<vmem>>, vector<16xi32>,
      %sub3A_449 = arith.subi %get3A_448, %broadcast_in_dim3A_240 : vector<16xi32>
      %bitcast3A_450 = vector.bitcast %sub3A_449 : vector<16xi32> to vector<16xi32>
      %lt3A_451 = arith.cmpi ult, %bitcast3A_450, %broadcast_in_dim3A_242 : vector<16xi32>
      tpu.vector_store_idx %arg5[%sub3A_449], %broadcast_in_dim3A_238 masked %lt3A_451 : memref<32768xf32, #tpu.memory_space<vmem>>[vector<16xi32>], vector<16xf32>, vector<16xi1>
      %scan3A_452 = arith.constant 6 : i32
      %scan3A_453 = arith.addi %scan3A_391, %scan3A_452 : i32
      %mul3A_454 = arith.constant 16 : i32
      %mul3A_455 = arith.muli %scan3A_453, %mul3A_454 : i32
      %add3A_456 = arith.constant 2048 : i32
      %add3A_457 = arith.addi %add3A_456, %mul3A_455 : i32
      %get3A_458 = arith.index_cast %add3A_457 : i32 to index
      %get3A_459 = tpu.vector_load %arg8[%get3A_458] {strides = array<i32>} : memref<4096xi32, #tpu.memory_space<vmem>>, vector<16xi32>,
      %sub3A_460 = arith.subi %get3A_459, %broadcast_in_dim3A_240 : vector<16xi32>
      %bitcast3A_461 = vector.bitcast %sub3A_460 : vector<16xi32> to vector<16xi32>
      %lt3A_462 = arith.cmpi ult, %bitcast3A_461, %broadcast_in_dim3A_242 : vector<16xi32>
      tpu.vector_store_idx %arg5[%sub3A_460], %broadcast_in_dim3A_238 masked %lt3A_462 : memref<32768xf32, #tpu.memory_space<vmem>>[vector<16xi32>], vector<16xf32>, vector<16xi1>
      %scan3A_463 = arith.constant 7 : i32
      %scan3A_464 = arith.addi %scan3A_391, %scan3A_463 : i32
      %mul3A_465 = arith.constant 16 : i32
      %mul3A_466 = arith.muli %scan3A_464, %mul3A_465 : i32
      %add3A_467 = arith.constant 2048 : i32
      %add3A_468 = arith.addi %add3A_467, %mul3A_466 : i32
      %get3A_469 = arith.index_cast %add3A_468 : i32 to index
      %get3A_470 = tpu.vector_load %arg8[%get3A_469] {strides = array<i32>} : memref<4096xi32, #tpu.memory_space<vmem>>, vector<16xi32>,
      %sub3A_471 = arith.subi %get3A_470, %broadcast_in_dim3A_240 : vector<16xi32>
      %bitcast3A_472 = vector.bitcast %sub3A_471 : vector<16xi32> to vector<16xi32>
      %lt3A_473 = arith.cmpi ult, %bitcast3A_472, %broadcast_in_dim3A_242 : vector<16xi32>
      tpu.vector_store_idx %arg5[%sub3A_471], %broadcast_in_dim3A_238 masked %lt3A_473 : memref<32768xf32, #tpu.memory_space<vmem>>[vector<16xi32>], vector<16xf32>, vector<16xi1>
    }
    %scan3A_248 = arith.constant 128 : i32
    %add3A_249 = arith.constant 294912 : i32
    %add3A_250 = arith.addi %mul3A_2, %add3A_249 : i32
    %dma_start3A_251 = tpu.memref_slice %arg4[%add3A_250] : memref<16777216xf32, #tpu.memory_space<hbm>> -> memref<32768xf32, #tpu.memory_space<hbm>>
    %dma_start3A_252 = tpu.memref_slice %arg4[%add3A_250] : memref<16777216xf32, #tpu.memory_space<hbm>> -> memref<32768xf32, #tpu.memory_space<hbm>>
    tpu.enqueue_dma source(%arg5 : memref<32768xf32, #tpu.memory_space<vmem>>) target(%dma_start3A_252 : memref<32768xf32, #tpu.memory_space<hbm>>) target_semaphore(%arg10 : memref<!tpu.dma_semaphore, #tpu.memory_space<semaphore_mem>>)
    %dma_wait3A_253 = tpu.memref_slice %arg4[%add3A_250] : memref<16777216xf32, #tpu.memory_space<hbm>> -> memref<32768xf32, #tpu.memory_space<hbm>>
    %dma_wait3A_254 = tpu.memref_slice %arg4[%add3A_250] : memref<16777216xf32, #tpu.memory_space<hbm>> -> memref<32768xf32, #tpu.memory_space<hbm>>
    tpu.wait_dma2 semaphore(%arg10 : memref<!tpu.dma_semaphore, #tpu.memory_space<semaphore_mem>>) src(%arg5 : memref<32768xf32, #tpu.memory_space<vmem>>) dst(%dma_wait3A_254 : memref<32768xf32, #tpu.memory_space<hbm>>)
    %add3A_255 = arith.constant 393216 : i32
    %add3A_256 = arith.addi %mul3A_2, %add3A_255 : i32
    %dma_start3A_257 = tpu.memref_slice %arg2[%add3A_256] : memref<16777216xf32, #tpu.memory_space<hbm>> -> memref<32768xf32, #tpu.memory_space<hbm>>
    %dma_start3A_258 = tpu.memref_slice %arg2[%add3A_256] : memref<16777216xf32, #tpu.memory_space<hbm>> -> memref<32768xf32, #tpu.memory_space<hbm>>
    tpu.enqueue_dma source(%dma_start3A_258 : memref<32768xf32, #tpu.memory_space<hbm>>) target(%arg5 : memref<32768xf32, #tpu.memory_space<vmem>>) target_semaphore(%arg9 : memref<!tpu.dma_semaphore, #tpu.memory_space<semaphore_mem>>)
    %dma_wait3A_259 = tpu.memref_slice %arg2[%add3A_208] : memref<16777216xf32, #tpu.memory_space<hbm>> -> memref<32768xf32, #tpu.memory_space<hbm>>
    %dma_wait3A_260 = tpu.memref_slice %arg2[%add3A_208] : memref<16777216xf32, #tpu.memory_space<hbm>> -> memref<32768xf32, #tpu.memory_space<hbm>>
    tpu.wait_dma2 semaphore(%arg9 : memref<!tpu.dma_semaphore, #tpu.memory_space<semaphore_mem>>) src(%dma_wait3A_260 : memref<32768xf32, #tpu.memory_space<hbm>>) dst(%arg6 : memref<32768xf32, #tpu.memory_space<vmem>>)
    %broadcast_in_dim3A_261 = arith.constant 0.000000e+00 : f32
    %broadcast_in_dim3A_262 = vector.broadcast %broadcast_in_dim3A_261 : f32 to vector<16xf32>
    %broadcast_in_dim3A_263 = arith.constant 65536 : i32
    %broadcast_in_dim3A_264 = vector.broadcast %broadcast_in_dim3A_263 : i32 to vector<16xi32>
    %broadcast_in_dim3A_265 = arith.constant 32768 : i32
    %broadcast_in_dim3A_266 = vector.broadcast %broadcast_in_dim3A_265 : i32 to vector<16xi32>
    %scan3A_267 = arith.constant 0 : i32
    %scan3A_268 = arith.constant 0 : i32
    %scan3A_269 = arith.constant 128 : i32
    %scan3A_270 = arith.addi %scan3A_268, %scan3A_269 : i32
    %scan3A_271 = arith.constant 8 : i32
    scf.for %scan3A_391 = %scan3A_268 to %scan3A_270 step %scan3A_271  : i32 {
      %mul3A_392 = arith.constant 16 : i32
      %mul3A_393 = arith.muli %scan3A_391, %mul3A_392 : i32
      %add3A_394 = arith.constant 2048 : i32
      %add3A_395 = arith.addi %add3A_394, %mul3A_393 : i32
      %get3A = arith.index_cast %add3A_395 : i32 to index
      %get3A_396 = tpu.vector_load %arg8[%get3A] {strides = array<i32>} : memref<4096xi32, #tpu.memory_space<vmem>>, vector<16xi32>,
      %sub3A = arith.subi %get3A_396, %broadcast_in_dim3A_264 : vector<16xi32>
      %bitcast3A = vector.bitcast %sub3A : vector<16xi32> to vector<16xi32>
      %lt3A = arith.cmpi ult, %bitcast3A, %broadcast_in_dim3A_266 : vector<16xi32>
      tpu.vector_store_idx %arg6[%sub3A], %broadcast_in_dim3A_262 masked %lt3A : memref<32768xf32, #tpu.memory_space<vmem>>[vector<16xi32>], vector<16xf32>, vector<16xi1>
      %scan3A_397 = arith.constant 1 : i32
      %scan3A_398 = arith.addi %scan3A_391, %scan3A_397 : i32
      %mul3A_399 = arith.constant 16 : i32
      %mul3A_400 = arith.muli %scan3A_398, %mul3A_399 : i32
      %add3A_401 = arith.constant 2048 : i32
      %add3A_402 = arith.addi %add3A_401, %mul3A_400 : i32
      %get3A_403 = arith.index_cast %add3A_402 : i32 to index
      %get3A_404 = tpu.vector_load %arg8[%get3A_403] {strides = array<i32>} : memref<4096xi32, #tpu.memory_space<vmem>>, vector<16xi32>,
      %sub3A_405 = arith.subi %get3A_404, %broadcast_in_dim3A_264 : vector<16xi32>
      %bitcast3A_406 = vector.bitcast %sub3A_405 : vector<16xi32> to vector<16xi32>
      %lt3A_407 = arith.cmpi ult, %bitcast3A_406, %broadcast_in_dim3A_266 : vector<16xi32>
      tpu.vector_store_idx %arg6[%sub3A_405], %broadcast_in_dim3A_262 masked %lt3A_407 : memref<32768xf32, #tpu.memory_space<vmem>>[vector<16xi32>], vector<16xf32>, vector<16xi1>
      %scan3A_408 = arith.constant 2 : i32
      %scan3A_409 = arith.addi %scan3A_391, %scan3A_408 : i32
      %mul3A_410 = arith.constant 16 : i32
      %mul3A_411 = arith.muli %scan3A_409, %mul3A_410 : i32
      %add3A_412 = arith.constant 2048 : i32
      %add3A_413 = arith.addi %add3A_412, %mul3A_411 : i32
      %get3A_414 = arith.index_cast %add3A_413 : i32 to index
      %get3A_415 = tpu.vector_load %arg8[%get3A_414] {strides = array<i32>} : memref<4096xi32, #tpu.memory_space<vmem>>, vector<16xi32>,
      %sub3A_416 = arith.subi %get3A_415, %broadcast_in_dim3A_264 : vector<16xi32>
      %bitcast3A_417 = vector.bitcast %sub3A_416 : vector<16xi32> to vector<16xi32>
      %lt3A_418 = arith.cmpi ult, %bitcast3A_417, %broadcast_in_dim3A_266 : vector<16xi32>
      tpu.vector_store_idx %arg6[%sub3A_416], %broadcast_in_dim3A_262 masked %lt3A_418 : memref<32768xf32, #tpu.memory_space<vmem>>[vector<16xi32>], vector<16xf32>, vector<16xi1>
      %scan3A_419 = arith.constant 3 : i32
      %scan3A_420 = arith.addi %scan3A_391, %scan3A_419 : i32
      %mul3A_421 = arith.constant 16 : i32
      %mul3A_422 = arith.muli %scan3A_420, %mul3A_421 : i32
      %add3A_423 = arith.constant 2048 : i32
      %add3A_424 = arith.addi %add3A_423, %mul3A_422 : i32
      %get3A_425 = arith.index_cast %add3A_424 : i32 to index
      %get3A_426 = tpu.vector_load %arg8[%get3A_425] {strides = array<i32>} : memref<4096xi32, #tpu.memory_space<vmem>>, vector<16xi32>,
      %sub3A_427 = arith.subi %get3A_426, %broadcast_in_dim3A_264 : vector<16xi32>
      %bitcast3A_428 = vector.bitcast %sub3A_427 : vector<16xi32> to vector<16xi32>
      %lt3A_429 = arith.cmpi ult, %bitcast3A_428, %broadcast_in_dim3A_266 : vector<16xi32>
      tpu.vector_store_idx %arg6[%sub3A_427], %broadcast_in_dim3A_262 masked %lt3A_429 : memref<32768xf32, #tpu.memory_space<vmem>>[vector<16xi32>], vector<16xf32>, vector<16xi1>
      %scan3A_430 = arith.constant 4 : i32
      %scan3A_431 = arith.addi %scan3A_391, %scan3A_430 : i32
      %mul3A_432 = arith.constant 16 : i32
      %mul3A_433 = arith.muli %scan3A_431, %mul3A_432 : i32
      %add3A_434 = arith.constant 2048 : i32
      %add3A_435 = arith.addi %add3A_434, %mul3A_433 : i32
      %get3A_436 = arith.index_cast %add3A_435 : i32 to index
      %get3A_437 = tpu.vector_load %arg8[%get3A_436] {strides = array<i32>} : memref<4096xi32, #tpu.memory_space<vmem>>, vector<16xi32>,
      %sub3A_438 = arith.subi %get3A_437, %broadcast_in_dim3A_264 : vector<16xi32>
      %bitcast3A_439 = vector.bitcast %sub3A_438 : vector<16xi32> to vector<16xi32>
      %lt3A_440 = arith.cmpi ult, %bitcast3A_439, %broadcast_in_dim3A_266 : vector<16xi32>
      tpu.vector_store_idx %arg6[%sub3A_438], %broadcast_in_dim3A_262 masked %lt3A_440 : memref<32768xf32, #tpu.memory_space<vmem>>[vector<16xi32>], vector<16xf32>, vector<16xi1>
      %scan3A_441 = arith.constant 5 : i32
      %scan3A_442 = arith.addi %scan3A_391, %scan3A_441 : i32
      %mul3A_443 = arith.constant 16 : i32
      %mul3A_444 = arith.muli %scan3A_442, %mul3A_443 : i32
      %add3A_445 = arith.constant 2048 : i32
      %add3A_446 = arith.addi %add3A_445, %mul3A_444 : i32
      %get3A_447 = arith.index_cast %add3A_446 : i32 to index
      %get3A_448 = tpu.vector_load %arg8[%get3A_447] {strides = array<i32>} : memref<4096xi32, #tpu.memory_space<vmem>>, vector<16xi32>,
      %sub3A_449 = arith.subi %get3A_448, %broadcast_in_dim3A_264 : vector<16xi32>
      %bitcast3A_450 = vector.bitcast %sub3A_449 : vector<16xi32> to vector<16xi32>
      %lt3A_451 = arith.cmpi ult, %bitcast3A_450, %broadcast_in_dim3A_266 : vector<16xi32>
      tpu.vector_store_idx %arg6[%sub3A_449], %broadcast_in_dim3A_262 masked %lt3A_451 : memref<32768xf32, #tpu.memory_space<vmem>>[vector<16xi32>], vector<16xf32>, vector<16xi1>
      %scan3A_452 = arith.constant 6 : i32
      %scan3A_453 = arith.addi %scan3A_391, %scan3A_452 : i32
      %mul3A_454 = arith.constant 16 : i32
      %mul3A_455 = arith.muli %scan3A_453, %mul3A_454 : i32
      %add3A_456 = arith.constant 2048 : i32
      %add3A_457 = arith.addi %add3A_456, %mul3A_455 : i32
      %get3A_458 = arith.index_cast %add3A_457 : i32 to index
      %get3A_459 = tpu.vector_load %arg8[%get3A_458] {strides = array<i32>} : memref<4096xi32, #tpu.memory_space<vmem>>, vector<16xi32>,
      %sub3A_460 = arith.subi %get3A_459, %broadcast_in_dim3A_264 : vector<16xi32>
      %bitcast3A_461 = vector.bitcast %sub3A_460 : vector<16xi32> to vector<16xi32>
      %lt3A_462 = arith.cmpi ult, %bitcast3A_461, %broadcast_in_dim3A_266 : vector<16xi32>
      tpu.vector_store_idx %arg6[%sub3A_460], %broadcast_in_dim3A_262 masked %lt3A_462 : memref<32768xf32, #tpu.memory_space<vmem>>[vector<16xi32>], vector<16xf32>, vector<16xi1>
      %scan3A_463 = arith.constant 7 : i32
      %scan3A_464 = arith.addi %scan3A_391, %scan3A_463 : i32
      %mul3A_465 = arith.constant 16 : i32
      %mul3A_466 = arith.muli %scan3A_464, %mul3A_465 : i32
      %add3A_467 = arith.constant 2048 : i32
      %add3A_468 = arith.addi %add3A_467, %mul3A_466 : i32
      %get3A_469 = arith.index_cast %add3A_468 : i32 to index
      %get3A_470 = tpu.vector_load %arg8[%get3A_469] {strides = array<i32>} : memref<4096xi32, #tpu.memory_space<vmem>>, vector<16xi32>,
      %sub3A_471 = arith.subi %get3A_470, %broadcast_in_dim3A_264 : vector<16xi32>
      %bitcast3A_472 = vector.bitcast %sub3A_471 : vector<16xi32> to vector<16xi32>
      %lt3A_473 = arith.cmpi ult, %bitcast3A_472, %broadcast_in_dim3A_266 : vector<16xi32>
      tpu.vector_store_idx %arg6[%sub3A_471], %broadcast_in_dim3A_262 masked %lt3A_473 : memref<32768xf32, #tpu.memory_space<vmem>>[vector<16xi32>], vector<16xf32>, vector<16xi1>
    }
    %scan3A_272 = arith.constant 128 : i32
    %add3A_273 = arith.constant 327680 : i32
    %add3A_274 = arith.addi %mul3A_2, %add3A_273 : i32
    %dma_start3A_275 = tpu.memref_slice %arg4[%add3A_274] : memref<16777216xf32, #tpu.memory_space<hbm>> -> memref<32768xf32, #tpu.memory_space<hbm>>
    %dma_start3A_276 = tpu.memref_slice %arg4[%add3A_274] : memref<16777216xf32, #tpu.memory_space<hbm>> -> memref<32768xf32, #tpu.memory_space<hbm>>
    tpu.enqueue_dma source(%arg6 : memref<32768xf32, #tpu.memory_space<vmem>>) target(%dma_start3A_276 : memref<32768xf32, #tpu.memory_space<hbm>>) target_semaphore(%arg10 : memref<!tpu.dma_semaphore, #tpu.memory_space<semaphore_mem>>)
    %dma_wait3A_277 = tpu.memref_slice %arg4[%add3A_274] : memref<16777216xf32, #tpu.memory_space<hbm>> -> memref<32768xf32, #tpu.memory_space<hbm>>
    %dma_wait3A_278 = tpu.memref_slice %arg4[%add3A_274] : memref<16777216xf32, #tpu.memory_space<hbm>> -> memref<32768xf32, #tpu.memory_space<hbm>>
    tpu.wait_dma2 semaphore(%arg10 : memref<!tpu.dma_semaphore, #tpu.memory_space<semaphore_mem>>) src(%arg6 : memref<32768xf32, #tpu.memory_space<vmem>>) dst(%dma_wait3A_278 : memref<32768xf32, #tpu.memory_space<hbm>>)
    %add3A_279 = arith.constant 425984 : i32
    %add3A_280 = arith.addi %mul3A_2, %add3A_279 : i32
    %dma_start3A_281 = tpu.memref_slice %arg2[%add3A_280] : memref<16777216xf32, #tpu.memory_space<hbm>> -> memref<32768xf32, #tpu.memory_space<hbm>>
    %dma_start3A_282 = tpu.memref_slice %arg2[%add3A_280] : memref<16777216xf32, #tpu.memory_space<hbm>> -> memref<32768xf32, #tpu.memory_space<hbm>>
    tpu.enqueue_dma source(%dma_start3A_282 : memref<32768xf32, #tpu.memory_space<hbm>>) target(%arg6 : memref<32768xf32, #tpu.memory_space<vmem>>) target_semaphore(%arg9 : memref<!tpu.dma_semaphore, #tpu.memory_space<semaphore_mem>>)
    %dma_wait3A_283 = tpu.memref_slice %arg2[%add3A_232] : memref<16777216xf32, #tpu.memory_space<hbm>> -> memref<32768xf32, #tpu.memory_space<hbm>>
    %dma_wait3A_284 = tpu.memref_slice %arg2[%add3A_232] : memref<16777216xf32, #tpu.memory_space<hbm>> -> memref<32768xf32, #tpu.memory_space<hbm>>
    tpu.wait_dma2 semaphore(%arg9 : memref<!tpu.dma_semaphore, #tpu.memory_space<semaphore_mem>>) src(%dma_wait3A_284 : memref<32768xf32, #tpu.memory_space<hbm>>) dst(%arg7 : memref<32768xf32, #tpu.memory_space<vmem>>)
    %broadcast_in_dim3A_285 = arith.constant 0.000000e+00 : f32
    %broadcast_in_dim3A_286 = vector.broadcast %broadcast_in_dim3A_285 : f32 to vector<16xf32>
    %broadcast_in_dim3A_287 = arith.constant 98304 : i32
    %broadcast_in_dim3A_288 = vector.broadcast %broadcast_in_dim3A_287 : i32 to vector<16xi32>
    %broadcast_in_dim3A_289 = arith.constant 32768 : i32
    %broadcast_in_dim3A_290 = vector.broadcast %broadcast_in_dim3A_289 : i32 to vector<16xi32>
    %scan3A_291 = arith.constant 0 : i32
    %scan3A_292 = arith.constant 0 : i32
    %scan3A_293 = arith.constant 128 : i32
    %scan3A_294 = arith.addi %scan3A_292, %scan3A_293 : i32
    %scan3A_295 = arith.constant 8 : i32
    scf.for %scan3A_391 = %scan3A_292 to %scan3A_294 step %scan3A_295  : i32 {
      %mul3A_392 = arith.constant 16 : i32
      %mul3A_393 = arith.muli %scan3A_391, %mul3A_392 : i32
      %add3A_394 = arith.constant 2048 : i32
      %add3A_395 = arith.addi %add3A_394, %mul3A_393 : i32
      %get3A = arith.index_cast %add3A_395 : i32 to index
      %get3A_396 = tpu.vector_load %arg8[%get3A] {strides = array<i32>} : memref<4096xi32, #tpu.memory_space<vmem>>, vector<16xi32>,
      %sub3A = arith.subi %get3A_396, %broadcast_in_dim3A_288 : vector<16xi32>
      %bitcast3A = vector.bitcast %sub3A : vector<16xi32> to vector<16xi32>
      %lt3A = arith.cmpi ult, %bitcast3A, %broadcast_in_dim3A_290 : vector<16xi32>
      tpu.vector_store_idx %arg7[%sub3A], %broadcast_in_dim3A_286 masked %lt3A : memref<32768xf32, #tpu.memory_space<vmem>>[vector<16xi32>], vector<16xf32>, vector<16xi1>
      %scan3A_397 = arith.constant 1 : i32
      %scan3A_398 = arith.addi %scan3A_391, %scan3A_397 : i32
      %mul3A_399 = arith.constant 16 : i32
      %mul3A_400 = arith.muli %scan3A_398, %mul3A_399 : i32
      %add3A_401 = arith.constant 2048 : i32
      %add3A_402 = arith.addi %add3A_401, %mul3A_400 : i32
      %get3A_403 = arith.index_cast %add3A_402 : i32 to index
      %get3A_404 = tpu.vector_load %arg8[%get3A_403] {strides = array<i32>} : memref<4096xi32, #tpu.memory_space<vmem>>, vector<16xi32>,
      %sub3A_405 = arith.subi %get3A_404, %broadcast_in_dim3A_288 : vector<16xi32>
      %bitcast3A_406 = vector.bitcast %sub3A_405 : vector<16xi32> to vector<16xi32>
      %lt3A_407 = arith.cmpi ult, %bitcast3A_406, %broadcast_in_dim3A_290 : vector<16xi32>
      tpu.vector_store_idx %arg7[%sub3A_405], %broadcast_in_dim3A_286 masked %lt3A_407 : memref<32768xf32, #tpu.memory_space<vmem>>[vector<16xi32>], vector<16xf32>, vector<16xi1>
      %scan3A_408 = arith.constant 2 : i32
      %scan3A_409 = arith.addi %scan3A_391, %scan3A_408 : i32
      %mul3A_410 = arith.constant 16 : i32
      %mul3A_411 = arith.muli %scan3A_409, %mul3A_410 : i32
      %add3A_412 = arith.constant 2048 : i32
      %add3A_413 = arith.addi %add3A_412, %mul3A_411 : i32
      %get3A_414 = arith.index_cast %add3A_413 : i32 to index
      %get3A_415 = tpu.vector_load %arg8[%get3A_414] {strides = array<i32>} : memref<4096xi32, #tpu.memory_space<vmem>>, vector<16xi32>,
      %sub3A_416 = arith.subi %get3A_415, %broadcast_in_dim3A_288 : vector<16xi32>
      %bitcast3A_417 = vector.bitcast %sub3A_416 : vector<16xi32> to vector<16xi32>
      %lt3A_418 = arith.cmpi ult, %bitcast3A_417, %broadcast_in_dim3A_290 : vector<16xi32>
      tpu.vector_store_idx %arg7[%sub3A_416], %broadcast_in_dim3A_286 masked %lt3A_418 : memref<32768xf32, #tpu.memory_space<vmem>>[vector<16xi32>], vector<16xf32>, vector<16xi1>
      %scan3A_419 = arith.constant 3 : i32
      %scan3A_420 = arith.addi %scan3A_391, %scan3A_419 : i32
      %mul3A_421 = arith.constant 16 : i32
      %mul3A_422 = arith.muli %scan3A_420, %mul3A_421 : i32
      %add3A_423 = arith.constant 2048 : i32
      %add3A_424 = arith.addi %add3A_423, %mul3A_422 : i32
      %get3A_425 = arith.index_cast %add3A_424 : i32 to index
      %get3A_426 = tpu.vector_load %arg8[%get3A_425] {strides = array<i32>} : memref<4096xi32, #tpu.memory_space<vmem>>, vector<16xi32>,
      %sub3A_427 = arith.subi %get3A_426, %broadcast_in_dim3A_288 : vector<16xi32>
      %bitcast3A_428 = vector.bitcast %sub3A_427 : vector<16xi32> to vector<16xi32>
      %lt3A_429 = arith.cmpi ult, %bitcast3A_428, %broadcast_in_dim3A_290 : vector<16xi32>
      tpu.vector_store_idx %arg7[%sub3A_427], %broadcast_in_dim3A_286 masked %lt3A_429 : memref<32768xf32, #tpu.memory_space<vmem>>[vector<16xi32>], vector<16xf32>, vector<16xi1>
      %scan3A_430 = arith.constant 4 : i32
      %scan3A_431 = arith.addi %scan3A_391, %scan3A_430 : i32
      %mul3A_432 = arith.constant 16 : i32
      %mul3A_433 = arith.muli %scan3A_431, %mul3A_432 : i32
      %add3A_434 = arith.constant 2048 : i32
      %add3A_435 = arith.addi %add3A_434, %mul3A_433 : i32
      %get3A_436 = arith.index_cast %add3A_435 : i32 to index
      %get3A_437 = tpu.vector_load %arg8[%get3A_436] {strides = array<i32>} : memref<4096xi32, #tpu.memory_space<vmem>>, vector<16xi32>,
      %sub3A_438 = arith.subi %get3A_437, %broadcast_in_dim3A_288 : vector<16xi32>
      %bitcast3A_439 = vector.bitcast %sub3A_438 : vector<16xi32> to vector<16xi32>
      %lt3A_440 = arith.cmpi ult, %bitcast3A_439, %broadcast_in_dim3A_290 : vector<16xi32>
      tpu.vector_store_idx %arg7[%sub3A_438], %broadcast_in_dim3A_286 masked %lt3A_440 : memref<32768xf32, #tpu.memory_space<vmem>>[vector<16xi32>], vector<16xf32>, vector<16xi1>
      %scan3A_441 = arith.constant 5 : i32
      %scan3A_442 = arith.addi %scan3A_391, %scan3A_441 : i32
      %mul3A_443 = arith.constant 16 : i32
      %mul3A_444 = arith.muli %scan3A_442, %mul3A_443 : i32
      %add3A_445 = arith.constant 2048 : i32
      %add3A_446 = arith.addi %add3A_445, %mul3A_444 : i32
      %get3A_447 = arith.index_cast %add3A_446 : i32 to index
      %get3A_448 = tpu.vector_load %arg8[%get3A_447] {strides = array<i32>} : memref<4096xi32, #tpu.memory_space<vmem>>, vector<16xi32>,
      %sub3A_449 = arith.subi %get3A_448, %broadcast_in_dim3A_288 : vector<16xi32>
      %bitcast3A_450 = vector.bitcast %sub3A_449 : vector<16xi32> to vector<16xi32>
      %lt3A_451 = arith.cmpi ult, %bitcast3A_450, %broadcast_in_dim3A_290 : vector<16xi32>
      tpu.vector_store_idx %arg7[%sub3A_449], %broadcast_in_dim3A_286 masked %lt3A_451 : memref<32768xf32, #tpu.memory_space<vmem>>[vector<16xi32>], vector<16xf32>, vector<16xi1>
      %scan3A_452 = arith.constant 6 : i32
      %scan3A_453 = arith.addi %scan3A_391, %scan3A_452 : i32
      %mul3A_454 = arith.constant 16 : i32
      %mul3A_455 = arith.muli %scan3A_453, %mul3A_454 : i32
      %add3A_456 = arith.constant 2048 : i32
      %add3A_457 = arith.addi %add3A_456, %mul3A_455 : i32
      %get3A_458 = arith.index_cast %add3A_457 : i32 to index
      %get3A_459 = tpu.vector_load %arg8[%get3A_458] {strides = array<i32>} : memref<4096xi32, #tpu.memory_space<vmem>>, vector<16xi32>,
      %sub3A_460 = arith.subi %get3A_459, %broadcast_in_dim3A_288 : vector<16xi32>
      %bitcast3A_461 = vector.bitcast %sub3A_460 : vector<16xi32> to vector<16xi32>
      %lt3A_462 = arith.cmpi ult, %bitcast3A_461, %broadcast_in_dim3A_290 : vector<16xi32>
      tpu.vector_store_idx %arg7[%sub3A_460], %broadcast_in_dim3A_286 masked %lt3A_462 : memref<32768xf32, #tpu.memory_space<vmem>>[vector<16xi32>], vector<16xf32>, vector<16xi1>
      %scan3A_463 = arith.constant 7 : i32
      %scan3A_464 = arith.addi %scan3A_391, %scan3A_463 : i32
      %mul3A_465 = arith.constant 16 : i32
      %mul3A_466 = arith.muli %scan3A_464, %mul3A_465 : i32
      %add3A_467 = arith.constant 2048 : i32
      %add3A_468 = arith.addi %add3A_467, %mul3A_466 : i32
      %get3A_469 = arith.index_cast %add3A_468 : i32 to index
      %get3A_470 = tpu.vector_load %arg8[%get3A_469] {strides = array<i32>} : memref<4096xi32, #tpu.memory_space<vmem>>, vector<16xi32>,
      %sub3A_471 = arith.subi %get3A_470, %broadcast_in_dim3A_288 : vector<16xi32>
      %bitcast3A_472 = vector.bitcast %sub3A_471 : vector<16xi32> to vector<16xi32>
      %lt3A_473 = arith.cmpi ult, %bitcast3A_472, %broadcast_in_dim3A_290 : vector<16xi32>
      tpu.vector_store_idx %arg7[%sub3A_471], %broadcast_in_dim3A_286 masked %lt3A_473 : memref<32768xf32, #tpu.memory_space<vmem>>[vector<16xi32>], vector<16xf32>, vector<16xi1>
    }
    %scan3A_296 = arith.constant 128 : i32
    %add3A_297 = arith.constant 360448 : i32
    %add3A_298 = arith.addi %mul3A_2, %add3A_297 : i32
    %dma_start3A_299 = tpu.memref_slice %arg4[%add3A_298] : memref<16777216xf32, #tpu.memory_space<hbm>> -> memref<32768xf32, #tpu.memory_space<hbm>>
    %dma_start3A_300 = tpu.memref_slice %arg4[%add3A_298] : memref<16777216xf32, #tpu.memory_space<hbm>> -> memref<32768xf32, #tpu.memory_space<hbm>>
    tpu.enqueue_dma source(%arg7 : memref<32768xf32, #tpu.memory_space<vmem>>) target(%dma_start3A_300 : memref<32768xf32, #tpu.memory_space<hbm>>) target_semaphore(%arg10 : memref<!tpu.dma_semaphore, #tpu.memory_space<semaphore_mem>>)
    %dma_wait3A_301 = tpu.memref_slice %arg4[%add3A_298] : memref<16777216xf32, #tpu.memory_space<hbm>> -> memref<32768xf32, #tpu.memory_space<hbm>>
    %dma_wait3A_302 = tpu.memref_slice %arg4[%add3A_298] : memref<16777216xf32, #tpu.memory_space<hbm>> -> memref<32768xf32, #tpu.memory_space<hbm>>
    tpu.wait_dma2 semaphore(%arg10 : memref<!tpu.dma_semaphore, #tpu.memory_space<semaphore_mem>>) src(%arg7 : memref<32768xf32, #tpu.memory_space<vmem>>) dst(%dma_wait3A_302 : memref<32768xf32, #tpu.memory_space<hbm>>)
    %add3A_303 = arith.constant 458752 : i32
    %add3A_304 = arith.addi %mul3A_2, %add3A_303 : i32
    %dma_start3A_305 = tpu.memref_slice %arg2[%add3A_304] : memref<16777216xf32, #tpu.memory_space<hbm>> -> memref<32768xf32, #tpu.memory_space<hbm>>
    %dma_start3A_306 = tpu.memref_slice %arg2[%add3A_304] : memref<16777216xf32, #tpu.memory_space<hbm>> -> memref<32768xf32, #tpu.memory_space<hbm>>
    tpu.enqueue_dma source(%dma_start3A_306 : memref<32768xf32, #tpu.memory_space<hbm>>) target(%arg7 : memref<32768xf32, #tpu.memory_space<vmem>>) target_semaphore(%arg9 : memref<!tpu.dma_semaphore, #tpu.memory_space<semaphore_mem>>)
    %dma_wait3A_307 = tpu.memref_slice %arg2[%add3A_256] : memref<16777216xf32, #tpu.memory_space<hbm>> -> memref<32768xf32, #tpu.memory_space<hbm>>
    %dma_wait3A_308 = tpu.memref_slice %arg2[%add3A_256] : memref<16777216xf32, #tpu.memory_space<hbm>> -> memref<32768xf32, #tpu.memory_space<hbm>>
    tpu.wait_dma2 semaphore(%arg9 : memref<!tpu.dma_semaphore, #tpu.memory_space<semaphore_mem>>) src(%dma_wait3A_308 : memref<32768xf32, #tpu.memory_space<hbm>>) dst(%arg5 : memref<32768xf32, #tpu.memory_space<vmem>>)
    %broadcast_in_dim3A_309 = arith.constant 0.000000e+00 : f32
    %broadcast_in_dim3A_310 = vector.broadcast %broadcast_in_dim3A_309 : f32 to vector<16xf32>
    %broadcast_in_dim3A_311 = arith.constant 131072 : i32
    %broadcast_in_dim3A_312 = vector.broadcast %broadcast_in_dim3A_311 : i32 to vector<16xi32>
    %broadcast_in_dim3A_313 = arith.constant 32768 : i32
    %broadcast_in_dim3A_314 = vector.broadcast %broadcast_in_dim3A_313 : i32 to vector<16xi32>
    %scan3A_315 = arith.constant 0 : i32
    %scan3A_316 = arith.constant 0 : i32
    %scan3A_317 = arith.constant 128 : i32
    %scan3A_318 = arith.addi %scan3A_316, %scan3A_317 : i32
    %scan3A_319 = arith.constant 8 : i32
    scf.for %scan3A_391 = %scan3A_316 to %scan3A_318 step %scan3A_319  : i32 {
      %mul3A_392 = arith.constant 16 : i32
      %mul3A_393 = arith.muli %scan3A_391, %mul3A_392 : i32
      %add3A_394 = arith.constant 2048 : i32
      %add3A_395 = arith.addi %add3A_394, %mul3A_393 : i32
      %get3A = arith.index_cast %add3A_395 : i32 to index
      %get3A_396 = tpu.vector_load %arg8[%get3A] {strides = array<i32>} : memref<4096xi32, #tpu.memory_space<vmem>>, vector<16xi32>,
      %sub3A = arith.subi %get3A_396, %broadcast_in_dim3A_312 : vector<16xi32>
      %bitcast3A = vector.bitcast %sub3A : vector<16xi32> to vector<16xi32>
      %lt3A = arith.cmpi ult, %bitcast3A, %broadcast_in_dim3A_314 : vector<16xi32>
      tpu.vector_store_idx %arg5[%sub3A], %broadcast_in_dim3A_310 masked %lt3A : memref<32768xf32, #tpu.memory_space<vmem>>[vector<16xi32>], vector<16xf32>, vector<16xi1>
      %scan3A_397 = arith.constant 1 : i32
      %scan3A_398 = arith.addi %scan3A_391, %scan3A_397 : i32
      %mul3A_399 = arith.constant 16 : i32
      %mul3A_400 = arith.muli %scan3A_398, %mul3A_399 : i32
      %add3A_401 = arith.constant 2048 : i32
      %add3A_402 = arith.addi %add3A_401, %mul3A_400 : i32
      %get3A_403 = arith.index_cast %add3A_402 : i32 to index
      %get3A_404 = tpu.vector_load %arg8[%get3A_403] {strides = array<i32>} : memref<4096xi32, #tpu.memory_space<vmem>>, vector<16xi32>,
      %sub3A_405 = arith.subi %get3A_404, %broadcast_in_dim3A_312 : vector<16xi32>
      %bitcast3A_406 = vector.bitcast %sub3A_405 : vector<16xi32> to vector<16xi32>
      %lt3A_407 = arith.cmpi ult, %bitcast3A_406, %broadcast_in_dim3A_314 : vector<16xi32>
      tpu.vector_store_idx %arg5[%sub3A_405], %broadcast_in_dim3A_310 masked %lt3A_407 : memref<32768xf32, #tpu.memory_space<vmem>>[vector<16xi32>], vector<16xf32>, vector<16xi1>
      %scan3A_408 = arith.constant 2 : i32
      %scan3A_409 = arith.addi %scan3A_391, %scan3A_408 : i32
      %mul3A_410 = arith.constant 16 : i32
      %mul3A_411 = arith.muli %scan3A_409, %mul3A_410 : i32
      %add3A_412 = arith.constant 2048 : i32
      %add3A_413 = arith.addi %add3A_412, %mul3A_411 : i32
      %get3A_414 = arith.index_cast %add3A_413 : i32 to index
      %get3A_415 = tpu.vector_load %arg8[%get3A_414] {strides = array<i32>} : memref<4096xi32, #tpu.memory_space<vmem>>, vector<16xi32>,
      %sub3A_416 = arith.subi %get3A_415, %broadcast_in_dim3A_312 : vector<16xi32>
      %bitcast3A_417 = vector.bitcast %sub3A_416 : vector<16xi32> to vector<16xi32>
      %lt3A_418 = arith.cmpi ult, %bitcast3A_417, %broadcast_in_dim3A_314 : vector<16xi32>
      tpu.vector_store_idx %arg5[%sub3A_416], %broadcast_in_dim3A_310 masked %lt3A_418 : memref<32768xf32, #tpu.memory_space<vmem>>[vector<16xi32>], vector<16xf32>, vector<16xi1>
      %scan3A_419 = arith.constant 3 : i32
      %scan3A_420 = arith.addi %scan3A_391, %scan3A_419 : i32
      %mul3A_421 = arith.constant 16 : i32
      %mul3A_422 = arith.muli %scan3A_420, %mul3A_421 : i32
      %add3A_423 = arith.constant 2048 : i32
      %add3A_424 = arith.addi %add3A_423, %mul3A_422 : i32
      %get3A_425 = arith.index_cast %add3A_424 : i32 to index
      %get3A_426 = tpu.vector_load %arg8[%get3A_425] {strides = array<i32>} : memref<4096xi32, #tpu.memory_space<vmem>>, vector<16xi32>,
      %sub3A_427 = arith.subi %get3A_426, %broadcast_in_dim3A_312 : vector<16xi32>
      %bitcast3A_428 = vector.bitcast %sub3A_427 : vector<16xi32> to vector<16xi32>
      %lt3A_429 = arith.cmpi ult, %bitcast3A_428, %broadcast_in_dim3A_314 : vector<16xi32>
      tpu.vector_store_idx %arg5[%sub3A_427], %broadcast_in_dim3A_310 masked %lt3A_429 : memref<32768xf32, #tpu.memory_space<vmem>>[vector<16xi32>], vector<16xf32>, vector<16xi1>
      %scan3A_430 = arith.constant 4 : i32
      %scan3A_431 = arith.addi %scan3A_391, %scan3A_430 : i32
      %mul3A_432 = arith.constant 16 : i32
      %mul3A_433 = arith.muli %scan3A_431, %mul3A_432 : i32
      %add3A_434 = arith.constant 2048 : i32
      %add3A_435 = arith.addi %add3A_434, %mul3A_433 : i32
      %get3A_436 = arith.index_cast %add3A_435 : i32 to index
      %get3A_437 = tpu.vector_load %arg8[%get3A_436] {strides = array<i32>} : memref<4096xi32, #tpu.memory_space<vmem>>, vector<16xi32>,
      %sub3A_438 = arith.subi %get3A_437, %broadcast_in_dim3A_312 : vector<16xi32>
      %bitcast3A_439 = vector.bitcast %sub3A_438 : vector<16xi32> to vector<16xi32>
      %lt3A_440 = arith.cmpi ult, %bitcast3A_439, %broadcast_in_dim3A_314 : vector<16xi32>
      tpu.vector_store_idx %arg5[%sub3A_438], %broadcast_in_dim3A_310 masked %lt3A_440 : memref<32768xf32, #tpu.memory_space<vmem>>[vector<16xi32>], vector<16xf32>, vector<16xi1>
      %scan3A_441 = arith.constant 5 : i32
      %scan3A_442 = arith.addi %scan3A_391, %scan3A_441 : i32
      %mul3A_443 = arith.constant 16 : i32
      %mul3A_444 = arith.muli %scan3A_442, %mul3A_443 : i32
      %add3A_445 = arith.constant 2048 : i32
      %add3A_446 = arith.addi %add3A_445, %mul3A_444 : i32
      %get3A_447 = arith.index_cast %add3A_446 : i32 to index
      %get3A_448 = tpu.vector_load %arg8[%get3A_447] {strides = array<i32>} : memref<4096xi32, #tpu.memory_space<vmem>>, vector<16xi32>,
      %sub3A_449 = arith.subi %get3A_448, %broadcast_in_dim3A_312 : vector<16xi32>
      %bitcast3A_450 = vector.bitcast %sub3A_449 : vector<16xi32> to vector<16xi32>
      %lt3A_451 = arith.cmpi ult, %bitcast3A_450, %broadcast_in_dim3A_314 : vector<16xi32>
      tpu.vector_store_idx %arg5[%sub3A_449], %broadcast_in_dim3A_310 masked %lt3A_451 : memref<32768xf32, #tpu.memory_space<vmem>>[vector<16xi32>], vector<16xf32>, vector<16xi1>
      %scan3A_452 = arith.constant 6 : i32
      %scan3A_453 = arith.addi %scan3A_391, %scan3A_452 : i32
      %mul3A_454 = arith.constant 16 : i32
      %mul3A_455 = arith.muli %scan3A_453, %mul3A_454 : i32
      %add3A_456 = arith.constant 2048 : i32
      %add3A_457 = arith.addi %add3A_456, %mul3A_455 : i32
      %get3A_458 = arith.index_cast %add3A_457 : i32 to index
      %get3A_459 = tpu.vector_load %arg8[%get3A_458] {strides = array<i32>} : memref<4096xi32, #tpu.memory_space<vmem>>, vector<16xi32>,
      %sub3A_460 = arith.subi %get3A_459, %broadcast_in_dim3A_312 : vector<16xi32>
      %bitcast3A_461 = vector.bitcast %sub3A_460 : vector<16xi32> to vector<16xi32>
      %lt3A_462 = arith.cmpi ult, %bitcast3A_461, %broadcast_in_dim3A_314 : vector<16xi32>
      tpu.vector_store_idx %arg5[%sub3A_460], %broadcast_in_dim3A_310 masked %lt3A_462 : memref<32768xf32, #tpu.memory_space<vmem>>[vector<16xi32>], vector<16xf32>, vector<16xi1>
      %scan3A_463 = arith.constant 7 : i32
      %scan3A_464 = arith.addi %scan3A_391, %scan3A_463 : i32
      %mul3A_465 = arith.constant 16 : i32
      %mul3A_466 = arith.muli %scan3A_464, %mul3A_465 : i32
      %add3A_467 = arith.constant 2048 : i32
      %add3A_468 = arith.addi %add3A_467, %mul3A_466 : i32
      %get3A_469 = arith.index_cast %add3A_468 : i32 to index
      %get3A_470 = tpu.vector_load %arg8[%get3A_469] {strides = array<i32>} : memref<4096xi32, #tpu.memory_space<vmem>>, vector<16xi32>,
      %sub3A_471 = arith.subi %get3A_470, %broadcast_in_dim3A_312 : vector<16xi32>
      %bitcast3A_472 = vector.bitcast %sub3A_471 : vector<16xi32> to vector<16xi32>
      %lt3A_473 = arith.cmpi ult, %bitcast3A_472, %broadcast_in_dim3A_314 : vector<16xi32>
      tpu.vector_store_idx %arg5[%sub3A_471], %broadcast_in_dim3A_310 masked %lt3A_473 : memref<32768xf32, #tpu.memory_space<vmem>>[vector<16xi32>], vector<16xf32>, vector<16xi1>
    }
    %scan3A_320 = arith.constant 128 : i32
    %add3A_321 = arith.constant 393216 : i32
    %add3A_322 = arith.addi %mul3A_2, %add3A_321 : i32
    %dma_start3A_323 = tpu.memref_slice %arg4[%add3A_322] : memref<16777216xf32, #tpu.memory_space<hbm>> -> memref<32768xf32, #tpu.memory_space<hbm>>
    %dma_start3A_324 = tpu.memref_slice %arg4[%add3A_322] : memref<16777216xf32, #tpu.memory_space<hbm>> -> memref<32768xf32, #tpu.memory_space<hbm>>
    tpu.enqueue_dma source(%arg5 : memref<32768xf32, #tpu.memory_space<vmem>>) target(%dma_start3A_324 : memref<32768xf32, #tpu.memory_space<hbm>>) target_semaphore(%arg10 : memref<!tpu.dma_semaphore, #tpu.memory_space<semaphore_mem>>)
    %dma_wait3A_325 = tpu.memref_slice %arg4[%add3A_322] : memref<16777216xf32, #tpu.memory_space<hbm>> -> memref<32768xf32, #tpu.memory_space<hbm>>
    %dma_wait3A_326 = tpu.memref_slice %arg4[%add3A_322] : memref<16777216xf32, #tpu.memory_space<hbm>> -> memref<32768xf32, #tpu.memory_space<hbm>>
    tpu.wait_dma2 semaphore(%arg10 : memref<!tpu.dma_semaphore, #tpu.memory_space<semaphore_mem>>) src(%arg5 : memref<32768xf32, #tpu.memory_space<vmem>>) dst(%dma_wait3A_326 : memref<32768xf32, #tpu.memory_space<hbm>>)
    %add3A_327 = arith.constant 491520 : i32
    %add3A_328 = arith.addi %mul3A_2, %add3A_327 : i32
    %dma_start3A_329 = tpu.memref_slice %arg2[%add3A_328] : memref<16777216xf32, #tpu.memory_space<hbm>> -> memref<32768xf32, #tpu.memory_space<hbm>>
    %dma_start3A_330 = tpu.memref_slice %arg2[%add3A_328] : memref<16777216xf32, #tpu.memory_space<hbm>> -> memref<32768xf32, #tpu.memory_space<hbm>>
    tpu.enqueue_dma source(%dma_start3A_330 : memref<32768xf32, #tpu.memory_space<hbm>>) target(%arg5 : memref<32768xf32, #tpu.memory_space<vmem>>) target_semaphore(%arg9 : memref<!tpu.dma_semaphore, #tpu.memory_space<semaphore_mem>>)
    %dma_wait3A_331 = tpu.memref_slice %arg2[%add3A_280] : memref<16777216xf32, #tpu.memory_space<hbm>> -> memref<32768xf32, #tpu.memory_space<hbm>>
    %dma_wait3A_332 = tpu.memref_slice %arg2[%add3A_280] : memref<16777216xf32, #tpu.memory_space<hbm>> -> memref<32768xf32, #tpu.memory_space<hbm>>
    tpu.wait_dma2 semaphore(%arg9 : memref<!tpu.dma_semaphore, #tpu.memory_space<semaphore_mem>>) src(%dma_wait3A_332 : memref<32768xf32, #tpu.memory_space<hbm>>) dst(%arg6 : memref<32768xf32, #tpu.memory_space<vmem>>)
    %broadcast_in_dim3A_333 = arith.constant 0.000000e+00 : f32
    %broadcast_in_dim3A_334 = vector.broadcast %broadcast_in_dim3A_333 : f32 to vector<16xf32>
    %broadcast_in_dim3A_335 = arith.constant 163840 : i32
    %broadcast_in_dim3A_336 = vector.broadcast %broadcast_in_dim3A_335 : i32 to vector<16xi32>
    %broadcast_in_dim3A_337 = arith.constant 32768 : i32
    %broadcast_in_dim3A_338 = vector.broadcast %broadcast_in_dim3A_337 : i32 to vector<16xi32>
    %scan3A_339 = arith.constant 0 : i32
    %scan3A_340 = arith.constant 0 : i32
    %scan3A_341 = arith.constant 128 : i32
    %scan3A_342 = arith.addi %scan3A_340, %scan3A_341 : i32
    %scan3A_343 = arith.constant 8 : i32
    scf.for %scan3A_391 = %scan3A_340 to %scan3A_342 step %scan3A_343  : i32 {
      %mul3A_392 = arith.constant 16 : i32
      %mul3A_393 = arith.muli %scan3A_391, %mul3A_392 : i32
      %add3A_394 = arith.constant 2048 : i32
      %add3A_395 = arith.addi %add3A_394, %mul3A_393 : i32
      %get3A = arith.index_cast %add3A_395 : i32 to index
      %get3A_396 = tpu.vector_load %arg8[%get3A] {strides = array<i32>} : memref<4096xi32, #tpu.memory_space<vmem>>, vector<16xi32>,
      %sub3A = arith.subi %get3A_396, %broadcast_in_dim3A_336 : vector<16xi32>
      %bitcast3A = vector.bitcast %sub3A : vector<16xi32> to vector<16xi32>
      %lt3A = arith.cmpi ult, %bitcast3A, %broadcast_in_dim3A_338 : vector<16xi32>
      tpu.vector_store_idx %arg6[%sub3A], %broadcast_in_dim3A_334 masked %lt3A : memref<32768xf32, #tpu.memory_space<vmem>>[vector<16xi32>], vector<16xf32>, vector<16xi1>
      %scan3A_397 = arith.constant 1 : i32
      %scan3A_398 = arith.addi %scan3A_391, %scan3A_397 : i32
      %mul3A_399 = arith.constant 16 : i32
      %mul3A_400 = arith.muli %scan3A_398, %mul3A_399 : i32
      %add3A_401 = arith.constant 2048 : i32
      %add3A_402 = arith.addi %add3A_401, %mul3A_400 : i32
      %get3A_403 = arith.index_cast %add3A_402 : i32 to index
      %get3A_404 = tpu.vector_load %arg8[%get3A_403] {strides = array<i32>} : memref<4096xi32, #tpu.memory_space<vmem>>, vector<16xi32>,
      %sub3A_405 = arith.subi %get3A_404, %broadcast_in_dim3A_336 : vector<16xi32>
      %bitcast3A_406 = vector.bitcast %sub3A_405 : vector<16xi32> to vector<16xi32>
      %lt3A_407 = arith.cmpi ult, %bitcast3A_406, %broadcast_in_dim3A_338 : vector<16xi32>
      tpu.vector_store_idx %arg6[%sub3A_405], %broadcast_in_dim3A_334 masked %lt3A_407 : memref<32768xf32, #tpu.memory_space<vmem>>[vector<16xi32>], vector<16xf32>, vector<16xi1>
      %scan3A_408 = arith.constant 2 : i32
      %scan3A_409 = arith.addi %scan3A_391, %scan3A_408 : i32
      %mul3A_410 = arith.constant 16 : i32
      %mul3A_411 = arith.muli %scan3A_409, %mul3A_410 : i32
      %add3A_412 = arith.constant 2048 : i32
      %add3A_413 = arith.addi %add3A_412, %mul3A_411 : i32
      %get3A_414 = arith.index_cast %add3A_413 : i32 to index
      %get3A_415 = tpu.vector_load %arg8[%get3A_414] {strides = array<i32>} : memref<4096xi32, #tpu.memory_space<vmem>>, vector<16xi32>,
      %sub3A_416 = arith.subi %get3A_415, %broadcast_in_dim3A_336 : vector<16xi32>
      %bitcast3A_417 = vector.bitcast %sub3A_416 : vector<16xi32> to vector<16xi32>
      %lt3A_418 = arith.cmpi ult, %bitcast3A_417, %broadcast_in_dim3A_338 : vector<16xi32>
      tpu.vector_store_idx %arg6[%sub3A_416], %broadcast_in_dim3A_334 masked %lt3A_418 : memref<32768xf32, #tpu.memory_space<vmem>>[vector<16xi32>], vector<16xf32>, vector<16xi1>
      %scan3A_419 = arith.constant 3 : i32
      %scan3A_420 = arith.addi %scan3A_391, %scan3A_419 : i32
      %mul3A_421 = arith.constant 16 : i32
      %mul3A_422 = arith.muli %scan3A_420, %mul3A_421 : i32
      %add3A_423 = arith.constant 2048 : i32
      %add3A_424 = arith.addi %add3A_423, %mul3A_422 : i32
      %get3A_425 = arith.index_cast %add3A_424 : i32 to index
      %get3A_426 = tpu.vector_load %arg8[%get3A_425] {strides = array<i32>} : memref<4096xi32, #tpu.memory_space<vmem>>, vector<16xi32>,
      %sub3A_427 = arith.subi %get3A_426, %broadcast_in_dim3A_336 : vector<16xi32>
      %bitcast3A_428 = vector.bitcast %sub3A_427 : vector<16xi32> to vector<16xi32>
      %lt3A_429 = arith.cmpi ult, %bitcast3A_428, %broadcast_in_dim3A_338 : vector<16xi32>
      tpu.vector_store_idx %arg6[%sub3A_427], %broadcast_in_dim3A_334 masked %lt3A_429 : memref<32768xf32, #tpu.memory_space<vmem>>[vector<16xi32>], vector<16xf32>, vector<16xi1>
      %scan3A_430 = arith.constant 4 : i32
      %scan3A_431 = arith.addi %scan3A_391, %scan3A_430 : i32
      %mul3A_432 = arith.constant 16 : i32
      %mul3A_433 = arith.muli %scan3A_431, %mul3A_432 : i32
      %add3A_434 = arith.constant 2048 : i32
      %add3A_435 = arith.addi %add3A_434, %mul3A_433 : i32
      %get3A_436 = arith.index_cast %add3A_435 : i32 to index
      %get3A_437 = tpu.vector_load %arg8[%get3A_436] {strides = array<i32>} : memref<4096xi32, #tpu.memory_space<vmem>>, vector<16xi32>,
      %sub3A_438 = arith.subi %get3A_437, %broadcast_in_dim3A_336 : vector<16xi32>
      %bitcast3A_439 = vector.bitcast %sub3A_438 : vector<16xi32> to vector<16xi32>
      %lt3A_440 = arith.cmpi ult, %bitcast3A_439, %broadcast_in_dim3A_338 : vector<16xi32>
      tpu.vector_store_idx %arg6[%sub3A_438], %broadcast_in_dim3A_334 masked %lt3A_440 : memref<32768xf32, #tpu.memory_space<vmem>>[vector<16xi32>], vector<16xf32>, vector<16xi1>
      %scan3A_441 = arith.constant 5 : i32
      %scan3A_442 = arith.addi %scan3A_391, %scan3A_441 : i32
      %mul3A_443 = arith.constant 16 : i32
      %mul3A_444 = arith.muli %scan3A_442, %mul3A_443 : i32
      %add3A_445 = arith.constant 2048 : i32
      %add3A_446 = arith.addi %add3A_445, %mul3A_444 : i32
      %get3A_447 = arith.index_cast %add3A_446 : i32 to index
      %get3A_448 = tpu.vector_load %arg8[%get3A_447] {strides = array<i32>} : memref<4096xi32, #tpu.memory_space<vmem>>, vector<16xi32>,
      %sub3A_449 = arith.subi %get3A_448, %broadcast_in_dim3A_336 : vector<16xi32>
      %bitcast3A_450 = vector.bitcast %sub3A_449 : vector<16xi32> to vector<16xi32>
      %lt3A_451 = arith.cmpi ult, %bitcast3A_450, %broadcast_in_dim3A_338 : vector<16xi32>
      tpu.vector_store_idx %arg6[%sub3A_449], %broadcast_in_dim3A_334 masked %lt3A_451 : memref<32768xf32, #tpu.memory_space<vmem>>[vector<16xi32>], vector<16xf32>, vector<16xi1>
      %scan3A_452 = arith.constant 6 : i32
      %scan3A_453 = arith.addi %scan3A_391, %scan3A_452 : i32
      %mul3A_454 = arith.constant 16 : i32
      %mul3A_455 = arith.muli %scan3A_453, %mul3A_454 : i32
      %add3A_456 = arith.constant 2048 : i32
      %add3A_457 = arith.addi %add3A_456, %mul3A_455 : i32
      %get3A_458 = arith.index_cast %add3A_457 : i32 to index
      %get3A_459 = tpu.vector_load %arg8[%get3A_458] {strides = array<i32>} : memref<4096xi32, #tpu.memory_space<vmem>>, vector<16xi32>,
      %sub3A_460 = arith.subi %get3A_459, %broadcast_in_dim3A_336 : vector<16xi32>
      %bitcast3A_461 = vector.bitcast %sub3A_460 : vector<16xi32> to vector<16xi32>
      %lt3A_462 = arith.cmpi ult, %bitcast3A_461, %broadcast_in_dim3A_338 : vector<16xi32>
      tpu.vector_store_idx %arg6[%sub3A_460], %broadcast_in_dim3A_334 masked %lt3A_462 : memref<32768xf32, #tpu.memory_space<vmem>>[vector<16xi32>], vector<16xf32>, vector<16xi1>
      %scan3A_463 = arith.constant 7 : i32
      %scan3A_464 = arith.addi %scan3A_391, %scan3A_463 : i32
      %mul3A_465 = arith.constant 16 : i32
      %mul3A_466 = arith.muli %scan3A_464, %mul3A_465 : i32
      %add3A_467 = arith.constant 2048 : i32
      %add3A_468 = arith.addi %add3A_467, %mul3A_466 : i32
      %get3A_469 = arith.index_cast %add3A_468 : i32 to index
      %get3A_470 = tpu.vector_load %arg8[%get3A_469] {strides = array<i32>} : memref<4096xi32, #tpu.memory_space<vmem>>, vector<16xi32>,
      %sub3A_471 = arith.subi %get3A_470, %broadcast_in_dim3A_336 : vector<16xi32>
      %bitcast3A_472 = vector.bitcast %sub3A_471 : vector<16xi32> to vector<16xi32>
      %lt3A_473 = arith.cmpi ult, %bitcast3A_472, %broadcast_in_dim3A_338 : vector<16xi32>
      tpu.vector_store_idx %arg6[%sub3A_471], %broadcast_in_dim3A_334 masked %lt3A_473 : memref<32768xf32, #tpu.memory_space<vmem>>[vector<16xi32>], vector<16xf32>, vector<16xi1>
    }
    %scan3A_344 = arith.constant 128 : i32
    %add3A_345 = arith.constant 425984 : i32
    %add3A_346 = arith.addi %mul3A_2, %add3A_345 : i32
    %dma_start3A_347 = tpu.memref_slice %arg4[%add3A_346] : memref<16777216xf32, #tpu.memory_space<hbm>> -> memref<32768xf32, #tpu.memory_space<hbm>>
    %dma_start3A_348 = tpu.memref_slice %arg4[%add3A_346] : memref<16777216xf32, #tpu.memory_space<hbm>> -> memref<32768xf32, #tpu.memory_space<hbm>>
    tpu.enqueue_dma source(%arg6 : memref<32768xf32, #tpu.memory_space<vmem>>) target(%dma_start3A_348 : memref<32768xf32, #tpu.memory_space<hbm>>) target_semaphore(%arg10 : memref<!tpu.dma_semaphore, #tpu.memory_space<semaphore_mem>>)
    %dma_wait3A_349 = tpu.memref_slice %arg2[%add3A_304] : memref<16777216xf32, #tpu.memory_space<hbm>> -> memref<32768xf32, #tpu.memory_space<hbm>>
    %dma_wait3A_350 = tpu.memref_slice %arg2[%add3A_304] : memref<16777216xf32, #tpu.memory_space<hbm>> -> memref<32768xf32, #tpu.memory_space<hbm>>
    tpu.wait_dma2 semaphore(%arg9 : memref<!tpu.dma_semaphore, #tpu.memory_space<semaphore_mem>>) src(%dma_wait3A_350 : memref<32768xf32, #tpu.memory_space<hbm>>) dst(%arg7 : memref<32768xf32, #tpu.memory_space<vmem>>)
    %broadcast_in_dim3A_351 = arith.constant 0.000000e+00 : f32
    %broadcast_in_dim3A_352 = vector.broadcast %broadcast_in_dim3A_351 : f32 to vector<16xf32>
    %broadcast_in_dim3A_353 = arith.constant 196608 : i32
    %broadcast_in_dim3A_354 = vector.broadcast %broadcast_in_dim3A_353 : i32 to vector<16xi32>
    %broadcast_in_dim3A_355 = arith.constant 32768 : i32
    %broadcast_in_dim3A_356 = vector.broadcast %broadcast_in_dim3A_355 : i32 to vector<16xi32>
    %scan3A_357 = arith.constant 0 : i32
    %scan3A_358 = arith.constant 0 : i32
    %scan3A_359 = arith.constant 128 : i32
    %scan3A_360 = arith.addi %scan3A_358, %scan3A_359 : i32
    %scan3A_361 = arith.constant 8 : i32
    scf.for %scan3A_391 = %scan3A_358 to %scan3A_360 step %scan3A_361  : i32 {
      %mul3A_392 = arith.constant 16 : i32
      %mul3A_393 = arith.muli %scan3A_391, %mul3A_392 : i32
      %add3A_394 = arith.constant 2048 : i32
      %add3A_395 = arith.addi %add3A_394, %mul3A_393 : i32
      %get3A = arith.index_cast %add3A_395 : i32 to index
      %get3A_396 = tpu.vector_load %arg8[%get3A] {strides = array<i32>} : memref<4096xi32, #tpu.memory_space<vmem>>, vector<16xi32>,
      %sub3A = arith.subi %get3A_396, %broadcast_in_dim3A_354 : vector<16xi32>
      %bitcast3A = vector.bitcast %sub3A : vector<16xi32> to vector<16xi32>
      %lt3A = arith.cmpi ult, %bitcast3A, %broadcast_in_dim3A_356 : vector<16xi32>
      tpu.vector_store_idx %arg7[%sub3A], %broadcast_in_dim3A_352 masked %lt3A : memref<32768xf32, #tpu.memory_space<vmem>>[vector<16xi32>], vector<16xf32>, vector<16xi1>
      %scan3A_397 = arith.constant 1 : i32
      %scan3A_398 = arith.addi %scan3A_391, %scan3A_397 : i32
      %mul3A_399 = arith.constant 16 : i32
      %mul3A_400 = arith.muli %scan3A_398, %mul3A_399 : i32
      %add3A_401 = arith.constant 2048 : i32
      %add3A_402 = arith.addi %add3A_401, %mul3A_400 : i32
      %get3A_403 = arith.index_cast %add3A_402 : i32 to index
      %get3A_404 = tpu.vector_load %arg8[%get3A_403] {strides = array<i32>} : memref<4096xi32, #tpu.memory_space<vmem>>, vector<16xi32>,
      %sub3A_405 = arith.subi %get3A_404, %broadcast_in_dim3A_354 : vector<16xi32>
      %bitcast3A_406 = vector.bitcast %sub3A_405 : vector<16xi32> to vector<16xi32>
      %lt3A_407 = arith.cmpi ult, %bitcast3A_406, %broadcast_in_dim3A_356 : vector<16xi32>
      tpu.vector_store_idx %arg7[%sub3A_405], %broadcast_in_dim3A_352 masked %lt3A_407 : memref<32768xf32, #tpu.memory_space<vmem>>[vector<16xi32>], vector<16xf32>, vector<16xi1>
      %scan3A_408 = arith.constant 2 : i32
      %scan3A_409 = arith.addi %scan3A_391, %scan3A_408 : i32
      %mul3A_410 = arith.constant 16 : i32
      %mul3A_411 = arith.muli %scan3A_409, %mul3A_410 : i32
      %add3A_412 = arith.constant 2048 : i32
      %add3A_413 = arith.addi %add3A_412, %mul3A_411 : i32
      %get3A_414 = arith.index_cast %add3A_413 : i32 to index
      %get3A_415 = tpu.vector_load %arg8[%get3A_414] {strides = array<i32>} : memref<4096xi32, #tpu.memory_space<vmem>>, vector<16xi32>,
      %sub3A_416 = arith.subi %get3A_415, %broadcast_in_dim3A_354 : vector<16xi32>
      %bitcast3A_417 = vector.bitcast %sub3A_416 : vector<16xi32> to vector<16xi32>
      %lt3A_418 = arith.cmpi ult, %bitcast3A_417, %broadcast_in_dim3A_356 : vector<16xi32>
      tpu.vector_store_idx %arg7[%sub3A_416], %broadcast_in_dim3A_352 masked %lt3A_418 : memref<32768xf32, #tpu.memory_space<vmem>>[vector<16xi32>], vector<16xf32>, vector<16xi1>
      %scan3A_419 = arith.constant 3 : i32
      %scan3A_420 = arith.addi %scan3A_391, %scan3A_419 : i32
      %mul3A_421 = arith.constant 16 : i32
      %mul3A_422 = arith.muli %scan3A_420, %mul3A_421 : i32
      %add3A_423 = arith.constant 2048 : i32
      %add3A_424 = arith.addi %add3A_423, %mul3A_422 : i32
      %get3A_425 = arith.index_cast %add3A_424 : i32 to index
      %get3A_426 = tpu.vector_load %arg8[%get3A_425] {strides = array<i32>} : memref<4096xi32, #tpu.memory_space<vmem>>, vector<16xi32>,
      %sub3A_427 = arith.subi %get3A_426, %broadcast_in_dim3A_354 : vector<16xi32>
      %bitcast3A_428 = vector.bitcast %sub3A_427 : vector<16xi32> to vector<16xi32>
      %lt3A_429 = arith.cmpi ult, %bitcast3A_428, %broadcast_in_dim3A_356 : vector<16xi32>
      tpu.vector_store_idx %arg7[%sub3A_427], %broadcast_in_dim3A_352 masked %lt3A_429 : memref<32768xf32, #tpu.memory_space<vmem>>[vector<16xi32>], vector<16xf32>, vector<16xi1>
      %scan3A_430 = arith.constant 4 : i32
      %scan3A_431 = arith.addi %scan3A_391, %scan3A_430 : i32
      %mul3A_432 = arith.constant 16 : i32
      %mul3A_433 = arith.muli %scan3A_431, %mul3A_432 : i32
      %add3A_434 = arith.constant 2048 : i32
      %add3A_435 = arith.addi %add3A_434, %mul3A_433 : i32
      %get3A_436 = arith.index_cast %add3A_435 : i32 to index
      %get3A_437 = tpu.vector_load %arg8[%get3A_436] {strides = array<i32>} : memref<4096xi32, #tpu.memory_space<vmem>>, vector<16xi32>,
      %sub3A_438 = arith.subi %get3A_437, %broadcast_in_dim3A_354 : vector<16xi32>
      %bitcast3A_439 = vector.bitcast %sub3A_438 : vector<16xi32> to vector<16xi32>
      %lt3A_440 = arith.cmpi ult, %bitcast3A_439, %broadcast_in_dim3A_356 : vector<16xi32>
      tpu.vector_store_idx %arg7[%sub3A_438], %broadcast_in_dim3A_352 masked %lt3A_440 : memref<32768xf32, #tpu.memory_space<vmem>>[vector<16xi32>], vector<16xf32>, vector<16xi1>
      %scan3A_441 = arith.constant 5 : i32
      %scan3A_442 = arith.addi %scan3A_391, %scan3A_441 : i32
      %mul3A_443 = arith.constant 16 : i32
      %mul3A_444 = arith.muli %scan3A_442, %mul3A_443 : i32
      %add3A_445 = arith.constant 2048 : i32
      %add3A_446 = arith.addi %add3A_445, %mul3A_444 : i32
      %get3A_447 = arith.index_cast %add3A_446 : i32 to index
      %get3A_448 = tpu.vector_load %arg8[%get3A_447] {strides = array<i32>} : memref<4096xi32, #tpu.memory_space<vmem>>, vector<16xi32>,
      %sub3A_449 = arith.subi %get3A_448, %broadcast_in_dim3A_354 : vector<16xi32>
      %bitcast3A_450 = vector.bitcast %sub3A_449 : vector<16xi32> to vector<16xi32>
      %lt3A_451 = arith.cmpi ult, %bitcast3A_450, %broadcast_in_dim3A_356 : vector<16xi32>
      tpu.vector_store_idx %arg7[%sub3A_449], %broadcast_in_dim3A_352 masked %lt3A_451 : memref<32768xf32, #tpu.memory_space<vmem>>[vector<16xi32>], vector<16xf32>, vector<16xi1>
      %scan3A_452 = arith.constant 6 : i32
      %scan3A_453 = arith.addi %scan3A_391, %scan3A_452 : i32
      %mul3A_454 = arith.constant 16 : i32
      %mul3A_455 = arith.muli %scan3A_453, %mul3A_454 : i32
      %add3A_456 = arith.constant 2048 : i32
      %add3A_457 = arith.addi %add3A_456, %mul3A_455 : i32
      %get3A_458 = arith.index_cast %add3A_457 : i32 to index
      %get3A_459 = tpu.vector_load %arg8[%get3A_458] {strides = array<i32>} : memref<4096xi32, #tpu.memory_space<vmem>>, vector<16xi32>,
      %sub3A_460 = arith.subi %get3A_459, %broadcast_in_dim3A_354 : vector<16xi32>
      %bitcast3A_461 = vector.bitcast %sub3A_460 : vector<16xi32> to vector<16xi32>
      %lt3A_462 = arith.cmpi ult, %bitcast3A_461, %broadcast_in_dim3A_356 : vector<16xi32>
      tpu.vector_store_idx %arg7[%sub3A_460], %broadcast_in_dim3A_352 masked %lt3A_462 : memref<32768xf32, #tpu.memory_space<vmem>>[vector<16xi32>], vector<16xf32>, vector<16xi1>
      %scan3A_463 = arith.constant 7 : i32
      %scan3A_464 = arith.addi %scan3A_391, %scan3A_463 : i32
      %mul3A_465 = arith.constant 16 : i32
      %mul3A_466 = arith.muli %scan3A_464, %mul3A_465 : i32
      %add3A_467 = arith.constant 2048 : i32
      %add3A_468 = arith.addi %add3A_467, %mul3A_466 : i32
      %get3A_469 = arith.index_cast %add3A_468 : i32 to index
      %get3A_470 = tpu.vector_load %arg8[%get3A_469] {strides = array<i32>} : memref<4096xi32, #tpu.memory_space<vmem>>, vector<16xi32>,
      %sub3A_471 = arith.subi %get3A_470, %broadcast_in_dim3A_354 : vector<16xi32>
      %bitcast3A_472 = vector.bitcast %sub3A_471 : vector<16xi32> to vector<16xi32>
      %lt3A_473 = arith.cmpi ult, %bitcast3A_472, %broadcast_in_dim3A_356 : vector<16xi32>
      tpu.vector_store_idx %arg7[%sub3A_471], %broadcast_in_dim3A_352 masked %lt3A_473 : memref<32768xf32, #tpu.memory_space<vmem>>[vector<16xi32>], vector<16xf32>, vector<16xi1>
    }
    %scan3A_362 = arith.constant 128 : i32
    %add3A_363 = arith.constant 458752 : i32
    %add3A_364 = arith.addi %mul3A_2, %add3A_363 : i32
    %dma_start3A_365 = tpu.memref_slice %arg4[%add3A_364] : memref<16777216xf32, #tpu.memory_space<hbm>> -> memref<32768xf32, #tpu.memory_space<hbm>>
    %dma_start3A_366 = tpu.memref_slice %arg4[%add3A_364] : memref<16777216xf32, #tpu.memory_space<hbm>> -> memref<32768xf32, #tpu.memory_space<hbm>>
    tpu.enqueue_dma source(%arg7 : memref<32768xf32, #tpu.memory_space<vmem>>) target(%dma_start3A_366 : memref<32768xf32, #tpu.memory_space<hbm>>) target_semaphore(%arg10 : memref<!tpu.dma_semaphore, #tpu.memory_space<semaphore_mem>>)
    %dma_wait3A_367 = tpu.memref_slice %arg2[%add3A_328] : memref<16777216xf32, #tpu.memory_space<hbm>> -> memref<32768xf32, #tpu.memory_space<hbm>>
    %dma_wait3A_368 = tpu.memref_slice %arg2[%add3A_328] : memref<16777216xf32, #tpu.memory_space<hbm>> -> memref<32768xf32, #tpu.memory_space<hbm>>
    tpu.wait_dma2 semaphore(%arg9 : memref<!tpu.dma_semaphore, #tpu.memory_space<semaphore_mem>>) src(%dma_wait3A_368 : memref<32768xf32, #tpu.memory_space<hbm>>) dst(%arg5 : memref<32768xf32, #tpu.memory_space<vmem>>)
    %broadcast_in_dim3A_369 = arith.constant 0.000000e+00 : f32
    %broadcast_in_dim3A_370 = vector.broadcast %broadcast_in_dim3A_369 : f32 to vector<16xf32>
    %broadcast_in_dim3A_371 = arith.constant 229376 : i32
    %broadcast_in_dim3A_372 = vector.broadcast %broadcast_in_dim3A_371 : i32 to vector<16xi32>
    %broadcast_in_dim3A_373 = arith.constant 32768 : i32
    %broadcast_in_dim3A_374 = vector.broadcast %broadcast_in_dim3A_373 : i32 to vector<16xi32>
    %scan3A_375 = arith.constant 0 : i32
    %scan3A_376 = arith.constant 0 : i32
    %scan3A_377 = arith.constant 128 : i32
    %scan3A_378 = arith.addi %scan3A_376, %scan3A_377 : i32
    %scan3A_379 = arith.constant 8 : i32
    scf.for %scan3A_391 = %scan3A_376 to %scan3A_378 step %scan3A_379  : i32 {
      %mul3A_392 = arith.constant 16 : i32
      %mul3A_393 = arith.muli %scan3A_391, %mul3A_392 : i32
      %add3A_394 = arith.constant 2048 : i32
      %add3A_395 = arith.addi %add3A_394, %mul3A_393 : i32
      %get3A = arith.index_cast %add3A_395 : i32 to index
      %get3A_396 = tpu.vector_load %arg8[%get3A] {strides = array<i32>} : memref<4096xi32, #tpu.memory_space<vmem>>, vector<16xi32>,
      %sub3A = arith.subi %get3A_396, %broadcast_in_dim3A_372 : vector<16xi32>
      %bitcast3A = vector.bitcast %sub3A : vector<16xi32> to vector<16xi32>
      %lt3A = arith.cmpi ult, %bitcast3A, %broadcast_in_dim3A_374 : vector<16xi32>
      tpu.vector_store_idx %arg5[%sub3A], %broadcast_in_dim3A_370 masked %lt3A : memref<32768xf32, #tpu.memory_space<vmem>>[vector<16xi32>], vector<16xf32>, vector<16xi1>
      %scan3A_397 = arith.constant 1 : i32
      %scan3A_398 = arith.addi %scan3A_391, %scan3A_397 : i32
      %mul3A_399 = arith.constant 16 : i32
      %mul3A_400 = arith.muli %scan3A_398, %mul3A_399 : i32
      %add3A_401 = arith.constant 2048 : i32
      %add3A_402 = arith.addi %add3A_401, %mul3A_400 : i32
      %get3A_403 = arith.index_cast %add3A_402 : i32 to index
      %get3A_404 = tpu.vector_load %arg8[%get3A_403] {strides = array<i32>} : memref<4096xi32, #tpu.memory_space<vmem>>, vector<16xi32>,
      %sub3A_405 = arith.subi %get3A_404, %broadcast_in_dim3A_372 : vector<16xi32>
      %bitcast3A_406 = vector.bitcast %sub3A_405 : vector<16xi32> to vector<16xi32>
      %lt3A_407 = arith.cmpi ult, %bitcast3A_406, %broadcast_in_dim3A_374 : vector<16xi32>
      tpu.vector_store_idx %arg5[%sub3A_405], %broadcast_in_dim3A_370 masked %lt3A_407 : memref<32768xf32, #tpu.memory_space<vmem>>[vector<16xi32>], vector<16xf32>, vector<16xi1>
      %scan3A_408 = arith.constant 2 : i32
      %scan3A_409 = arith.addi %scan3A_391, %scan3A_408 : i32
      %mul3A_410 = arith.constant 16 : i32
      %mul3A_411 = arith.muli %scan3A_409, %mul3A_410 : i32
      %add3A_412 = arith.constant 2048 : i32
      %add3A_413 = arith.addi %add3A_412, %mul3A_411 : i32
      %get3A_414 = arith.index_cast %add3A_413 : i32 to index
      %get3A_415 = tpu.vector_load %arg8[%get3A_414] {strides = array<i32>} : memref<4096xi32, #tpu.memory_space<vmem>>, vector<16xi32>,
      %sub3A_416 = arith.subi %get3A_415, %broadcast_in_dim3A_372 : vector<16xi32>
      %bitcast3A_417 = vector.bitcast %sub3A_416 : vector<16xi32> to vector<16xi32>
      %lt3A_418 = arith.cmpi ult, %bitcast3A_417, %broadcast_in_dim3A_374 : vector<16xi32>
      tpu.vector_store_idx %arg5[%sub3A_416], %broadcast_in_dim3A_370 masked %lt3A_418 : memref<32768xf32, #tpu.memory_space<vmem>>[vector<16xi32>], vector<16xf32>, vector<16xi1>
      %scan3A_419 = arith.constant 3 : i32
      %scan3A_420 = arith.addi %scan3A_391, %scan3A_419 : i32
      %mul3A_421 = arith.constant 16 : i32
      %mul3A_422 = arith.muli %scan3A_420, %mul3A_421 : i32
      %add3A_423 = arith.constant 2048 : i32
      %add3A_424 = arith.addi %add3A_423, %mul3A_422 : i32
      %get3A_425 = arith.index_cast %add3A_424 : i32 to index
      %get3A_426 = tpu.vector_load %arg8[%get3A_425] {strides = array<i32>} : memref<4096xi32, #tpu.memory_space<vmem>>, vector<16xi32>,
      %sub3A_427 = arith.subi %get3A_426, %broadcast_in_dim3A_372 : vector<16xi32>
      %bitcast3A_428 = vector.bitcast %sub3A_427 : vector<16xi32> to vector<16xi32>
      %lt3A_429 = arith.cmpi ult, %bitcast3A_428, %broadcast_in_dim3A_374 : vector<16xi32>
      tpu.vector_store_idx %arg5[%sub3A_427], %broadcast_in_dim3A_370 masked %lt3A_429 : memref<32768xf32, #tpu.memory_space<vmem>>[vector<16xi32>], vector<16xf32>, vector<16xi1>
      %scan3A_430 = arith.constant 4 : i32
      %scan3A_431 = arith.addi %scan3A_391, %scan3A_430 : i32
      %mul3A_432 = arith.constant 16 : i32
      %mul3A_433 = arith.muli %scan3A_431, %mul3A_432 : i32
      %add3A_434 = arith.constant 2048 : i32
      %add3A_435 = arith.addi %add3A_434, %mul3A_433 : i32
      %get3A_436 = arith.index_cast %add3A_435 : i32 to index
      %get3A_437 = tpu.vector_load %arg8[%get3A_436] {strides = array<i32>} : memref<4096xi32, #tpu.memory_space<vmem>>, vector<16xi32>,
      %sub3A_438 = arith.subi %get3A_437, %broadcast_in_dim3A_372 : vector<16xi32>
      %bitcast3A_439 = vector.bitcast %sub3A_438 : vector<16xi32> to vector<16xi32>
      %lt3A_440 = arith.cmpi ult, %bitcast3A_439, %broadcast_in_dim3A_374 : vector<16xi32>
      tpu.vector_store_idx %arg5[%sub3A_438], %broadcast_in_dim3A_370 masked %lt3A_440 : memref<32768xf32, #tpu.memory_space<vmem>>[vector<16xi32>], vector<16xf32>, vector<16xi1>
      %scan3A_441 = arith.constant 5 : i32
      %scan3A_442 = arith.addi %scan3A_391, %scan3A_441 : i32
      %mul3A_443 = arith.constant 16 : i32
      %mul3A_444 = arith.muli %scan3A_442, %mul3A_443 : i32
      %add3A_445 = arith.constant 2048 : i32
      %add3A_446 = arith.addi %add3A_445, %mul3A_444 : i32
      %get3A_447 = arith.index_cast %add3A_446 : i32 to index
      %get3A_448 = tpu.vector_load %arg8[%get3A_447] {strides = array<i32>} : memref<4096xi32, #tpu.memory_space<vmem>>, vector<16xi32>,
      %sub3A_449 = arith.subi %get3A_448, %broadcast_in_dim3A_372 : vector<16xi32>
      %bitcast3A_450 = vector.bitcast %sub3A_449 : vector<16xi32> to vector<16xi32>
      %lt3A_451 = arith.cmpi ult, %bitcast3A_450, %broadcast_in_dim3A_374 : vector<16xi32>
      tpu.vector_store_idx %arg5[%sub3A_449], %broadcast_in_dim3A_370 masked %lt3A_451 : memref<32768xf32, #tpu.memory_space<vmem>>[vector<16xi32>], vector<16xf32>, vector<16xi1>
      %scan3A_452 = arith.constant 6 : i32
      %scan3A_453 = arith.addi %scan3A_391, %scan3A_452 : i32
      %mul3A_454 = arith.constant 16 : i32
      %mul3A_455 = arith.muli %scan3A_453, %mul3A_454 : i32
      %add3A_456 = arith.constant 2048 : i32
      %add3A_457 = arith.addi %add3A_456, %mul3A_455 : i32
      %get3A_458 = arith.index_cast %add3A_457 : i32 to index
      %get3A_459 = tpu.vector_load %arg8[%get3A_458] {strides = array<i32>} : memref<4096xi32, #tpu.memory_space<vmem>>, vector<16xi32>,
      %sub3A_460 = arith.subi %get3A_459, %broadcast_in_dim3A_372 : vector<16xi32>
      %bitcast3A_461 = vector.bitcast %sub3A_460 : vector<16xi32> to vector<16xi32>
      %lt3A_462 = arith.cmpi ult, %bitcast3A_461, %broadcast_in_dim3A_374 : vector<16xi32>
      tpu.vector_store_idx %arg5[%sub3A_460], %broadcast_in_dim3A_370 masked %lt3A_462 : memref<32768xf32, #tpu.memory_space<vmem>>[vector<16xi32>], vector<16xf32>, vector<16xi1>
      %scan3A_463 = arith.constant 7 : i32
      %scan3A_464 = arith.addi %scan3A_391, %scan3A_463 : i32
      %mul3A_465 = arith.constant 16 : i32
      %mul3A_466 = arith.muli %scan3A_464, %mul3A_465 : i32
      %add3A_467 = arith.constant 2048 : i32
      %add3A_468 = arith.addi %add3A_467, %mul3A_466 : i32
      %get3A_469 = arith.index_cast %add3A_468 : i32 to index
      %get3A_470 = tpu.vector_load %arg8[%get3A_469] {strides = array<i32>} : memref<4096xi32, #tpu.memory_space<vmem>>, vector<16xi32>,
      %sub3A_471 = arith.subi %get3A_470, %broadcast_in_dim3A_372 : vector<16xi32>
      %bitcast3A_472 = vector.bitcast %sub3A_471 : vector<16xi32> to vector<16xi32>
      %lt3A_473 = arith.cmpi ult, %bitcast3A_472, %broadcast_in_dim3A_374 : vector<16xi32>
      tpu.vector_store_idx %arg5[%sub3A_471], %broadcast_in_dim3A_370 masked %lt3A_473 : memref<32768xf32, #tpu.memory_space<vmem>>[vector<16xi32>], vector<16xf32>, vector<16xi1>
    }
    %scan3A_380 = arith.constant 128 : i32
    %add3A_381 = arith.constant 491520 : i32
    %add3A_382 = arith.addi %mul3A_2, %add3A_381 : i32
    %dma_start3A_383 = tpu.memref_slice %arg4[%add3A_382] : memref<16777216xf32, #tpu.memory_space<hbm>> -> memref<32768xf32, #tpu.memory_space<hbm>>
    %dma_start3A_384 = tpu.memref_slice %arg4[%add3A_382] : memref<16777216xf32, #tpu.memory_space<hbm>> -> memref<32768xf32, #tpu.memory_space<hbm>>
    tpu.enqueue_dma source(%arg5 : memref<32768xf32, #tpu.memory_space<vmem>>) target(%dma_start3A_384 : memref<32768xf32, #tpu.memory_space<hbm>>) target_semaphore(%arg10 : memref<!tpu.dma_semaphore, #tpu.memory_space<semaphore_mem>>)
    %dma_wait3A_385 = tpu.memref_slice %arg4[%add3A_346] : memref<16777216xf32, #tpu.memory_space<hbm>> -> memref<32768xf32, #tpu.memory_space<hbm>>
    %dma_wait3A_386 = tpu.memref_slice %arg4[%add3A_346] : memref<16777216xf32, #tpu.memory_space<hbm>> -> memref<32768xf32, #tpu.memory_space<hbm>>
    tpu.wait_dma2 semaphore(%arg10 : memref<!tpu.dma_semaphore, #tpu.memory_space<semaphore_mem>>) src(%arg6 : memref<32768xf32, #tpu.memory_space<vmem>>) dst(%dma_wait3A_386 : memref<32768xf32, #tpu.memory_space<hbm>>)
    %dma_wait3A_387 = tpu.memref_slice %arg4[%add3A_364] : memref<16777216xf32, #tpu.memory_space<hbm>> -> memref<32768xf32, #tpu.memory_space<hbm>>
    %dma_wait3A_388 = tpu.memref_slice %arg4[%add3A_364] : memref<16777216xf32, #tpu.memory_space<hbm>> -> memref<32768xf32, #tpu.memory_space<hbm>>
    tpu.wait_dma2 semaphore(%arg10 : memref<!tpu.dma_semaphore, #tpu.memory_space<semaphore_mem>>) src(%arg7 : memref<32768xf32, #tpu.memory_space<vmem>>) dst(%dma_wait3A_388 : memref<32768xf32, #tpu.memory_space<hbm>>)
    %dma_wait3A_389 = tpu.memref_slice %arg4[%add3A_382] : memref<16777216xf32, #tpu.memory_space<hbm>> -> memref<32768xf32, #tpu.memory_space<hbm>>
    %dma_wait3A_390 = tpu.memref_slice %arg4[%add3A_382] : memref<16777216xf32, #tpu.memory_space<hbm>> -> memref<32768xf32, #tpu.memory_space<hbm>>
    tpu.wait_dma2 semaphore(%arg10 : memref<!tpu.dma_semaphore, #tpu.memory_space<semaphore_mem>>) src(%arg5 : memref<32768xf32, #tpu.memory_space<vmem>>) dst(%dma_wait3A_390 : memref<32768xf32, #tpu.memory_space<hbm>>)
    return
  }
}

</mosaic_0001>

<sc_bundles>
// kernel: _sc_cut.3.cloned.1.call-start
scs
__scs_entry_jumppad:
0x0: {  	(pc) =	sbr.rel $0x88, $3  }
0x1: {  	(tag) =	ssettag $0x0;
	lr =	simm.s32 $0x1  }
0x2: {  	[smem:$0x3F9F] =	sst lr;
	_ =	strace $0xD0000000  }
0x3: {  	_ = 	snop  }
0x4: {  	_ = 	snop  }
0x5: {  	_ = 	snop  }
0x6: {  	_ = 	snop  }
0x7: {  	_ = 	snop  }
__scs_overlays_trampoline_lowered:
0x8: {  	[smem:$0x3FAE] =	sst s0  }
0x9: {  	[smem:$0x3FAF] =	sst s1  }
0xa: {  	[smem:$0x3FB0] =	sst s2  }
0xb: {  	[smem:$0x3FB1] =	sst s3  }
0xc: {  	[smem:$0x3FB2] =	sst s4  }
0xd: {  	[smem:$0x3FB3] =	sst s5  }
0xe: {  	[smem:$0x3FB4] =	sst s6  }
0xf: {  	[smem:$0x3FB5] =	sst s7  }
0x10: {  	[smem:$0x3FB6] =	sst s8  }
0x11: {  	[smem:$0x3FB7] =	sst s9;
	s0 =	simm.s32 @!p0 $0x0  }
0x12: {  	s1 =	sld [smem:$0x3F9D];
	s0 =	simm.s32 @p0 $0x1  }
0x13: {  	[smem:$0x3FB8] =	sst s0;
	s0 =	simm.s32 @!p1 $0x0  }
0x14: {  	s2 =	sld [smem:$0x3F9C];
	s0 =	simm.s32 @p1 $0x1  }
0x15: {  	[smem:$0x3FB9] =	sst s0;
	s0 =	simm.s32 @!p2 $0x0  }
0x16: {  	s3 =	sld [smem:$0x3FDB];
	s0 =	simm.s32 @p2 $0x1  }
0x17: {  	s4 =	simm.s32 $0x1BF5;
	[smem:$0x3FBB] =	sst s0  }
0x18: {  	s0 =	sld [smem:$0x3F9E];
	_ =	swait.ge [sflag:s4], $0x0  }
0x19: {  	s7 =	sld [smem:$0x3F9F]  }
0x1a: {  	s8 =	sadd.s32 $0xFFFFE003, lr  }
0x1b: {  	s9 =	sadd.s32 $0xFFFFFEF7, lr;
	s5 =	simm.s32 $0xFFFFFFFF;
	p2 =	slt.u32 s8, $0xFFFFF086  }
0x1c: {  	p1 =	slt.u32 s9, $0xF7A;
	s5 =	simm.s32 @!p2 $0x0  }
0x1d: {  	s5 =	simm.s32 @p1 $0x1;
	p0 =	seq.s32 s7, s2  }
0x1e: {  	s7 =	smul.u32 @!p0 $0xF7A, s2;
	p2 =	seq.s32 @!p0 s5, $0x0  }
0x1f: {  	s9 =	smul.u32 $0xF7A, s1;
	s8 =	simm.s32 @!p0 $0x1BF5;
	p2 =	por !p2, p0  }
0x20: {  	[sflag:s8] =	ssyncset.s32 @!p0 $0xFFFFF086;
	s6 =	sadd.s32 @!p0 s3, s7;
	s7 =	simm.s32 @!p0 $0x108  }
0x21: {  	s3 =	sadd.s32 s3, s9;
	s6 =	sadd.s32 @!p0 $0x88, s6;
	s7 =	simm.s32 @p2 $0x1082  }
0x22: {  	[simem:s7], [sflag:s8] =	dma.local @!p0 [hbm:s6], $0xF7A  }
0x23: {  	s9 =	sor.u32 $0xD0000000, s2;
	s6 =	simm.s32 $0x108;
	_ =	swait.ge @!p0 [sflag:s8], $0x0  }
0x24: {  	s3 =	sadd.s32 $0x88, s3;
	s6 =	simm.s32 @!p1 $0x1082;
	[sflag:s4] =	ssyncset.s32 $0xFFFFF086  }
0x25: {  	[simem:s6], [sflag:s4] =	dma.local [hbm:s3], $0xF7A  }
0x26: {  	[smem:$0x3F9F] =	sst s1;
	(tag) =	ssettag s2;
	_ =	strace s9  }
0x27: {  	s1 =	sld [smem:$0x3FAF]  }
0x28: {  	s2 =	sld [smem:$0x3FB0]  }
0x29: {  	s4 =	sld [smem:$0x3FB2]  }
0x2a: {  	p0 =	seq.s32 s5, $0x0;
	s5 =	sld [smem:$0x3FB3]  }
0x2b: {  	s6 =	sld [smem:$0x3FB4]  }
0x2c: {  	s7 =	sld [smem:$0x3FB5]  }
0x2d: {  	s3 =	simm.s32 $0x108;
	s8 =	sld [smem:$0x3FB6]  }
0x2e: {  	s3 =	simm.s32 @!p0 $0x1082;
	s9 =	sld [smem:$0x3FB7]  }
0x2f: {  	lr =	sadd.s32 s0, s3;
	s0 =	sld [smem:$0x3FAE]  }
0x30: {  	s3 =	sld [smem:$0x3FB1]  }
0x31: {  	[smem:$0x3FBA] =	sst s10  }
0x32: {  	s10 =	sld [smem:$0x3FB8];
	_ =	sdelay $0x3  }
0x33: {  	p0 =	seq.s32 s10, $0x1;
	s10 =	sld [smem:$0x3FBA];
	_ =	sdelay $0x3  }
0x34: {  	[smem:$0x3FBA] =	sst s10  }
0x35: {  	s10 =	sld [smem:$0x3FB9];
	_ =	sdelay $0x3  }
0x36: {  	p1 =	seq.s32 s10, $0x1;
	s10 =	sld [smem:$0x3FBA];
	_ =	sdelay $0x3  }
0x37: {  	[smem:$0x3FBA] =	sst s10  }
0x38: {  	s10 =	sld [smem:$0x3FBB]  }
0x39: {  	_ = 	snop;
	(pc) =	sbr.ind lr, $3  }
0x3a: {  	_ = 	snop  }
0x3b: {  	_ = 	snop  }
0x3c: {  	p2 =	seq.s32 s10, $0x1;
	s10 =	sld [smem:$0x3FBA]  }
0x3d: {  	_ =	shalt  }
0x3e: {  	_ =	shalt  }
0x3f: {  	_ =	shalt  }
0x40: {  	_ =	shalt  }
0x41: {  	_ =	shalt  }
0x42: {  	_ =	shalt  }
0x43: {  	_ =	shalt  }
0x44: {  	_ =	shalt  }
0x45: {  	_ =	shalt  }
0x46: {  	_ =	shalt  }
0x47: {  	_ =	shalt  }
0x48: {  	_ =	shalt  }
0x49: {  	_ =	shalt  }
0x4a: {  	_ =	shalt  }
0x4b: {  	_ =	shalt  }
0x4c: {  	_ =	shalt  }
0x4d: {  	_ =	shalt  }
0x4e: {  	_ =	shalt  }
0x4f: {  	_ =	shalt  }
0x50: {  	_ =	shalt  }
0x51: {  	_ =	shalt  }
0x52: {  	_ =	shalt  }
0x53: {  	_ =	shalt  }
0x54: {  	_ =	shalt  }
0x55: {  	_ =	shalt  }
0x56: {  	_ =	shalt  }
0x57: {  	_ =	shalt  }
0x58: {  	_ =	shalt  }
0x59: {  	_ =	shalt  }
0x5a: {  	_ =	shalt  }
0x5b: {  	_ =	shalt  }
0x5c: {  	_ =	shalt  }
0x5d: {  	_ =	shalt  }
0x5e: {  	_ =	shalt  }
0x5f: {  	_ =	shalt  }
0x60: {  	_ =	shalt  }
0x61: {  	_ =	shalt  }
0x62: {  	_ =	shalt  }
0x63: {  	_ =	shalt  }
0x64: {  	_ =	shalt  }
0x65: {  	_ =	shalt  }
0x66: {  	_ =	shalt  }
0x67: {  	_ =	shalt  }
0x68: {  	_ =	shalt  }
0x69: {  	_ =	shalt  }
0x6a: {  	_ =	shalt  }
0x6b: {  	_ =	shalt  }
0x6c: {  	_ =	shalt  }
0x6d: {  	_ =	shalt  }
0x6e: {  	_ =	shalt  }
0x6f: {  	_ =	shalt  }
0x70: {  	_ =	shalt  }
0x71: {  	_ =	shalt  }
0x72: {  	_ =	shalt  }
0x73: {  	_ =	shalt  }
0x74: {  	_ =	shalt  }
0x75: {  	_ =	shalt  }
0x76: {  	_ =	shalt  }
0x77: {  	_ =	shalt  }
0x78: {  	_ =	shalt  }
0x79: {  	_ =	shalt  }
0x7a: {  	_ =	shalt  }
0x7b: {  	_ =	shalt  }
0x7c: {  	_ =	shalt  }
0x7d: {  	_ =	shalt  }
0x7e: {  	_ =	shalt  }
0x7f: {  	_ =	shalt  }
0x80: {  	_ =	shalt  }
0x81: {  	_ =	shalt  }
0x82: {  	_ =	shalt  }
0x83: {  	_ =	shalt  }
0x84: {  	_ =	shalt  }
0x85: {  	_ =	shalt  }
0x86: {  	_ =	shalt  }
0x87: {  	_ =	shalt  }
.Lfunc_end0:
.L_simem_size_0:
called_computation_lowered:
.L_overlay_start_0:
0x88: {  	s2 =	sld [smem:$0x3FD9]  }
0x89: {  	s3 =	sld [smem:$0x3FFE];
	_ =	sdelay $0x1  }
0x8a: {  	s1 =	srdreg.scid  }
0x8b: {  	s0 =	sand.u32 $0x1, s1  }
0x8c: {  	s18 =	sshll.u32 s0, $0xA;
	s2 =	sadd.s32 s3, s2  }
0x8d: {  	s2 =	sadd.s32 s2, s18  }
0x8e: {  	[smem:$0x3FC6] =	sst s2  }
0x8f: {  	_ = 	snop  }
0x90: {  	s2 =	sld [smem:$0x3FC9]  }
0x91: {  	s19 =	sld [smem:$0x3FC8]  }
0x92: {  	s4 =	sld [smem:$0x3FD0];
	(tm) =	ssettm $0x1  }
0x93: {  	s5 =	sld [smem:$0x3FFB];
	_ =	sdelay $0x3  }
0x94: {  	_ =	strace s5  }
0x95: {  	s5 =	sld [smem:$0x3FFC];
	_ =	sdelay $0x3  }
0x96: {  	_ =	strace s5  }
0x97: {  	s5 =	sld [smem:$0x3FFD];
	_ =	sdelay $0x3  }
0x98: {  	_ =	strace s5  }
0x99: {  	_ =	strace $0x8FFFFFFF  }
0x9a: {  	s20 =	sld [smem:$0x3FDB];
	_ =	sdelay $0x1  }
0x9b: {  	s6 =	simm.s32 $_scs_section_size  }
0x9c: {  	s7 =	simm.s32 $_size__tile_overlayer_lowered;
	s8 =	simm.s32 $_tile_overlayer_lowered  }
0x9d: {  	s23 =	simm.s32 $0x1BFF;
	s22 =	sshll.u32 s8, $0x1;
	s5 =	sadd.s32 s6, s20  }
0x9e: {  	s9 =	simm.s32 $0x0;
	s21 =	sshll.u32 s7, $0x1;
	s7 =	sadd.s32 s22, s5  }
0x9f: {  	[timem:s9], [sflag:s23] =	dma.local [hbm:s7], s21  }
0xa0: {  	_ =	swait.ge [sflag:s23], s21  }
0xa1: {  	s6 =	ssub.s32 $0x0, s21;
	[sflag:s23] =	ssyncset.done $0x0  }
0xa2: {  	[sflag:s23] =	ssyncadd.s32 s6;
	_ =	sdelay $0x1  }
0xa3: {  	s24 =	simm.s32 $0x1B8B  }
0xa4: {  	_ =	swait.ge [sflag:s24], $0x1  }
0xa5: {  	[sflag:s24] =	ssyncset.done $0x0  }
0xa6: {  	s25 =	simm.s32 $0x1B8E;
	[sflag:s24] =	ssyncadd.s32 $0xFFFFFFFF  }
0xa7: {  	s26 =	simm.s32 $execute0_lowered;
	[smem:$0x3FD2] =	sst s25  }
0xa8: {  	s6 =	sshll.u32 s26, $0x1;
	_ =	strace $0x80000046;
	[dreg:$0x1] =	wrdreg $0xFFFFFFFF  }
0xa9: {  	s28 =	simm.s32 $_size_execute0_lowered;
	s5 =	sadd.s32 s5, s6;
	[dreg:$0x0] =	wrdreg $0x0  }
0xaa: {  	s6 =	sshll.u32 s28, $0x1;
	[dreg:$0x2] =	wrdreg s5  }
0xab: {  	[dreg:$0x3] =	wrdreg s6  }
0xac: {  	[dreg:$0x4] =	wrdreg $0xC0  }
0xad: {  	_ =	task [dreg:s9], $0x5FFFF  }
0xae: {  	[dreg:$0x1] =	wrdreg $0xFFFFFFFF  }
0xaf: {  	[dreg:$0x0] =	wrdreg $0x60  }
0xb0: {  	[dreg:$0x2] =	wrdreg s2  }
0xb1: {  	[dreg:$0x3] =	wrdreg s19  }
0xb2: {  	[dreg:$0x4] =	wrdreg s4  }
0xb3: {  	[dreg:$0x5] =	wrdreg $0x9  }
0xb4: {  	_ =	task.clear_ibuf [dreg:s9], $0x6FFFF;
	_ =	strace $0x90000046  }
0xb5: {  	s29 =	simm.s32 $0x9;
	_ =	strace $0x80000048  }
0xb6: {  	_ =	swait.ge [sflag:s29], $0x1  }
0xb7: {  	[sflag:s29] =	ssyncadd.s32 $0xFFFFFFFF  }
0xb8: {  	_ =	strace $0x90000048  }
0xb9: {  	_ =	sfence  }
0xba: {  	s30 =	sld [smem:$0x0];
	_ =	sdelay $0x2  }
0xbb: {  	s31 =	sshll.u32 s1, $0xD;
	s1 =	sshrl.u32 s1, $0x2  }
0xbc: {  	s3 =	sand.u32 $0x4000, s31;
	s1 =	sadd.s32 s1, s30  }
0xbd: {  	s0 =	sor.u32 s3, s0;
	s1 =	sshll.u32 s1, $0x11  }
0xbe: {  	s0 =	sor.u32 s1, s0  }
0xbf: {  	s0 =	sadd.s32 $0x8F2B, s0  }
0xc0: {  	[sflag:s0] =	ssyncadd.remote.s32 $0x1  }
0xc1: {  	_ =	sfence.sel $0xFFFF  }
0xc2: {  	[dreg:$0x0] =	wrdreg $0xFFFFFFFF;
	(pc) =	sbr.abs _section_cstart, $3  }
0xc3: {  	[dreg:$0x1] =	wrdreg $0xFFFFFFFF  }
0xc4: {  	_ =	task.clear_ibuf [dreg:s9], $0x2FFFF;
	_ =	strace $0x9FFFFFFF  }
0xc5: {  	(tm) =	ssettm $0x7FFFFFFF  }
tec
execute0_lowered:
.L_overlay_start_1:
0x0: {  	(tag) =	ssettag $0x1  }
0x1: {  	s1 =	srdreg.scid;
	s5 =	stileid.u32  }
0x2: {  	s0 =	rddreg [dreg:$0x0];
	s3 =	sand.u32 $0x1, s1;
	s5 =	sshll.u32 s5, $0x1  }
0x3: {  	s2 =	rddreg [dreg:$0x1];
	s6 =	ssub.s32 $0x2, s3;
	s3 =	sor.u32 s3, s5  }
0x4: {  	s4 =	rddreg [dreg:$0x2];
	s1 =	simm.s32 $0x0;
	s7 =	sshll.u32 s3, $0x9  }
0x5: {  	[smem:$0x7FF] =	sst s1;
	s12 =	sshrl.u32 s6, $0x1;
	s2 =	sadd.s32 s2, s7  }
0x6: {  	s5 =	ssub.s32 s6, s12;
	[dreg:$0x4] =	wrdreg s2;
	s2 =	sshll.u32 s3, $0x10  }
0x7: {  	s5 =	smax.u32 s5, $0x1;
	s3 =	sor.u32 $0x1000, s2;
	s13 =	sor.u32 $0x2000, s2  }
0x8: {  	s14 =	sor.u32 $0x3000, s2;
	s17 =	sor.u32 $0x4000, s2;
	s18 =	sor.u32 $0x5000, s2  }
0x9: {  	s21 =	sor.u32 $0x6000, s2;
	s22 =	sor.u32 $0x7000, s2;
	s25 =	sor.u32 $0x8000, s2  }
0xa: {  	s26 =	sor.u32 $0x9000, s2;
	s7 =	sor.u32 $0xA000, s2;
	s10 =	sor.u32 $0xC000, s2  }
0xb: {  	s28 =	sadd.s32 s0, s2;
	s29 =	sadd.s32 s4, s2;
	s8 =	sadd.s32 s0, s3  }
0xc: {  	s11 =	sor.u32 $0xD000, s2;
	s15 =	sadd.s32 s0, s13;
	[dreg:$0x5] =	wrdreg s8  }
0xd: {  	s12 =	sor.u32 $0xE000, s2;
	s16 =	sadd.s32 s0, s14;
	[dreg:$0x6] =	wrdreg s15  }
0xe: {  	s3 =	sadd.s32 s4, s3;
	s9 =	sadd.s32 s0, s17;
	[dreg:$0x7] =	wrdreg s16  }
0xf: {  	s6 =	sadd.s32 s4, s13;
	s19 =	sadd.s32 s0, s18;
	[dreg:$0x8] =	wrdreg s3  }
0x10: {  	s20 =	sadd.s32 s4, s14;
	s23 =	sadd.s32 s0, s21;
	[dreg:$0x9] =	wrdreg s9  }
0x11: {  	s24 =	sadd.s32 s0, s22;
	s14 =	sadd.s32 s4, s18;
	[dreg:$0xa] =	wrdreg s6  }
0x12: {  	s18 =	sadd.s32 s4, s22;
	s22 =	sadd.s32 s4, s7;
	[dreg:$0xb] =	wrdreg s19  }
0x13: {  	s13 =	sor.u32 $0xF000, s2;
	s31 =	sadd.s32 s0, s11;
	[dreg:$0xc] =	wrdreg s20  }
0x14: {  	s30 =	sadd.s32 s0, s12;
	[dreg:$0xd] =	wrdreg s23;
	s3 =	sadd.s32 s4, s17  }
0x15: {  	[dreg:$0xf] =	wrdreg s24;
	s15 =	sadd.s32 s0, s25;
	s16 =	sadd.s32 s4, s21  }
0x16: {  	s17 =	sadd.s32 s0, s26;
	s19 =	sadd.s32 s4, s25;
	s20 =	sadd.s32 s4, s26  }
0x17: {  	s21 =	sadd.s32 s0, s7;
	s9 =	sor.u32 $0xB000, s2;
	s25 =	sadd.s32 s0, s10  }
0x18: {  	s26 =	sadd.s32 s4, s10;
	s2 =	sadd.s32 s4, s11;
	s6 =	simm.s32 $0x8000  }
0x19: {  	s7 =	simm.s32 $0x10000;
	s8 =	simm.s32 $0x1;
	s10 =	simm.s32 $0x2  }
0x1a: {  	s11 =	simm.s32 $0x0;
	[dreg:$0xe] =	wrdreg s3;
	s23 =	sadd.s32 s0, s9  }
0x1b: {  	s24 =	sadd.s32 s4, s9;
	s0 =	sadd.s32 s0, s13;
	s3 =	sadd.s32 s4, s12  }
0x1c: {  	v0 =	vimm.f32 $0.0e+00;
	s4 =	sadd.s32 s4, s13;
	s9 =	simm.s32 $0x3;
	_ =	strace $0x80000047  }
.LBB2_1:
0x1d: {  	s12 =	rddreg [dreg:$0x4];
	s13 =	simm.s32 $0x18000  }
0x1e: {  	[tilespmem:s13], [sflag:$0x3] =	stream.linear.gather [hbm4b:s12+s1], $0x1000, $0x38;
	[tilespmem:$0x19000] =	vst v63  }
0x1f: {  	_ = 	snop  }
0x20: {  	[tilespmem:s1], [sflag:$0x1] =	stream.linear.gather [hbm4b:s28+s1], $0x8000, $0x38;
	[tilespmem:$0x19000] =	vst v63  }
0x21: {  	s13 =	rddreg [dreg:$0x5]  }
0x22: {  	[tilespmem:s6], [sflag:$0x1] =	stream.linear.gather [hbm4b:s13+s1], $0x8000, $0x38;
	[tilespmem:$0x19000] =	vst v63  }
0x23: {  	s13 =	rddreg [dreg:$0x6]  }
0x24: {  	[tilespmem:s7], [sflag:$0x1] =	stream.linear.gather [hbm4b:s13+s1], $0x8000, $0x38;
	[tilespmem:$0x19000] =	vst v63  }
0x25: {  	_ =	swait.ge [sflag:s8], $0x8000  }
0x26: {  	[sflag:s8] =	ssyncset.done $0x0  }
0x27: {  	[sflag:s8] =	ssyncadd.s32 $0xFFFF8000  }
0x28: {  	_ =	swait.ge [sflag:s9], $0x1000  }
0x29: {  	[sflag:s9] =	ssyncset.done $0x0  }
0x2a: {  	s12 =	simm.s32 $0xFFFFFFF8;
	s13 =	simm.s32 $0x18040;
	[sflag:s9] =	ssyncadd.s32 $0xFFFFF000  }
.LBB2_2:
0x2b: {  	v1 =	vld [tilespmem:s13+$0xFFFFFFC0];
	_ =	sdelay $0x4  }
0x2c: {  	vm0 =	vlt.u32 v1, $0x8000;
	_ =	sdelay $0x5  }
0x2d: {  	[tilespmem:v1+s1+$0x0] =	vst.idx.msk vm0, v0  }
0x2e: {  	v1 =	vld [tilespmem:s13+$0xFFFFFFD0];
	_ =	sdelay $0x4  }
0x2f: {  	vm9 =	vlt.u32 v1, $0x8000;
	_ =	sdelay $0x5  }
0x30: {  	[tilespmem:v1+s1+$0x0] =	vst.idx.msk vm9, v0  }
0x31: {  	v1 =	vld [tilespmem:s13+$0xFFFFFFE0];
	_ =	sdelay $0x4  }
0x32: {  	vm10 =	vlt.u32 v1, $0x8000;
	_ =	sdelay $0x5  }
0x33: {  	[tilespmem:v1+s1+$0x0] =	vst.idx.msk vm10, v0  }
0x34: {  	v1 =	vld [tilespmem:s13+$0xFFFFFFF0];
	_ =	sdelay $0x4  }
0x35: {  	vm11 =	vlt.u32 v1, $0x8000;
	_ =	sdelay $0x5  }
0x36: {  	[tilespmem:v1+s1+$0x0] =	vst.idx.msk vm11, v0  }
0x37: {  	v1 =	vld [tilespmem:s13+$0x0];
	_ =	sdelay $0x4  }
0x38: {  	vm12 =	vlt.u32 v1, $0x8000;
	_ =	sdelay $0x5  }
0x39: {  	[tilespmem:v1+s1+$0x0] =	vst.idx.msk vm12, v0  }
0x3a: {  	v1 =	vld [tilespmem:s13+$0x10];
	_ =	sdelay $0x4  }
0x3b: {  	vm13 =	vlt.u32 v1, $0x8000;
	_ =	sdelay $0x5  }
0x3c: {  	[tilespmem:v1+s1+$0x0] =	vst.idx.msk vm13, v0  }
0x3d: {  	v1 =	vld [tilespmem:s13+$0x20];
	_ =	sdelay $0x4  }
0x3e: {  	vm14 =	vlt.u32 v1, $0x8000;
	_ =	sdelay $0x5  }
0x3f: {  	[tilespmem:v1+s1+$0x0] =	vst.idx.msk vm14, v0  }
0x40: {  	v1 =	vld [tilespmem:s13+$0x30];
	_ =	sdelay $0x4  }
0x41: {  	s12 =	sadd.s32 $0x8, s12;
	vm15 =	vlt.u32 v1, $0x8000  }
0x42: {  	p0 =	slt.u32 s12, $0x78  }
.Ltmp0:
0x43: {  	_ = 	snop;
	(pc) =	sbr.rel @p0 .LBB2_2-.Ltmp0, $2  }
0x44: {  	_ =	sdelay $0x2  }
0x45: {  	s13 =	sadd.s32 $0x80, s13;
	[tilespmem:v1+s1+$0x0] =	vst.idx.msk vm15, v0  }
0x46: {  	[hbm4b:s29+s1] =	stream.linear.scatter [tilespmem:s1], [sflag:$0x2], $0x8000, $0x38;
	[tilespmem:$0x19000] =	vst v63  }
0x47: {  	_ =	swait.ge [sflag:s10], $0x8000  }
0x48: {  	[sflag:s10] =	ssyncset.done $0x0  }
0x49: {  	s12 =	rddreg [dreg:$0x7];
	[sflag:s10] =	ssyncadd.s32 $0xFFFF8000  }
0x4a: {  	[tilespmem:s1], [sflag:$0x1] =	stream.linear.gather [hbm4b:s12+s1], $0x8000, $0x38;
	[tilespmem:$0x19000] =	vst v63  }
0x4b: {  	_ =	swait.ge [sflag:s8], $0x8000  }
0x4c: {  	[sflag:s8] =	ssyncset.done $0x0  }
0x4d: {  	s13 =	simm.s32 $0x18040;
	s12 =	simm.s32 $0xFFFFFFF8;
	[sflag:s8] =	ssyncadd.s32 $0xFFFF8000  }
.LBB2_4:
0x4e: {  	v1 =	vld [tilespmem:s13+$0xFFFFFFC0];
	_ =	sdelay $0x4  }
0x4f: {  	v1 =	vadd.s32 $0xFFFF8000, v1  }
0x50: {  	vm0 =	vlt.u32 v1, $0x8000;
	_ =	sdelay $0x5  }
0x51: {  	[tilespmem:v1+s6+$0x0] =	vst.idx.msk vm0, v0  }
0x52: {  	v1 =	vld [tilespmem:s13+$0xFFFFFFD0];
	_ =	sdelay $0x4  }
0x53: {  	v1 =	vadd.s32 $0xFFFF8000, v1  }
0x54: {  	vm9 =	vlt.u32 v1, $0x8000;
	_ =	sdelay $0x5  }
0x55: {  	[tilespmem:v1+s6+$0x0] =	vst.idx.msk vm9, v0  }
0x56: {  	v1 =	vld [tilespmem:s13+$0xFFFFFFE0];
	_ =	sdelay $0x4  }
0x57: {  	v1 =	vadd.s32 $0xFFFF8000, v1  }
0x58: {  	vm10 =	vlt.u32 v1, $0x8000;
	_ =	sdelay $0x5  }
0x59: {  	[tilespmem:v1+s6+$0x0] =	vst.idx.msk vm10, v0  }
0x5a: {  	v1 =	vld [tilespmem:s13+$0xFFFFFFF0];
	_ =	sdelay $0x4  }
0x5b: {  	v1 =	vadd.s32 $0xFFFF8000, v1  }
0x5c: {  	vm11 =	vlt.u32 v1, $0x8000;
	_ =	sdelay $0x5  }
0x5d: {  	[tilespmem:v1+s6+$0x0] =	vst.idx.msk vm11, v0  }
0x5e: {  	v1 =	vld [tilespmem:s13+$0x0];
	_ =	sdelay $0x4  }
0x5f: {  	v1 =	vadd.s32 $0xFFFF8000, v1  }
0x60: {  	vm12 =	vlt.u32 v1, $0x8000;
	_ =	sdelay $0x5  }
0x61: {  	[tilespmem:v1+s6+$0x0] =	vst.idx.msk vm12, v0  }
0x62: {  	v1 =	vld [tilespmem:s13+$0x10];
	_ =	sdelay $0x4  }
0x63: {  	v1 =	vadd.s32 $0xFFFF8000, v1  }
0x64: {  	vm13 =	vlt.u32 v1, $0x8000;
	_ =	sdelay $0x5  }
0x65: {  	[tilespmem:v1+s6+$0x0] =	vst.idx.msk vm13, v0  }
0x66: {  	v1 =	vld [tilespmem:s13+$0x20];
	_ =	sdelay $0x4  }
0x67: {  	v1 =	vadd.s32 $0xFFFF8000, v1  }
0x68: {  	vm14 =	vlt.u32 v1, $0x8000;
	_ =	sdelay $0x5  }
0x69: {  	[tilespmem:v1+s6+$0x0] =	vst.idx.msk vm14, v0  }
0x6a: {  	v1 =	vld [tilespmem:s13+$0x30];
	_ =	sdelay $0x4  }
0x6b: {  	v1 =	vadd.s32 $0xFFFF8000, v1  }
0x6c: {  	s12 =	sadd.s32 $0x8, s12;
	vm15 =	vlt.u32 v1, $0x8000  }
0x6d: {  	p0 =	slt.u32 s12, $0x78  }
.Ltmp1:
0x6e: {  	_ = 	snop;
	(pc) =	sbr.rel @p0 .LBB2_4-.Ltmp1, $2  }
0x6f: {  	_ =	sdelay $0x2  }
0x70: {  	s13 =	sadd.s32 $0x80, s13;
	[tilespmem:v1+s6+$0x0] =	vst.idx.msk vm15, v0  }
0x71: {  	s12 =	rddreg [dreg:$0x8]  }
0x72: {  	[hbm4b:s12+s1] =	stream.linear.scatter [tilespmem:s6], [sflag:$0x2], $0x8000, $0x38;
	[tilespmem:$0x19000] =	vst v63  }
0x73: {  	_ =	swait.ge [sflag:s10], $0x8000  }
0x74: {  	[sflag:s10] =	ssyncset.done $0x0  }
0x75: {  	s13 =	rddreg [dreg:$0x9];
	[sflag:s10] =	ssyncadd.s32 $0xFFFF8000  }
0x76: {  	[tilespmem:s6], [sflag:$0x1] =	stream.linear.gather [hbm4b:s13+s1], $0x8000, $0x38;
	[tilespmem:$0x19000] =	vst v63  }
0x77: {  	_ =	swait.ge [sflag:s8], $0x8000  }
0x78: {  	[sflag:s8] =	ssyncset.done $0x0  }
0x79: {  	s12 =	simm.s32 $0xFFFFFFF8;
	s13 =	simm.s32 $0x18040;
	[sflag:s8] =	ssyncadd.s32 $0xFFFF8000  }
.LBB2_6:
0x7a: {  	v1 =	vld [tilespmem:s13+$0xFFFFFFC0];
	_ =	sdelay $0x4  }
0x7b: {  	v1 =	vadd.s32 $0xFFFF0000, v1  }
0x7c: {  	vm0 =	vlt.u32 v1, $0x8000;
	_ =	sdelay $0x5  }
0x7d: {  	[tilespmem:v1+s7+$0x0] =	vst.idx.msk vm0, v0  }
0x7e: {  	v1 =	vld [tilespmem:s13+$0xFFFFFFD0];
	_ =	sdelay $0x4  }
0x7f: {  	v1 =	vadd.s32 $0xFFFF0000, v1  }
0x80: {  	vm9 =	vlt.u32 v1, $0x8000;
	_ =	sdelay $0x5  }
0x81: {  	[tilespmem:v1+s7+$0x0] =	vst.idx.msk vm9, v0  }
0x82: {  	v1 =	vld [tilespmem:s13+$0xFFFFFFE0];
	_ =	sdelay $0x4  }
0x83: {  	v1 =	vadd.s32 $0xFFFF0000, v1  }
0x84: {  	vm10 =	vlt.u32 v1, $0x8000;
	_ =	sdelay $0x5  }
0x85: {  	[tilespmem:v1+s7+$0x0] =	vst.idx.msk vm10, v0  }
0x86: {  	v1 =	vld [tilespmem:s13+$0xFFFFFFF0];
	_ =	sdelay $0x4  }
0x87: {  	v1 =	vadd.s32 $0xFFFF0000, v1  }
0x88: {  	vm11 =	vlt.u32 v1, $0x8000;
	_ =	sdelay $0x5  }
0x89: {  	[tilespmem:v1+s7+$0x0] =	vst.idx.msk vm11, v0  }
0x8a: {  	v1 =	vld [tilespmem:s13+$0x0];
	_ =	sdelay $0x4  }
0x8b: {  	v1 =	vadd.s32 $0xFFFF0000, v1  }
0x8c: {  	vm12 =	vlt.u32 v1, $0x8000;
	_ =	sdelay $0x5  }
0x8d: {  	[tilespmem:v1+s7+$0x0] =	vst.idx.msk vm12, v0  }
0x8e: {  	v1 =	vld [tilespmem:s13+$0x10];
	_ =	sdelay $0x4  }
0x8f: {  	v1 =	vadd.s32 $0xFFFF0000, v1  }
0x90: {  	vm13 =	vlt.u32 v1, $0x8000;
	_ =	sdelay $0x5  }
0x91: {  	[tilespmem:v1+s7+$0x0] =	vst.idx.msk vm13, v0  }
0x92: {  	v1 =	vld [tilespmem:s13+$0x20];
	_ =	sdelay $0x4  }
0x93: {  	v1 =	vadd.s32 $0xFFFF0000, v1  }
0x94: {  	vm14 =	vlt.u32 v1, $0x8000;
	_ =	sdelay $0x5  }
0x95: {  	[tilespmem:v1+s7+$0x0] =	vst.idx.msk vm14, v0  }
0x96: {  	v1 =	vld [tilespmem:s13+$0x30];
	_ =	sdelay $0x4  }
0x97: {  	v1 =	vadd.s32 $0xFFFF0000, v1  }
0x98: {  	s12 =	sadd.s32 $0x8, s12;
	vm15 =	vlt.u32 v1, $0x8000  }
0x99: {  	p0 =	slt.u32 s12, $0x78  }
.Ltmp2:
0x9a: {  	_ = 	snop;
	(pc) =	sbr.rel @p0 .LBB2_6-.Ltmp2, $2  }
0x9b: {  	_ =	sdelay $0x2  }
0x9c: {  	s13 =	sadd.s32 $0x80, s13;
	[tilespmem:v1+s7+$0x0] =	vst.idx.msk vm15, v0  }
0x9d: {  	s12 =	rddreg [dreg:$0xa]  }
0x9e: {  	[hbm4b:s12+s1] =	stream.linear.scatter [tilespmem:s7], [sflag:$0x2], $0x8000, $0x38;
	[tilespmem:$0x19000] =	vst v63  }
0x9f: {  	_ =	swait.ge [sflag:s10], $0x8000  }
0xa0: {  	[sflag:s10] =	ssyncset.done $0x0  }
0xa1: {  	s13 =	rddreg [dreg:$0xb];
	[sflag:s10] =	ssyncadd.s32 $0xFFFF8000  }
0xa2: {  	[tilespmem:s7], [sflag:$0x1] =	stream.linear.gather [hbm4b:s13+s1], $0x8000, $0x38;
	[tilespmem:$0x19000] =	vst v63  }
0xa3: {  	_ =	swait.ge [sflag:s8], $0x8000  }
0xa4: {  	[sflag:s8] =	ssyncset.done $0x0  }
0xa5: {  	s12 =	simm.s32 $0xFFFFFFF8;
	s13 =	simm.s32 $0x18040;
	[sflag:s8] =	ssyncadd.s32 $0xFFFF8000  }
.LBB2_8:
0xa6: {  	v1 =	vld [tilespmem:s13+$0xFFFFFFC0];
	_ =	sdelay $0x4  }
0xa7: {  	v1 =	vadd.s32 $0xFFFE8000, v1  }
0xa8: {  	vm0 =	vlt.u32 v1, $0x8000;
	_ =	sdelay $0x5  }
0xa9: {  	[tilespmem:v1+s1+$0x0] =	vst.idx.msk vm0, v0  }
0xaa: {  	v1 =	vld [tilespmem:s13+$0xFFFFFFD0];
	_ =	sdelay $0x4  }
0xab: {  	v1 =	vadd.s32 $0xFFFE8000, v1  }
0xac: {  	vm9 =	vlt.u32 v1, $0x8000;
	_ =	sdelay $0x5  }
0xad: {  	[tilespmem:v1+s1+$0x0] =	vst.idx.msk vm9, v0  }
0xae: {  	v1 =	vld [tilespmem:s13+$0xFFFFFFE0];
	_ =	sdelay $0x4  }
0xaf: {  	v1 =	vadd.s32 $0xFFFE8000, v1  }
0xb0: {  	vm10 =	vlt.u32 v1, $0x8000;
	_ =	sdelay $0x5  }
0xb1: {  	[tilespmem:v1+s1+$0x0] =	vst.idx.msk vm10, v0  }
0xb2: {  	v1 =	vld [tilespmem:s13+$0xFFFFFFF0];
	_ =	sdelay $0x4  }
0xb3: {  	v1 =	vadd.s32 $0xFFFE8000, v1  }
0xb4: {  	vm11 =	vlt.u32 v1, $0x8000;
	_ =	sdelay $0x5  }
0xb5: {  	[tilespmem:v1+s1+$0x0] =	vst.idx.msk vm11, v0  }
0xb6: {  	v1 =	vld [tilespmem:s13+$0x0];
	_ =	sdelay $0x4  }
0xb7: {  	v1 =	vadd.s32 $0xFFFE8000, v1  }
0xb8: {  	vm12 =	vlt.u32 v1, $0x8000;
	_ =	sdelay $0x5  }
0xb9: {  	[tilespmem:v1+s1+$0x0] =	vst.idx.msk vm12, v0  }
0xba: {  	v1 =	vld [tilespmem:s13+$0x10];
	_ =	sdelay $0x4  }
0xbb: {  	v1 =	vadd.s32 $0xFFFE8000, v1  }
0xbc: {  	vm13 =	vlt.u32 v1, $0x8000;
	_ =	sdelay $0x5  }
0xbd: {  	[tilespmem:v1+s1+$0x0] =	vst.idx.msk vm13, v0  }
0xbe: {  	v1 =	vld [tilespmem:s13+$0x20];
	_ =	sdelay $0x4  }
0xbf: {  	v1 =	vadd.s32 $0xFFFE8000, v1  }
0xc0: {  	vm14 =	vlt.u32 v1, $0x8000;
	_ =	sdelay $0x5  }
0xc1: {  	[tilespmem:v1+s1+$0x0] =	vst.idx.msk vm14, v0  }
0xc2: {  	v1 =	vld [tilespmem:s13+$0x30];
	_ =	sdelay $0x4  }
0xc3: {  	v1 =	vadd.s32 $0xFFFE8000, v1  }
0xc4: {  	s12 =	sadd.s32 $0x8, s12;
	vm15 =	vlt.u32 v1, $0x8000  }
0xc5: {  	p0 =	slt.u32 s12, $0x78  }
.Ltmp3:
0xc6: {  	_ = 	snop;
	(pc) =	sbr.rel @p0 .LBB2_8-.Ltmp3, $2  }
0xc7: {  	_ =	sdelay $0x2  }
0xc8: {  	s13 =	sadd.s32 $0x80, s13;
	[tilespmem:v1+s1+$0x0] =	vst.idx.msk vm15, v0  }
0xc9: {  	s12 =	rddreg [dreg:$0xc]  }
0xca: {  	[hbm4b:s12+s1] =	stream.linear.scatter [tilespmem:s1], [sflag:$0x2], $0x8000, $0x38;
	[tilespmem:$0x19000] =	vst v63  }
0xcb: {  	_ =	swait.ge [sflag:s10], $0x8000  }
0xcc: {  	[sflag:s10] =	ssyncset.done $0x0  }
0xcd: {  	s13 =	rddreg [dreg:$0xd];
	[sflag:s10] =	ssyncadd.s32 $0xFFFF8000  }
0xce: {  	[tilespmem:s1], [sflag:$0x1] =	stream.linear.gather [hbm4b:s13+s1], $0x8000, $0x38;
	[tilespmem:$0x19000] =	vst v63  }
0xcf: {  	_ =	swait.ge [sflag:s8], $0x8000  }
0xd0: {  	[sflag:s8] =	ssyncset.done $0x0  }
0xd1: {  	s12 =	simm.s32 $0xFFFFFFF8;
	s13 =	simm.s32 $0x18040;
	[sflag:s8] =	ssyncadd.s32 $0xFFFF8000  }
.LBB2_10:
0xd2: {  	v1 =	vld [tilespmem:s13+$0xFFFFFFC0];
	_ =	sdelay $0x4  }
0xd3: {  	v1 =	vadd.s32 $0xFFFE0000, v1  }
0xd4: {  	vm0 =	vlt.u32 v1, $0x8000;
	_ =	sdelay $0x5  }
0xd5: {  	[tilespmem:v1+s6+$0x0] =	vst.idx.msk vm0, v0  }
0xd6: {  	v1 =	vld [tilespmem:s13+$0xFFFFFFD0];
	_ =	sdelay $0x4  }
0xd7: {  	v1 =	vadd.s32 $0xFFFE0000, v1  }
0xd8: {  	vm9 =	vlt.u32 v1, $0x8000;
	_ =	sdelay $0x5  }
0xd9: {  	[tilespmem:v1+s6+$0x0] =	vst.idx.msk vm9, v0  }
0xda: {  	v1 =	vld [tilespmem:s13+$0xFFFFFFE0];
	_ =	sdelay $0x4  }
0xdb: {  	v1 =	vadd.s32 $0xFFFE0000, v1  }
0xdc: {  	vm10 =	vlt.u32 v1, $0x8000;
	_ =	sdelay $0x5  }
0xdd: {  	[tilespmem:v1+s6+$0x0] =	vst.idx.msk vm10, v0  }
0xde: {  	v1 =	vld [tilespmem:s13+$0xFFFFFFF0];
	_ =	sdelay $0x4  }
0xdf: {  	v1 =	vadd.s32 $0xFFFE0000, v1  }
0xe0: {  	vm11 =	vlt.u32 v1, $0x8000;
	_ =	sdelay $0x5  }
0xe1: {  	[tilespmem:v1+s6+$0x0] =	vst.idx.msk vm11, v0  }
0xe2: {  	v1 =	vld [tilespmem:s13+$0x0];
	_ =	sdelay $0x4  }
0xe3: {  	v1 =	vadd.s32 $0xFFFE0000, v1  }
0xe4: {  	vm12 =	vlt.u32 v1, $0x8000;
	_ =	sdelay $0x5  }
0xe5: {  	[tilespmem:v1+s6+$0x0] =	vst.idx.msk vm12, v0  }
0xe6: {  	v1 =	vld [tilespmem:s13+$0x10];
	_ =	sdelay $0x4  }
0xe7: {  	v1 =	vadd.s32 $0xFFFE0000, v1  }
0xe8: {  	vm13 =	vlt.u32 v1, $0x8000;
	_ =	sdelay $0x5  }
0xe9: {  	[tilespmem:v1+s6+$0x0] =	vst.idx.msk vm13, v0  }
0xea: {  	v1 =	vld [tilespmem:s13+$0x20];
	_ =	sdelay $0x4  }
0xeb: {  	v1 =	vadd.s32 $0xFFFE0000, v1  }
0xec: {  	vm14 =	vlt.u32 v1, $0x8000;
	_ =	sdelay $0x5  }
0xed: {  	[tilespmem:v1+s6+$0x0] =	vst.idx.msk vm14, v0  }
0xee: {  	v1 =	vld [tilespmem:s13+$0x30];
	_ =	sdelay $0x4  }
0xef: {  	v1 =	vadd.s32 $0xFFFE0000, v1  }
0xf0: {  	s12 =	sadd.s32 $0x8, s12;
	vm15 =	vlt.u32 v1, $0x8000  }
0xf1: {  	p0 =	slt.u32 s12, $0x78  }
.Ltmp4:
0xf2: {  	_ = 	snop;
	(pc) =	sbr.rel @p0 .LBB2_10-.Ltmp4, $2  }
0xf3: {  	_ =	sdelay $0x2  }
0xf4: {  	s13 =	sadd.s32 $0x80, s13;
	[tilespmem:v1+s6+$0x0] =	vst.idx.msk vm15, v0  }
0xf5: {  	s12 =	rddreg [dreg:$0xe]  }
0xf6: {  	[hbm4b:s12+s1] =	stream.linear.scatter [tilespmem:s6], [sflag:$0x2], $0x8000, $0x38;
	[tilespmem:$0x19000] =	vst v63  }
0xf7: {  	_ =	swait.ge [sflag:s10], $0x8000  }
0xf8: {  	[sflag:s10] =	ssyncset.done $0x0  }
0xf9: {  	s13 =	rddreg [dreg:$0xf];
	[sflag:s10] =	ssyncadd.s32 $0xFFFF8000  }
0xfa: {  	[tilespmem:s6], [sflag:$0x1] =	stream.linear.gather [hbm4b:s13+s1], $0x8000, $0x38;
	[tilespmem:$0x19000] =	vst v63  }
0xfb: {  	_ =	swait.ge [sflag:s8], $0x8000  }
0xfc: {  	[sflag:s8] =	ssyncset.done $0x0  }
0xfd: {  	s12 =	simm.s32 $0xFFFFFFF8;
	s13 =	simm.s32 $0x18040;
	[sflag:s8] =	ssyncadd.s32 $0xFFFF8000  }
.LBB2_12:
0xfe: {  	v1 =	vld [tilespmem:s13+$0xFFFFFFC0];
	_ =	sdelay $0x4  }
0xff: {  	v1 =	vadd.s32 $0xFFFD8000, v1  }
0x100: {  	vm0 =	vlt.u32 v1, $0x8000;
	_ =	sdelay $0x5  }
0x101: {  	[tilespmem:v1+s7+$0x0] =	vst.idx.msk vm0, v0  }
0x102: {  	v1 =	vld [tilespmem:s13+$0xFFFFFFD0];
	_ =	sdelay $0x4  }
0x103: {  	v1 =	vadd.s32 $0xFFFD8000, v1  }
0x104: {  	vm9 =	vlt.u32 v1, $0x8000;
	_ =	sdelay $0x5  }
0x105: {  	[tilespmem:v1+s7+$0x0] =	vst.idx.msk vm9, v0  }
0x106: {  	v1 =	vld [tilespmem:s13+$0xFFFFFFE0];
	_ =	sdelay $0x4  }
0x107: {  	v1 =	vadd.s32 $0xFFFD8000, v1  }
0x108: {  	vm10 =	vlt.u32 v1, $0x8000;
	_ =	sdelay $0x5  }
0x109: {  	[tilespmem:v1+s7+$0x0] =	vst.idx.msk vm10, v0  }
0x10a: {  	v1 =	vld [tilespmem:s13+$0xFFFFFFF0];
	_ =	sdelay $0x4  }
0x10b: {  	v1 =	vadd.s32 $0xFFFD8000, v1  }
0x10c: {  	vm11 =	vlt.u32 v1, $0x8000;
	_ =	sdelay $0x5  }
0x10d: {  	[tilespmem:v1+s7+$0x0] =	vst.idx.msk vm11, v0  }
0x10e: {  	v1 =	vld [tilespmem:s13+$0x0];
	_ =	sdelay $0x4  }
0x10f: {  	v1 =	vadd.s32 $0xFFFD8000, v1  }
0x110: {  	vm12 =	vlt.u32 v1, $0x8000;
	_ =	sdelay $0x5  }
0x111: {  	[tilespmem:v1+s7+$0x0] =	vst.idx.msk vm12, v0  }
0x112: {  	v1 =	vld [tilespmem:s13+$0x10];
	_ =	sdelay $0x4  }
0x113: {  	v1 =	vadd.s32 $0xFFFD8000, v1  }
0x114: {  	vm13 =	vlt.u32 v1, $0x8000;
	_ =	sdelay $0x5  }
0x115: {  	[tilespmem:v1+s7+$0x0] =	vst.idx.msk vm13, v0  }
0x116: {  	v1 =	vld [tilespmem:s13+$0x20];
	_ =	sdelay $0x4  }
0x117: {  	v1 =	vadd.s32 $0xFFFD8000, v1  }
0x118: {  	vm14 =	vlt.u32 v1, $0x8000;
	_ =	sdelay $0x5  }
0x119: {  	[tilespmem:v1+s7+$0x0] =	vst.idx.msk vm14, v0  }
0x11a: {  	v1 =	vld [tilespmem:s13+$0x30];
	_ =	sdelay $0x4  }
0x11b: {  	v1 =	vadd.s32 $0xFFFD8000, v1  }
0x11c: {  	s12 =	sadd.s32 $0x8, s12;
	vm15 =	vlt.u32 v1, $0x8000  }
0x11d: {  	p0 =	slt.u32 s12, $0x78  }
.Ltmp5:
0x11e: {  	_ = 	snop;
	(pc) =	sbr.rel @p0 .LBB2_12-.Ltmp5, $2  }
0x11f: {  	_ =	sdelay $0x2  }
0x120: {  	s13 =	sadd.s32 $0x80, s13;
	[tilespmem:v1+s7+$0x0] =	vst.idx.msk vm15, v0  }
0x121: {  	[hbm4b:s14+s1] =	stream.linear.scatter [tilespmem:s7], [sflag:$0x2], $0x8000, $0x38;
	[tilespmem:$0x19000] =	vst v63  }
0x122: {  	_ =	swait.ge [sflag:s10], $0x8000  }
0x123: {  	[sflag:s10] =	ssyncset.done $0x0  }
0x124: {  	[sflag:s10] =	ssyncadd.s32 $0xFFFF8000  }
0x125: {  	[tilespmem:s7], [sflag:$0x1] =	stream.linear.gather [hbm4b:s15+s1], $0x8000, $0x38;
	[tilespmem:$0x19000] =	vst v63  }
0x126: {  	_ =	swait.ge [sflag:s8], $0x8000  }
0x127: {  	[sflag:s8] =	ssyncset.done $0x0  }
0x128: {  	s12 =	simm.s32 $0xFFFFFFF8;
	s13 =	simm.s32 $0x18040;
	[sflag:s8] =	ssyncadd.s32 $0xFFFF8000  }
.LBB2_14:
0x129: {  	v1 =	vld [tilespmem:s13+$0xFFFFFFC0];
	_ =	sdelay $0x4  }
0x12a: {  	v1 =	vadd.s32 $0xFFFD0000, v1  }
0x12b: {  	vm0 =	vlt.u32 v1, $0x8000;
	_ =	sdelay $0x5  }
0x12c: {  	[tilespmem:v1+s1+$0x0] =	vst.idx.msk vm0, v0  }
0x12d: {  	v1 =	vld [tilespmem:s13+$0xFFFFFFD0];
	_ =	sdelay $0x4  }
0x12e: {  	v1 =	vadd.s32 $0xFFFD0000, v1  }
0x12f: {  	vm9 =	vlt.u32 v1, $0x8000;
	_ =	sdelay $0x5  }
0x130: {  	[tilespmem:v1+s1+$0x0] =	vst.idx.msk vm9, v0  }
0x131: {  	v1 =	vld [tilespmem:s13+$0xFFFFFFE0];
	_ =	sdelay $0x4  }
0x132: {  	v1 =	vadd.s32 $0xFFFD0000, v1  }
0x133: {  	vm10 =	vlt.u32 v1, $0x8000;
	_ =	sdelay $0x5  }
0x134: {  	[tilespmem:v1+s1+$0x0] =	vst.idx.msk vm10, v0  }
0x135: {  	v1 =	vld [tilespmem:s13+$0xFFFFFFF0];
	_ =	sdelay $0x4  }
0x136: {  	v1 =	vadd.s32 $0xFFFD0000, v1  }
0x137: {  	vm11 =	vlt.u32 v1, $0x8000;
	_ =	sdelay $0x5  }
0x138: {  	[tilespmem:v1+s1+$0x0] =	vst.idx.msk vm11, v0  }
0x139: {  	v1 =	vld [tilespmem:s13+$0x0];
	_ =	sdelay $0x4  }
0x13a: {  	v1 =	vadd.s32 $0xFFFD0000, v1  }
0x13b: {  	vm12 =	vlt.u32 v1, $0x8000;
	_ =	sdelay $0x5  }
0x13c: {  	[tilespmem:v1+s1+$0x0] =	vst.idx.msk vm12, v0  }
0x13d: {  	v1 =	vld [tilespmem:s13+$0x10];
	_ =	sdelay $0x4  }
0x13e: {  	v1 =	vadd.s32 $0xFFFD0000, v1  }
0x13f: {  	vm13 =	vlt.u32 v1, $0x8000;
	_ =	sdelay $0x5  }
0x140: {  	[tilespmem:v1+s1+$0x0] =	vst.idx.msk vm13, v0  }
0x141: {  	v1 =	vld [tilespmem:s13+$0x20];
	_ =	sdelay $0x4  }
0x142: {  	v1 =	vadd.s32 $0xFFFD0000, v1  }
0x143: {  	vm14 =	vlt.u32 v1, $0x8000;
	_ =	sdelay $0x5  }
0x144: {  	[tilespmem:v1+s1+$0x0] =	vst.idx.msk vm14, v0  }
0x145: {  	v1 =	vld [tilespmem:s13+$0x30];
	_ =	sdelay $0x4  }
0x146: {  	v1 =	vadd.s32 $0xFFFD0000, v1  }
0x147: {  	s12 =	sadd.s32 $0x8, s12;
	vm15 =	vlt.u32 v1, $0x8000  }
0x148: {  	p0 =	slt.u32 s12, $0x78  }
.Ltmp6:
0x149: {  	_ = 	snop;
	(pc) =	sbr.rel @p0 .LBB2_14-.Ltmp6, $2  }
0x14a: {  	_ =	sdelay $0x2  }
0x14b: {  	s13 =	sadd.s32 $0x80, s13;
	[tilespmem:v1+s1+$0x0] =	vst.idx.msk vm15, v0  }
0x14c: {  	[hbm4b:s16+s1] =	stream.linear.scatter [tilespmem:s1], [sflag:$0x2], $0x8000, $0x38;
	[tilespmem:$0x19000] =	vst v63  }
0x14d: {  	_ =	swait.ge [sflag:s10], $0x8000  }
0x14e: {  	[sflag:s10] =	ssyncset.done $0x0  }
0x14f: {  	[sflag:s10] =	ssyncadd.s32 $0xFFFF8000  }
0x150: {  	[tilespmem:s1], [sflag:$0x1] =	stream.linear.gather [hbm4b:s17+s1], $0x8000, $0x38;
	[tilespmem:$0x19000] =	vst v63  }
0x151: {  	_ =	swait.ge [sflag:s8], $0x8000  }
0x152: {  	[sflag:s8] =	ssyncset.done $0x0  }
0x153: {  	s12 =	simm.s32 $0xFFFFFFF8;
	s13 =	simm.s32 $0x18040;
	[sflag:s8] =	ssyncadd.s32 $0xFFFF8000  }
.LBB2_16:
0x154: {  	v1 =	vld [tilespmem:s13+$0xFFFFFFC0];
	_ =	sdelay $0x4  }
0x155: {  	v1 =	vadd.s32 $0xFFFC8000, v1  }
0x156: {  	vm0 =	vlt.u32 v1, $0x8000;
	_ =	sdelay $0x5  }
0x157: {  	[tilespmem:v1+s6+$0x0] =	vst.idx.msk vm0, v0  }
0x158: {  	v1 =	vld [tilespmem:s13+$0xFFFFFFD0];
	_ =	sdelay $0x4  }
0x159: {  	v1 =	vadd.s32 $0xFFFC8000, v1  }
0x15a: {  	vm9 =	vlt.u32 v1, $0x8000;
	_ =	sdelay $0x5  }
0x15b: {  	[tilespmem:v1+s6+$0x0] =	vst.idx.msk vm9, v0  }
0x15c: {  	v1 =	vld [tilespmem:s13+$0xFFFFFFE0];
	_ =	sdelay $0x4  }
0x15d: {  	v1 =	vadd.s32 $0xFFFC8000, v1  }
0x15e: {  	vm10 =	vlt.u32 v1, $0x8000;
	_ =	sdelay $0x5  }
0x15f: {  	[tilespmem:v1+s6+$0x0] =	vst.idx.msk vm10, v0  }
0x160: {  	v1 =	vld [tilespmem:s13+$0xFFFFFFF0];
	_ =	sdelay $0x4  }
0x161: {  	v1 =	vadd.s32 $0xFFFC8000, v1  }
0x162: {  	vm11 =	vlt.u32 v1, $0x8000;
	_ =	sdelay $0x5  }
0x163: {  	[tilespmem:v1+s6+$0x0] =	vst.idx.msk vm11, v0  }
0x164: {  	v1 =	vld [tilespmem:s13+$0x0];
	_ =	sdelay $0x4  }
0x165: {  	v1 =	vadd.s32 $0xFFFC8000, v1  }
0x166: {  	vm12 =	vlt.u32 v1, $0x8000;
	_ =	sdelay $0x5  }
0x167: {  	[tilespmem:v1+s6+$0x0] =	vst.idx.msk vm12, v0  }
0x168: {  	v1 =	vld [tilespmem:s13+$0x10];
	_ =	sdelay $0x4  }
0x169: {  	v1 =	vadd.s32 $0xFFFC8000, v1  }
0x16a: {  	vm13 =	vlt.u32 v1, $0x8000;
	_ =	sdelay $0x5  }
0x16b: {  	[tilespmem:v1+s6+$0x0] =	vst.idx.msk vm13, v0  }
0x16c: {  	v1 =	vld [tilespmem:s13+$0x20];
	_ =	sdelay $0x4  }
0x16d: {  	v1 =	vadd.s32 $0xFFFC8000, v1  }
0x16e: {  	vm14 =	vlt.u32 v1, $0x8000;
	_ =	sdelay $0x5  }
0x16f: {  	[tilespmem:v1+s6+$0x0] =	vst.idx.msk vm14, v0  }
0x170: {  	v1 =	vld [tilespmem:s13+$0x30];
	_ =	sdelay $0x4  }
0x171: {  	v1 =	vadd.s32 $0xFFFC8000, v1  }
0x172: {  	s12 =	sadd.s32 $0x8, s12;
	vm15 =	vlt.u32 v1, $0x8000  }
0x173: {  	p0 =	slt.u32 s12, $0x78  }
.Ltmp7:
0x174: {  	_ = 	snop;
	(pc) =	sbr.rel @p0 .LBB2_16-.Ltmp7, $2  }
0x175: {  	_ =	sdelay $0x2  }
0x176: {  	s13 =	sadd.s32 $0x80, s13;
	[tilespmem:v1+s6+$0x0] =	vst.idx.msk vm15, v0  }
0x177: {  	[hbm4b:s18+s1] =	stream.linear.scatter [tilespmem:s6], [sflag:$0x2], $0x8000, $0x38;
	[tilespmem:$0x19000] =	vst v63  }
0x178: {  	_ =	swait.ge [sflag:s10], $0x8000  }
0x179: {  	[sflag:s10] =	ssyncset.done $0x0  }
0x17a: {  	[sflag:s10] =	ssyncadd.s32 $0xFFFF8000  }
0x17b: {  	[tilespmem:s6], [sflag:$0x1] =	stream.linear.gather [hbm4b:s21+s1], $0x8000, $0x38;
	[tilespmem:$0x19000] =	vst v63  }
0x17c: {  	_ =	swait.ge [sflag:s8], $0x8000  }
0x17d: {  	[sflag:s8] =	ssyncset.done $0x0  }
0x17e: {  	s12 =	simm.s32 $0xFFFFFFF8;
	s13 =	simm.s32 $0x18870;
	[sflag:s8] =	ssyncadd.s32 $0xFFFF8000  }
.LBB2_18:
0x17f: {  	v1 =	vld [tilespmem:s13+$0xFFFFFF90];
	_ =	sdelay $0x4  }
0x180: {  	vm0 =	vlt.u32 v1, $0x8000;
	_ =	sdelay $0x5  }
0x181: {  	[tilespmem:v1+s7+$0x0] =	vst.idx.msk vm0, v0  }
0x182: {  	v1 =	vld [tilespmem:s13+$0xFFFFFFA0];
	_ =	sdelay $0x4  }
0x183: {  	vm9 =	vlt.u32 v1, $0x8000;
	_ =	sdelay $0x5  }
0x184: {  	[tilespmem:v1+s7+$0x0] =	vst.idx.msk vm9, v0  }
0x185: {  	v1 =	vld [tilespmem:s13+$0xFFFFFFB0];
	_ =	sdelay $0x4  }
0x186: {  	vm10 =	vlt.u32 v1, $0x8000;
	_ =	sdelay $0x5  }
0x187: {  	[tilespmem:v1+s7+$0x0] =	vst.idx.msk vm10, v0  }
0x188: {  	v1 =	vld [tilespmem:s13+$0xFFFFFFC0];
	_ =	sdelay $0x4  }
0x189: {  	vm11 =	vlt.u32 v1, $0x8000;
	_ =	sdelay $0x5  }
0x18a: {  	[tilespmem:v1+s7+$0x0] =	vst.idx.msk vm11, v0  }
0x18b: {  	v1 =	vld [tilespmem:s13+$0xFFFFFFD0];
	_ =	sdelay $0x4  }
0x18c: {  	vm12 =	vlt.u32 v1, $0x8000;
	_ =	sdelay $0x5  }
0x18d: {  	[tilespmem:v1+s7+$0x0] =	vst.idx.msk vm12, v0  }
0x18e: {  	v1 =	vld [tilespmem:s13+$0xFFFFFFE0];
	_ =	sdelay $0x4  }
0x18f: {  	vm13 =	vlt.u32 v1, $0x8000;
	_ =	sdelay $0x5  }
0x190: {  	[tilespmem:v1+s7+$0x0] =	vst.idx.msk vm13, v0  }
0x191: {  	v1 =	vld [tilespmem:s13+$0xFFFFFFF0];
	_ =	sdelay $0x4  }
0x192: {  	vm14 =	vlt.u32 v1, $0x8000;
	_ =	sdelay $0x5  }
0x193: {  	[tilespmem:v1+s7+$0x0] =	vst.idx.msk vm14, v0  }
0x194: {  	v1 =	vld [tilespmem:s13+$0x0];
	_ =	sdelay $0x4  }
0x195: {  	s12 =	sadd.s32 $0x8, s12;
	vm15 =	vlt.u32 v1, $0x8000  }
0x196: {  	p0 =	slt.u32 s12, $0x78  }
.Ltmp8:
0x197: {  	_ = 	snop;
	(pc) =	sbr.rel @p0 .LBB2_18-.Ltmp8, $2  }
0x198: {  	_ =	sdelay $0x2  }
0x199: {  	s13 =	sadd.s32 $0x80, s13;
	[tilespmem:v1+s7+$0x0] =	vst.idx.msk vm15, v0  }
0x19a: {  	[hbm4b:s19+s1] =	stream.linear.scatter [tilespmem:s7], [sflag:$0x2], $0x8000, $0x38;
	[tilespmem:$0x19000] =	vst v63  }
0x19b: {  	_ =	swait.ge [sflag:s10], $0x8000  }
0x19c: {  	[sflag:s10] =	ssyncset.done $0x0  }
0x19d: {  	[sflag:s10] =	ssyncadd.s32 $0xFFFF8000  }
0x19e: {  	[tilespmem:s7], [sflag:$0x1] =	stream.linear.gather [hbm4b:s23+s1], $0x8000, $0x38;
	[tilespmem:$0x19000] =	vst v63  }
0x19f: {  	_ =	swait.ge [sflag:s8], $0x8000  }
0x1a0: {  	[sflag:s8] =	ssyncset.done $0x0  }
0x1a1: {  	s12 =	simm.s32 $0xFFFFFFF8;
	s13 =	simm.s32 $0x18870;
	[sflag:s8] =	ssyncadd.s32 $0xFFFF8000  }
.LBB2_20:
0x1a2: {  	v1 =	vld [tilespmem:s13+$0xFFFFFF90];
	_ =	sdelay $0x4  }
0x1a3: {  	v1 =	vadd.s32 $0xFFFF8000, v1  }
0x1a4: {  	vm0 =	vlt.u32 v1, $0x8000;
	_ =	sdelay $0x5  }
0x1a5: {  	[tilespmem:v1+s1+$0x0] =	vst.idx.msk vm0, v0  }
0x1a6: {  	v1 =	vld [tilespmem:s13+$0xFFFFFFA0];
	_ =	sdelay $0x4  }
0x1a7: {  	v1 =	vadd.s32 $0xFFFF8000, v1  }
0x1a8: {  	vm9 =	vlt.u32 v1, $0x8000;
	_ =	sdelay $0x5  }
0x1a9: {  	[tilespmem:v1+s1+$0x0] =	vst.idx.msk vm9, v0  }
0x1aa: {  	v1 =	vld [tilespmem:s13+$0xFFFFFFB0];
	_ =	sdelay $0x4  }
0x1ab: {  	v1 =	vadd.s32 $0xFFFF8000, v1  }
0x1ac: {  	vm10 =	vlt.u32 v1, $0x8000;
	_ =	sdelay $0x5  }
0x1ad: {  	[tilespmem:v1+s1+$0x0] =	vst.idx.msk vm10, v0  }
0x1ae: {  	v1 =	vld [tilespmem:s13+$0xFFFFFFC0];
	_ =	sdelay $0x4  }
0x1af: {  	v1 =	vadd.s32 $0xFFFF8000, v1  }
0x1b0: {  	vm11 =	vlt.u32 v1, $0x8000;
	_ =	sdelay $0x5  }
0x1b1: {  	[tilespmem:v1+s1+$0x0] =	vst.idx.msk vm11, v0  }
0x1b2: {  	v1 =	vld [tilespmem:s13+$0xFFFFFFD0];
	_ =	sdelay $0x4  }
0x1b3: {  	v1 =	vadd.s32 $0xFFFF8000, v1  }
0x1b4: {  	vm12 =	vlt.u32 v1, $0x8000;
	_ =	sdelay $0x5  }
0x1b5: {  	[tilespmem:v1+s1+$0x0] =	vst.idx.msk vm12, v0  }
0x1b6: {  	v1 =	vld [tilespmem:s13+$0xFFFFFFE0];
	_ =	sdelay $0x4  }
0x1b7: {  	v1 =	vadd.s32 $0xFFFF8000, v1  }
0x1b8: {  	vm13 =	vlt.u32 v1, $0x8000;
	_ =	sdelay $0x5  }
0x1b9: {  	[tilespmem:v1+s1+$0x0] =	vst.idx.msk vm13, v0  }
0x1ba: {  	v1 =	vld [tilespmem:s13+$0xFFFFFFF0];
	_ =	sdelay $0x4  }
0x1bb: {  	v1 =	vadd.s32 $0xFFFF8000, v1  }
0x1bc: {  	vm14 =	vlt.u32 v1, $0x8000;
	_ =	sdelay $0x5  }
0x1bd: {  	[tilespmem:v1+s1+$0x0] =	vst.idx.msk vm14, v0  }
0x1be: {  	v1 =	vld [tilespmem:s13+$0x0];
	_ =	sdelay $0x4  }
0x1bf: {  	v1 =	vadd.s32 $0xFFFF8000, v1  }
0x1c0: {  	s12 =	sadd.s32 $0x8, s12;
	vm15 =	vlt.u32 v1, $0x8000  }
0x1c1: {  	p0 =	slt.u32 s12, $0x78  }
.Ltmp9:
0x1c2: {  	_ = 	snop;
	(pc) =	sbr.rel @p0 .LBB2_20-.Ltmp9, $2  }
0x1c3: {  	_ =	sdelay $0x2  }
0x1c4: {  	s13 =	sadd.s32 $0x80, s13;
	[tilespmem:v1+s1+$0x0] =	vst.idx.msk vm15, v0  }
0x1c5: {  	[hbm4b:s20+s1] =	stream.linear.scatter [tilespmem:s1], [sflag:$0x2], $0x8000, $0x38;
	[tilespmem:$0x19000] =	vst v63  }
0x1c6: {  	_ =	swait.ge [sflag:s10], $0x8000  }
0x1c7: {  	[sflag:s10] =	ssyncset.done $0x0  }
0x1c8: {  	[sflag:s10] =	ssyncadd.s32 $0xFFFF8000  }
0x1c9: {  	[tilespmem:s1], [sflag:$0x1] =	stream.linear.gather [hbm4b:s25+s1], $0x8000, $0x38;
	[tilespmem:$0x19000] =	vst v63  }
0x1ca: {  	_ =	swait.ge [sflag:s8], $0x8000  }
0x1cb: {  	[sflag:s8] =	ssyncset.done $0x0  }
0x1cc: {  	s12 =	simm.s32 $0xFFFFFFF8;
	s13 =	simm.s32 $0x18870;
	[sflag:s8] =	ssyncadd.s32 $0xFFFF8000  }
.LBB2_22:
0x1cd: {  	v1 =	vld [tilespmem:s13+$0xFFFFFF90];
	_ =	sdelay $0x4  }
0x1ce: {  	v1 =	vadd.s32 $0xFFFF0000, v1  }
0x1cf: {  	vm0 =	vlt.u32 v1, $0x8000;
	_ =	sdelay $0x5  }
0x1d0: {  	[tilespmem:v1+s6+$0x0] =	vst.idx.msk vm0, v0  }
0x1d1: {  	v1 =	vld [tilespmem:s13+$0xFFFFFFA0];
	_ =	sdelay $0x4  }
0x1d2: {  	v1 =	vadd.s32 $0xFFFF0000, v1  }
0x1d3: {  	vm9 =	vlt.u32 v1, $0x8000;
	_ =	sdelay $0x5  }
0x1d4: {  	[tilespmem:v1+s6+$0x0] =	vst.idx.msk vm9, v0  }
0x1d5: {  	v1 =	vld [tilespmem:s13+$0xFFFFFFB0];
	_ =	sdelay $0x4  }
0x1d6: {  	v1 =	vadd.s32 $0xFFFF0000, v1  }
0x1d7: {  	vm10 =	vlt.u32 v1, $0x8000;
	_ =	sdelay $0x5  }
0x1d8: {  	[tilespmem:v1+s6+$0x0] =	vst.idx.msk vm10, v0  }
0x1d9: {  	v1 =	vld [tilespmem:s13+$0xFFFFFFC0];
	_ =	sdelay $0x4  }
0x1da: {  	v1 =	vadd.s32 $0xFFFF0000, v1  }
0x1db: {  	vm11 =	vlt.u32 v1, $0x8000;
	_ =	sdelay $0x5  }
0x1dc: {  	[tilespmem:v1+s6+$0x0] =	vst.idx.msk vm11, v0  }
0x1dd: {  	v1 =	vld [tilespmem:s13+$0xFFFFFFD0];
	_ =	sdelay $0x4  }
0x1de: {  	v1 =	vadd.s32 $0xFFFF0000, v1  }
0x1df: {  	vm12 =	vlt.u32 v1, $0x8000;
	_ =	sdelay $0x5  }
0x1e0: {  	[tilespmem:v1+s6+$0x0] =	vst.idx.msk vm12, v0  }
0x1e1: {  	v1 =	vld [tilespmem:s13+$0xFFFFFFE0];
	_ =	sdelay $0x4  }
0x1e2: {  	v1 =	vadd.s32 $0xFFFF0000, v1  }
0x1e3: {  	vm13 =	vlt.u32 v1, $0x8000;
	_ =	sdelay $0x5  }
0x1e4: {  	[tilespmem:v1+s6+$0x0] =	vst.idx.msk vm13, v0  }
0x1e5: {  	v1 =	vld [tilespmem:s13+$0xFFFFFFF0];
	_ =	sdelay $0x4  }
0x1e6: {  	v1 =	vadd.s32 $0xFFFF0000, v1  }
0x1e7: {  	vm14 =	vlt.u32 v1, $0x8000;
	_ =	sdelay $0x5  }
0x1e8: {  	[tilespmem:v1+s6+$0x0] =	vst.idx.msk vm14, v0  }
0x1e9: {  	v1 =	vld [tilespmem:s13+$0x0];
	_ =	sdelay $0x4  }
0x1ea: {  	v1 =	vadd.s32 $0xFFFF0000, v1  }
0x1eb: {  	s12 =	sadd.s32 $0x8, s12;
	vm15 =	vlt.u32 v1, $0x8000  }
0x1ec: {  	p0 =	slt.u32 s12, $0x78  }
.Ltmp10:
0x1ed: {  	_ = 	snop;
	(pc) =	sbr.rel @p0 .LBB2_22-.Ltmp10, $2  }
0x1ee: {  	_ =	sdelay $0x2  }
0x1ef: {  	s13 =	sadd.s32 $0x80, s13;
	[tilespmem:v1+s6+$0x0] =	vst.idx.msk vm15, v0  }
0x1f0: {  	[hbm4b:s22+s1] =	stream.linear.scatter [tilespmem:s6], [sflag:$0x2], $0x8000, $0x38;
	[tilespmem:$0x19000] =	vst v63  }
0x1f1: {  	_ =	swait.ge [sflag:s10], $0x8000  }
0x1f2: {  	[sflag:s10] =	ssyncset.done $0x0  }
0x1f3: {  	[sflag:s10] =	ssyncadd.s32 $0xFFFF8000  }
0x1f4: {  	[tilespmem:s6], [sflag:$0x1] =	stream.linear.gather [hbm4b:s31+s1], $0x8000, $0x38;
	[tilespmem:$0x19000] =	vst v63  }
0x1f5: {  	_ =	swait.ge [sflag:s8], $0x8000  }
0x1f6: {  	[sflag:s8] =	ssyncset.done $0x0  }
0x1f7: {  	s12 =	simm.s32 $0xFFFFFFF8;
	s13 =	simm.s32 $0x18870;
	[sflag:s8] =	ssyncadd.s32 $0xFFFF8000  }
.LBB2_24:
0x1f8: {  	v1 =	vld [tilespmem:s13+$0xFFFFFF90];
	_ =	sdelay $0x4  }
0x1f9: {  	v1 =	vadd.s32 $0xFFFE8000, v1  }
0x1fa: {  	vm0 =	vlt.u32 v1, $0x8000;
	_ =	sdelay $0x5  }
0x1fb: {  	[tilespmem:v1+s7+$0x0] =	vst.idx.msk vm0, v0  }
0x1fc: {  	v1 =	vld [tilespmem:s13+$0xFFFFFFA0];
	_ =	sdelay $0x4  }
0x1fd: {  	v1 =	vadd.s32 $0xFFFE8000, v1  }
0x1fe: {  	vm9 =	vlt.u32 v1, $0x8000;
	_ =	sdelay $0x5  }
0x1ff: {  	[tilespmem:v1+s7+$0x0] =	vst.idx.msk vm9, v0  }
0x200: {  	v1 =	vld [tilespmem:s13+$0xFFFFFFB0];
	_ =	sdelay $0x4  }
0x201: {  	v1 =	vadd.s32 $0xFFFE8000, v1  }
0x202: {  	vm10 =	vlt.u32 v1, $0x8000;
	_ =	sdelay $0x5  }
0x203: {  	[tilespmem:v1+s7+$0x0] =	vst.idx.msk vm10, v0  }
0x204: {  	v1 =	vld [tilespmem:s13+$0xFFFFFFC0];
	_ =	sdelay $0x4  }
0x205: {  	v1 =	vadd.s32 $0xFFFE8000, v1  }
0x206: {  	vm11 =	vlt.u32 v1, $0x8000;
	_ =	sdelay $0x5  }
0x207: {  	[tilespmem:v1+s7+$0x0] =	vst.idx.msk vm11, v0  }
0x208: {  	v1 =	vld [tilespmem:s13+$0xFFFFFFD0];
	_ =	sdelay $0x4  }
0x209: {  	v1 =	vadd.s32 $0xFFFE8000, v1  }
0x20a: {  	vm12 =	vlt.u32 v1, $0x8000;
	_ =	sdelay $0x5  }
0x20b: {  	[tilespmem:v1+s7+$0x0] =	vst.idx.msk vm12, v0  }
0x20c: {  	v1 =	vld [tilespmem:s13+$0xFFFFFFE0];
	_ =	sdelay $0x4  }
0x20d: {  	v1 =	vadd.s32 $0xFFFE8000, v1  }
0x20e: {  	vm13 =	vlt.u32 v1, $0x8000;
	_ =	sdelay $0x5  }
0x20f: {  	[tilespmem:v1+s7+$0x0] =	vst.idx.msk vm13, v0  }
0x210: {  	v1 =	vld [tilespmem:s13+$0xFFFFFFF0];
	_ =	sdelay $0x4  }
0x211: {  	v1 =	vadd.s32 $0xFFFE8000, v1  }
0x212: {  	vm14 =	vlt.u32 v1, $0x8000;
	_ =	sdelay $0x5  }
0x213: {  	[tilespmem:v1+s7+$0x0] =	vst.idx.msk vm14, v0  }
0x214: {  	v1 =	vld [tilespmem:s13+$0x0];
	_ =	sdelay $0x4  }
0x215: {  	v1 =	vadd.s32 $0xFFFE8000, v1  }
0x216: {  	s12 =	sadd.s32 $0x8, s12;
	vm15 =	vlt.u32 v1, $0x8000  }
0x217: {  	p0 =	slt.u32 s12, $0x78  }
.Ltmp11:
0x218: {  	_ = 	snop;
	(pc) =	sbr.rel @p0 .LBB2_24-.Ltmp11, $2  }
0x219: {  	_ =	sdelay $0x2  }
0x21a: {  	s13 =	sadd.s32 $0x80, s13;
	[tilespmem:v1+s7+$0x0] =	vst.idx.msk vm15, v0  }
0x21b: {  	[hbm4b:s24+s1] =	stream.linear.scatter [tilespmem:s7], [sflag:$0x2], $0x8000, $0x38;
	[tilespmem:$0x19000] =	vst v63  }
0x21c: {  	_ =	swait.ge [sflag:s10], $0x8000  }
0x21d: {  	[sflag:s10] =	ssyncset.done $0x0  }
0x21e: {  	[sflag:s10] =	ssyncadd.s32 $0xFFFF8000  }
0x21f: {  	[tilespmem:s7], [sflag:$0x1] =	stream.linear.gather [hbm4b:s30+s1], $0x8000, $0x38;
	[tilespmem:$0x19000] =	vst v63  }
0x220: {  	_ =	swait.ge [sflag:s8], $0x8000  }
0x221: {  	[sflag:s8] =	ssyncset.done $0x0  }
0x222: {  	s12 =	simm.s32 $0xFFFFFFF8;
	s13 =	simm.s32 $0x18870;
	[sflag:s8] =	ssyncadd.s32 $0xFFFF8000  }
.LBB2_26:
0x223: {  	v1 =	vld [tilespmem:s13+$0xFFFFFF90];
	_ =	sdelay $0x4  }
0x224: {  	v1 =	vadd.s32 $0xFFFE0000, v1  }
0x225: {  	vm0 =	vlt.u32 v1, $0x8000;
	_ =	sdelay $0x5  }
0x226: {  	[tilespmem:v1+s1+$0x0] =	vst.idx.msk vm0, v0  }
0x227: {  	v1 =	vld [tilespmem:s13+$0xFFFFFFA0];
	_ =	sdelay $0x4  }
0x228: {  	v1 =	vadd.s32 $0xFFFE0000, v1  }
0x229: {  	vm9 =	vlt.u32 v1, $0x8000;
	_ =	sdelay $0x5  }
0x22a: {  	[tilespmem:v1+s1+$0x0] =	vst.idx.msk vm9, v0  }
0x22b: {  	v1 =	vld [tilespmem:s13+$0xFFFFFFB0];
	_ =	sdelay $0x4  }
0x22c: {  	v1 =	vadd.s32 $0xFFFE0000, v1  }
0x22d: {  	vm10 =	vlt.u32 v1, $0x8000;
	_ =	sdelay $0x5  }
0x22e: {  	[tilespmem:v1+s1+$0x0] =	vst.idx.msk vm10, v0  }
0x22f: {  	v1 =	vld [tilespmem:s13+$0xFFFFFFC0];
	_ =	sdelay $0x4  }
0x230: {  	v1 =	vadd.s32 $0xFFFE0000, v1  }
0x231: {  	vm11 =	vlt.u32 v1, $0x8000;
	_ =	sdelay $0x5  }
0x232: {  	[tilespmem:v1+s1+$0x0] =	vst.idx.msk vm11, v0  }
0x233: {  	v1 =	vld [tilespmem:s13+$0xFFFFFFD0];
	_ =	sdelay $0x4  }
0x234: {  	v1 =	vadd.s32 $0xFFFE0000, v1  }
0x235: {  	vm12 =	vlt.u32 v1, $0x8000;
	_ =	sdelay $0x5  }
0x236: {  	[tilespmem:v1+s1+$0x0] =	vst.idx.msk vm12, v0  }
0x237: {  	v1 =	vld [tilespmem:s13+$0xFFFFFFE0];
	_ =	sdelay $0x4  }
0x238: {  	v1 =	vadd.s32 $0xFFFE0000, v1  }
0x239: {  	vm13 =	vlt.u32 v1, $0x8000;
	_ =	sdelay $0x5  }
0x23a: {  	[tilespmem:v1+s1+$0x0] =	vst.idx.msk vm13, v0  }
0x23b: {  	v1 =	vld [tilespmem:s13+$0xFFFFFFF0];
	_ =	sdelay $0x4  }
0x23c: {  	v1 =	vadd.s32 $0xFFFE0000, v1  }
0x23d: {  	vm14 =	vlt.u32 v1, $0x8000;
	_ =	sdelay $0x5  }
0x23e: {  	[tilespmem:v1+s1+$0x0] =	vst.idx.msk vm14, v0  }
0x23f: {  	v1 =	vld [tilespmem:s13+$0x0];
	_ =	sdelay $0x4  }
0x240: {  	v1 =	vadd.s32 $0xFFFE0000, v1  }
0x241: {  	s12 =	sadd.s32 $0x8, s12;
	vm15 =	vlt.u32 v1, $0x8000  }
0x242: {  	p0 =	slt.u32 s12, $0x78  }
.Ltmp12:
0x243: {  	_ = 	snop;
	(pc) =	sbr.rel @p0 .LBB2_26-.Ltmp12, $2  }
0x244: {  	_ =	sdelay $0x2  }
0x245: {  	s13 =	sadd.s32 $0x80, s13;
	[tilespmem:v1+s1+$0x0] =	vst.idx.msk vm15, v0  }
0x246: {  	[hbm4b:s26+s1] =	stream.linear.scatter [tilespmem:s1], [sflag:$0x2], $0x8000, $0x38;
	[tilespmem:$0x19000] =	vst v63  }
0x247: {  	_ =	swait.ge [sflag:s10], $0x8000  }
0x248: {  	[sflag:s10] =	ssyncset.done $0x0  }
0x249: {  	[sflag:s10] =	ssyncadd.s32 $0xFFFF8000  }
0x24a: {  	[tilespmem:s1], [sflag:$0x1] =	stream.linear.gather [hbm4b:s0+s1], $0x8000, $0x38;
	[tilespmem:$0x19000] =	vst v63  }
0x24b: {  	_ =	swait.ge [sflag:s8], $0x8000  }
0x24c: {  	[sflag:s8] =	ssyncset.done $0x0  }
0x24d: {  	s12 =	simm.s32 $0xFFFFFFF8;
	s13 =	simm.s32 $0x18870;
	[sflag:s8] =	ssyncadd.s32 $0xFFFF8000  }
.LBB2_28:
0x24e: {  	v1 =	vld [tilespmem:s13+$0xFFFFFF90];
	_ =	sdelay $0x4  }
0x24f: {  	v1 =	vadd.s32 $0xFFFD8000, v1  }
0x250: {  	vm0 =	vlt.u32 v1, $0x8000;
	_ =	sdelay $0x5  }
0x251: {  	[tilespmem:v1+s6+$0x0] =	vst.idx.msk vm0, v0  }
0x252: {  	v1 =	vld [tilespmem:s13+$0xFFFFFFA0];
	_ =	sdelay $0x4  }
0x253: {  	v1 =	vadd.s32 $0xFFFD8000, v1  }
0x254: {  	vm9 =	vlt.u32 v1, $0x8000;
	_ =	sdelay $0x5  }
0x255: {  	[tilespmem:v1+s6+$0x0] =	vst.idx.msk vm9, v0  }
0x256: {  	v1 =	vld [tilespmem:s13+$0xFFFFFFB0];
	_ =	sdelay $0x4  }
0x257: {  	v1 =	vadd.s32 $0xFFFD8000, v1  }
0x258: {  	vm10 =	vlt.u32 v1, $0x8000;
	_ =	sdelay $0x5  }
0x259: {  	[tilespmem:v1+s6+$0x0] =	vst.idx.msk vm10, v0  }
0x25a: {  	v1 =	vld [tilespmem:s13+$0xFFFFFFC0];
	_ =	sdelay $0x4  }
0x25b: {  	v1 =	vadd.s32 $0xFFFD8000, v1  }
0x25c: {  	vm11 =	vlt.u32 v1, $0x8000;
	_ =	sdelay $0x5  }
0x25d: {  	[tilespmem:v1+s6+$0x0] =	vst.idx.msk vm11, v0  }
0x25e: {  	v1 =	vld [tilespmem:s13+$0xFFFFFFD0];
	_ =	sdelay $0x4  }
0x25f: {  	v1 =	vadd.s32 $0xFFFD8000, v1  }
0x260: {  	vm12 =	vlt.u32 v1, $0x8000;
	_ =	sdelay $0x5  }
0x261: {  	[tilespmem:v1+s6+$0x0] =	vst.idx.msk vm12, v0  }
0x262: {  	v1 =	vld [tilespmem:s13+$0xFFFFFFE0];
	_ =	sdelay $0x4  }
0x263: {  	v1 =	vadd.s32 $0xFFFD8000, v1  }
0x264: {  	vm13 =	vlt.u32 v1, $0x8000;
	_ =	sdelay $0x5  }
0x265: {  	[tilespmem:v1+s6+$0x0] =	vst.idx.msk vm13, v0  }
0x266: {  	v1 =	vld [tilespmem:s13+$0xFFFFFFF0];
	_ =	sdelay $0x4  }
0x267: {  	v1 =	vadd.s32 $0xFFFD8000, v1  }
0x268: {  	vm14 =	vlt.u32 v1, $0x8000;
	_ =	sdelay $0x5  }
0x269: {  	[tilespmem:v1+s6+$0x0] =	vst.idx.msk vm14, v0  }
0x26a: {  	v1 =	vld [tilespmem:s13+$0x0];
	_ =	sdelay $0x4  }
0x26b: {  	v1 =	vadd.s32 $0xFFFD8000, v1  }
0x26c: {  	s12 =	sadd.s32 $0x8, s12;
	vm15 =	vlt.u32 v1, $0x8000  }
0x26d: {  	p0 =	slt.u32 s12, $0x78  }
.Ltmp13:
0x26e: {  	_ = 	snop;
	(pc) =	sbr.rel @p0 .LBB2_28-.Ltmp13, $2  }
0x26f: {  	_ =	sdelay $0x2  }
0x270: {  	s13 =	sadd.s32 $0x80, s13;
	[tilespmem:v1+s6+$0x0] =	vst.idx.msk vm15, v0  }
0x271: {  	[hbm4b:s2+s1] =	stream.linear.scatter [tilespmem:s6], [sflag:$0x2], $0x8000, $0x38;
	[tilespmem:$0x19000] =	vst v63  }
0x272: {  	_ =	swait.ge [sflag:s8], $0x8000  }
0x273: {  	[sflag:s8] =	ssyncset.done $0x0  }
0x274: {  	s12 =	simm.s32 $0xFFFFFFF8;
	s13 =	simm.s32 $0x18870;
	[sflag:s8] =	ssyncadd.s32 $0xFFFF8000  }
.LBB2_30:
0x275: {  	v1 =	vld [tilespmem:s13+$0xFFFFFF90];
	_ =	sdelay $0x4  }
0x276: {  	v1 =	vadd.s32 $0xFFFD0000, v1  }
0x277: {  	vm0 =	vlt.u32 v1, $0x8000;
	_ =	sdelay $0x5  }
0x278: {  	[tilespmem:v1+s7+$0x0] =	vst.idx.msk vm0, v0  }
0x279: {  	v1 =	vld [tilespmem:s13+$0xFFFFFFA0];
	_ =	sdelay $0x4  }
0x27a: {  	v1 =	vadd.s32 $0xFFFD0000, v1  }
0x27b: {  	vm9 =	vlt.u32 v1, $0x8000;
	_ =	sdelay $0x5  }
0x27c: {  	[tilespmem:v1+s7+$0x0] =	vst.idx.msk vm9, v0  }
0x27d: {  	v1 =	vld [tilespmem:s13+$0xFFFFFFB0];
	_ =	sdelay $0x4  }
0x27e: {  	v1 =	vadd.s32 $0xFFFD0000, v1  }
0x27f: {  	vm10 =	vlt.u32 v1, $0x8000;
	_ =	sdelay $0x5  }
0x280: {  	[tilespmem:v1+s7+$0x0] =	vst.idx.msk vm10, v0  }
0x281: {  	v1 =	vld [tilespmem:s13+$0xFFFFFFC0];
	_ =	sdelay $0x4  }
0x282: {  	v1 =	vadd.s32 $0xFFFD0000, v1  }
0x283: {  	vm11 =	vlt.u32 v1, $0x8000;
	_ =	sdelay $0x5  }
0x284: {  	[tilespmem:v1+s7+$0x0] =	vst.idx.msk vm11, v0  }
0x285: {  	v1 =	vld [tilespmem:s13+$0xFFFFFFD0];
	_ =	sdelay $0x4  }
0x286: {  	v1 =	vadd.s32 $0xFFFD0000, v1  }
0x287: {  	vm12 =	vlt.u32 v1, $0x8000;
	_ =	sdelay $0x5  }
0x288: {  	[tilespmem:v1+s7+$0x0] =	vst.idx.msk vm12, v0  }
0x289: {  	v1 =	vld [tilespmem:s13+$0xFFFFFFE0];
	_ =	sdelay $0x4  }
0x28a: {  	v1 =	vadd.s32 $0xFFFD0000, v1  }
0x28b: {  	vm13 =	vlt.u32 v1, $0x8000;
	_ =	sdelay $0x5  }
0x28c: {  	[tilespmem:v1+s7+$0x0] =	vst.idx.msk vm13, v0  }
0x28d: {  	v1 =	vld [tilespmem:s13+$0xFFFFFFF0];
	_ =	sdelay $0x4  }
0x28e: {  	v1 =	vadd.s32 $0xFFFD0000, v1  }
0x28f: {  	vm14 =	vlt.u32 v1, $0x8000;
	_ =	sdelay $0x5  }
0x290: {  	[tilespmem:v1+s7+$0x0] =	vst.idx.msk vm14, v0  }
0x291: {  	v1 =	vld [tilespmem:s13+$0x0];
	_ =	sdelay $0x4  }
0x292: {  	v1 =	vadd.s32 $0xFFFD0000, v1  }
0x293: {  	s12 =	sadd.s32 $0x8, s12;
	vm15 =	vlt.u32 v1, $0x8000  }
0x294: {  	p0 =	slt.u32 s12, $0x78  }
.Ltmp14:
0x295: {  	_ = 	snop;
	(pc) =	sbr.rel @p0 .LBB2_30-.Ltmp14, $2  }
0x296: {  	_ =	sdelay $0x2  }
0x297: {  	s13 =	sadd.s32 $0x80, s13;
	[tilespmem:v1+s7+$0x0] =	vst.idx.msk vm15, v0  }
0x298: {  	[hbm4b:s3+s1] =	stream.linear.scatter [tilespmem:s7], [sflag:$0x2], $0x8000, $0x38;
	[tilespmem:$0x19000] =	vst v63  }
0x299: {  	_ =	swait.ge [sflag:s8], $0x8000  }
0x29a: {  	[sflag:s8] =	ssyncset.done $0x0  }
0x29b: {  	s12 =	simm.s32 $0xFFFFFFF8;
	s13 =	simm.s32 $0x18870;
	[sflag:s8] =	ssyncadd.s32 $0xFFFF8000  }
.LBB2_32:
0x29c: {  	v1 =	vld [tilespmem:s13+$0xFFFFFF90];
	_ =	sdelay $0x4  }
0x29d: {  	v1 =	vadd.s32 $0xFFFC8000, v1  }
0x29e: {  	vm0 =	vlt.u32 v1, $0x8000;
	_ =	sdelay $0x5  }
0x29f: {  	[tilespmem:v1+s1+$0x0] =	vst.idx.msk vm0, v0  }
0x2a0: {  	v1 =	vld [tilespmem:s13+$0xFFFFFFA0];
	_ =	sdelay $0x4  }
0x2a1: {  	v1 =	vadd.s32 $0xFFFC8000, v1  }
0x2a2: {  	vm9 =	vlt.u32 v1, $0x8000;
	_ =	sdelay $0x5  }
0x2a3: {  	[tilespmem:v1+s1+$0x0] =	vst.idx.msk vm9, v0  }
0x2a4: {  	v1 =	vld [tilespmem:s13+$0xFFFFFFB0];
	_ =	sdelay $0x4  }
0x2a5: {  	v1 =	vadd.s32 $0xFFFC8000, v1  }
0x2a6: {  	vm10 =	vlt.u32 v1, $0x8000;
	_ =	sdelay $0x5  }
0x2a7: {  	[tilespmem:v1+s1+$0x0] =	vst.idx.msk vm10, v0  }
0x2a8: {  	v1 =	vld [tilespmem:s13+$0xFFFFFFC0];
	_ =	sdelay $0x4  }
0x2a9: {  	v1 =	vadd.s32 $0xFFFC8000, v1  }
0x2aa: {  	vm11 =	vlt.u32 v1, $0x8000;
	_ =	sdelay $0x5  }
0x2ab: {  	[tilespmem:v1+s1+$0x0] =	vst.idx.msk vm11, v0  }
0x2ac: {  	v1 =	vld [tilespmem:s13+$0xFFFFFFD0];
	_ =	sdelay $0x4  }
0x2ad: {  	v1 =	vadd.s32 $0xFFFC8000, v1  }
0x2ae: {  	vm12 =	vlt.u32 v1, $0x8000;
	_ =	sdelay $0x5  }
0x2af: {  	[tilespmem:v1+s1+$0x0] =	vst.idx.msk vm12, v0  }
0x2b0: {  	v1 =	vld [tilespmem:s13+$0xFFFFFFE0];
	_ =	sdelay $0x4  }
0x2b1: {  	v1 =	vadd.s32 $0xFFFC8000, v1  }
0x2b2: {  	vm13 =	vlt.u32 v1, $0x8000;
	_ =	sdelay $0x5  }
0x2b3: {  	[tilespmem:v1+s1+$0x0] =	vst.idx.msk vm13, v0  }
0x2b4: {  	v1 =	vld [tilespmem:s13+$0xFFFFFFF0];
	_ =	sdelay $0x4  }
0x2b5: {  	v1 =	vadd.s32 $0xFFFC8000, v1  }
0x2b6: {  	vm14 =	vlt.u32 v1, $0x8000;
	_ =	sdelay $0x5  }
0x2b7: {  	[tilespmem:v1+s1+$0x0] =	vst.idx.msk vm14, v0  }
0x2b8: {  	v1 =	vld [tilespmem:s13+$0x0];
	_ =	sdelay $0x4  }
0x2b9: {  	v1 =	vadd.s32 $0xFFFC8000, v1  }
0x2ba: {  	s12 =	sadd.s32 $0x8, s12;
	vm15 =	vlt.u32 v1, $0x8000  }
0x2bb: {  	p0 =	slt.u32 s12, $0x78  }
.Ltmp15:
0x2bc: {  	_ = 	snop;
	(pc) =	sbr.rel @p0 .LBB2_32-.Ltmp15, $2  }
0x2bd: {  	_ =	sdelay $0x2  }
0x2be: {  	s13 =	sadd.s32 $0x80, s13;
	[tilespmem:v1+s1+$0x0] =	vst.idx.msk vm15, v0  }
0x2bf: {  	[hbm4b:s4+s1] =	stream.linear.scatter [tilespmem:s1], [sflag:$0x2], $0x8000, $0x38;
	[tilespmem:$0x19000] =	vst v63  }
0x2c0: {  	_ =	swait.ge [sflag:s10], $0x8000  }
0x2c1: {  	[sflag:s10] =	ssyncset.done $0x0  }
0x2c2: {  	s11 =	sadd.s32 $0x1, s11;
	[sflag:s10] =	ssyncadd.s32 $0xFFFF8000  }
0x2c3: {  	p0 =	sne.s32 s11, s5;
	_ =	swait.ge [sflag:s10], $0x8000  }
.Ltmp16:
0x2c4: {  	[sflag:s10] =	ssyncset.done $0x0;
	(pc) =	sbr.rel @p0 .LBB2_1-.Ltmp16, $4  }
0x2c5: {  	[sflag:s10] =	ssyncadd.s32 $0xFFFF8000  }
0x2c6: {  	_ =	swait.ge [sflag:s10], $0x8000  }
0x2c7: {  	[sflag:s10] =	ssyncset.done $0x0  }
0x2c8: {  	[sflag:s10] =	ssyncadd.s32 $0xFFFF8000  }
0x2c9: {  	_ =	sfence.sel $0x180000  }
0x2ca: {  	[bflag:$0x0] =	sbarrier.arrive $0xFFFF  }
0x2cb: {  	_ =	strace $0x90000047  }
0x2cc: {  	s0 =	stileid.u32;
	[bflag:$0x2] =	sbarrier.arrive $0xFFFF  }
0x2cd: {  	p0 =	sne.s32 s0, $0x0;
	s0 =	rddreg [dreg:$0x3]  }
0x2ce: {  	s0 =	sadd.s32 @!p0 $0x100000, s0  }
0x2cf: {  	[sflag:s0] =	ssyncadd.tile.s32 @!p0 $0x1;
	_ =	shalt  }
.Lfunc_end2:
_tile_overlayer_lowered:
.L_overlay_start_2:
0x2d0: {  	(tag) =	ssettag $0x2  }
0x2d1: {  	s0 =	rddreg [dreg:$0x0];
	s2 =	stileid.u32  }
0x2d2: {  	s1 =	rddreg [dreg:$0x1];
	p0 =	sne.s32 s2, $0x0  }
0x2d3: {  	s3 =	rddreg [dreg:$0x2];
	[bflag:$0x3] =	sbarrier.arrive $0xFFFF;
	s2 =	simm.s32 @!p0 $0x1C04  }
0x2d4: {  	[timem:s3], [sflag:s2] =	dma.local @!p0 [hbm:s0], s1  }
0x2d5: {  	s0 =	simm.s32 @!p0 $0x4  }
0x2d6: {  	_ =	swait.ge @!p0 [sflag:s0], s1  }
0x2d7: {  	s1 =	ssub.s32 @!p0 $0x0, s1;
	[sflag:s0] =	ssyncset.done @!p0 $0x0  }
0x2d8: {  	[sflag:s0] =	ssyncadd.s32 @!p0 s1  }
0x2d9: {  	[bflag:$0x3] =	sbarrier.arrive $0xFFFF  }
0x2da: {  	_ =	shalt  }

</sc_bundles>
